<compile_context>
chip_gen: v7x
topology: tpu7x:2x2x1
jax: 0.10.2.dev20260603
libtpu: 0.0.44.dev20260713+nightly
codegen_flags: <defaults>
</compile_context>

<pallas_src>
import functools

import jax
import jax.numpy as jnp
from jax import lax
from jax.experimental import pallas as pl
from jax.experimental.pallas import tpu as pltpu
from jax.experimental.pallas import tpu_sc as plsc

_EPS = 1e-5

_NUM_CORES = 2
_NUM_SUBCORES = 16
_NW = _NUM_CORES * _NUM_SUBCORES
_CHUNK = 128


def _gather_max_sc(table, idx3, B, M, N, K, C):
    BN = B * N
    ppw = BN // _NW
    wpb = N // ppw
    ch = ppw // _CHUNK

    mesh = plsc.VectorSubcoreMesh(
        core_axis_name="c", subcore_axis_name="s",
        num_cores=_NUM_CORES, num_subcores=_NUM_SUBCORES)

    @functools.partial(
        pl.kernel,
        mesh=mesh,
        compiler_params=pltpu.CompilerParams(use_tc_tiling_on_sc=False,
                                             needs_layout_passes=False),
        out_type=jax.ShapeDtypeStruct((BN // 2, 2 * C), jnp.float32),
        scratch_types=[
            pltpu.VMEM((K * ch, 128), jnp.int32),
            pltpu.VMEM((K * _CHUNK, C), jnp.float32),
            pltpu.VMEM((K * _CHUNK, C), jnp.float32),
            pltpu.VMEM((C, _CHUNK + 1), jnp.float32),
            pltpu.VMEM((C, _CHUNK + 1), jnp.float32),
            pltpu.SemaphoreType.DMA,
            pltpu.SemaphoreType.DMA,
        ],
    )
    def sc_kernel(table_h, idx_h, out_h, idx_all, ra, rb, oa, ob, sa, sb):
        wid = lax.axis_index("s") * _NUM_CORES + lax.axis_index("c")
        b = wid // wpb
        n0 = (wid % wpb) * ppw
        g0 = pl.multiple_of(n0 // 128, 8)
        tb = table_h.at[pl.ds(pl.multiple_of(b * M, 8), M), :]
        rbufs = (ra, rb)
        obufs = (oa, ob)
        sems = (sa, sb)
        lane = lax.iota(jnp.int32, 16)
        rowidx = [cc * 16 + lane for cc in range(C // 16)]

        for k in range(K):
            pltpu.sync_copy(
                idx_h.at[k, pl.ds(g0, ch), pl.ds(pl.multiple_of(b * 128, 8), 128)],
                idx_all.at[pl.ds(k * ch, ch), :])

        def fire(c, s):
            for k in range(K):
                pltpu.async_copy(
                    tb.at[idx_all.at[k * ch + c]],
                    rbufs[s].at[pl.ds(k * _CHUNK, _CHUNK), :], sems[s])

        def drain(s):
            for k in range(K):
                pltpu.make_async_copy(
                    tb.at[idx_all.at[k * ch]],
                    rbufs[s].at[pl.ds(k * _CHUNK, _CHUNK), :], sems[s]).wait()

        fire(0, 0)

        def outer(i, carry):
            for s in range(2):
                c = 2 * i + s
                drain(s)

                @pl.when(c + 1 < ch)
                def _():
                    fire(c + 1, 1 - s)

                rbuf, obuf = rbufs[s], obufs[s]

                def pbody(p, pc):
                    pcol = jnp.full((16,), p, jnp.int32)
                    for cc in range(C // 16):
                        sl = pl.ds(cc * 16, 16)
                        v = jnp.maximum(
                            jnp.maximum(rbuf[p, sl], rbuf[_CHUNK + p, sl]),
                            rbuf[2 * _CHUNK + p, sl])
                        plsc.store_scatter(obuf, [rowidx[cc], pcol], v)
                    return pc
                lax.fori_loop(0, _CHUNK, pbody, 0, unroll=2)

                obase = pl.multiple_of(((g0 + c) * B + b) * C, 8)
                pltpu.sync_copy(obuf.at[:, pl.ds(0, _CHUNK)],
                                out_h.at[pl.ds(obase, C), :])
            return carry
        lax.fori_loop(0, ch // 2, outer, 0)

    return sc_kernel(table, idx3)


_GBLK = 8


def _stats_tc(inter, skipt, wpt, bpt, wst, bst, B, N, C):
    Co = wpt.shape[0]
    Cs = skipt.shape[1]
    NG = N // 128
    nb = NG // _GBLK

    def body(x_ref, s_ref, wpt_ref, bpt_ref, wst_ref, bst_ref, oi_ref, os_ref):
        first = pl.program_id(0) == 0
        x4 = x_ref[...].reshape(_GBLK, B, C, 128)
        s1i = jnp.zeros((Co, 1), jnp.float32)
        s2i = jnp.zeros((Co, 1), jnp.float32)
        for gi in range(_GBLK):
            for b in range(B):
                yit = jnp.dot(wpt_ref[...], x4[gi, b],
                              preferred_element_type=jnp.float32) + bpt_ref[...]
                s1i += jnp.sum(yit, axis=1, keepdims=True)
                s2i += jnp.sum(yit * yit, axis=1, keepdims=True)
        s1s = jnp.zeros((Cs, 1), jnp.float32)
        s2s = jnp.zeros((Cs, 1), jnp.float32)
        for b in range(B):
            yst = jnp.dot(wst_ref[...], s_ref[b],
                          preferred_element_type=jnp.float32) + bst_ref[...]
            s1s += jnp.sum(yst, axis=1, keepdims=True)
            s2s += jnp.sum(yst * yst, axis=1, keepdims=True)

        @pl.when(first)
        def _():
            oi_ref[...] = jnp.zeros_like(oi_ref)
            os_ref[...] = jnp.zeros_like(os_ref)

        oi_ref[...] += jnp.concatenate([s1i, s2i], axis=1)
        os_ref[...] += jnp.concatenate([s1s, s2s], axis=1)

    return pl.pallas_call(
        body,
        grid=(nb,),
        in_specs=[
            pl.BlockSpec((_GBLK * B * C, 128), lambda j: (j, 0)),
            pl.BlockSpec((B, Cs, _GBLK * 128), lambda j: (0, 0, j)),
            pl.BlockSpec(wpt.shape, lambda j: (0, 0)),
            pl.BlockSpec(bpt.shape, lambda j: (0, 0)),
            pl.BlockSpec(wst.shape, lambda j: (0, 0)),
            pl.BlockSpec(bst.shape, lambda j: (0, 0)),
        ],
        out_specs=[
            pl.BlockSpec((Co, 2), lambda j: (0, 0)),
            pl.BlockSpec((Cs, 2), lambda j: (0, 0)),
        ],
        out_shape=[
            jax.ShapeDtypeStruct((Co, 2), jnp.float32),
            jax.ShapeDtypeStruct((Cs, 2), jnp.float32),
        ],
    )(inter, skipt, wpt, bpt, wst, bst)


def _apply_tc(inter, skipt, coords3, sti, sts, wpt, bpt, wst, bst,
              gp, bep, gs, bes, B, N, C):
    Co = wpt.shape[0]
    Cs = skipt.shape[1]
    NG = N // 128
    nb = NG // _GBLK
    cnt = float(B * N)
    GB = _GBLK * B

    def body(sti_ref, sts_ref, x_ref, s_ref, c_ref, wpt_ref, bpt_ref,
             wst_ref, bst_ref, gp_ref, bep_ref, gs_ref, bes_ref, o_ref):
        sti_v = sti_ref[...]
        m_i = sti_v[:, 0:1] * (1.0 / cnt)
        v_i = sti_v[:, 1:2] * (1.0 / cnt) - m_i * m_i
        sc_i = gp_ref[...] * lax.rsqrt(v_i + _EPS)
        sh_i = bep_ref[...] - m_i * sc_i
        sts_v = sts_ref[...]
        m_s = sts_v[:, 0:1] * (1.0 / cnt)
        v_s = sts_v[:, 1:2] * (1.0 / cnt) - m_s * m_s
        sc_s = gs_ref[...] * lax.rsqrt(v_s + _EPS)
        sh_s = bes_ref[...] - m_s * sc_s

        o_ref[0:3, :, :] = c_ref[...]

        for b in range(B):
            yst = jnp.dot(wst_ref[...], s_ref[b],
                          preferred_element_type=jnp.float32) + bst_ref[...]
            zst = jnp.maximum(yst * sc_s + sh_s, 0.0)
            for gi in range(_GBLK):
                o_ref[3:3 + Cs, pl.ds(gi * B + b, 1), :] = (
                    zst[:, gi * 128:(gi + 1) * 128])[:, None, :]

        x4 = x_ref[...].reshape(_GBLK, B, C, 128)
        for gi in range(_GBLK):
            for b in range(B):
                yit = jnp.dot(wpt_ref[...], x4[gi, b],
                              preferred_element_type=jnp.float32) + bpt_ref[...]
                zit = jnp.maximum(yit * sc_i + sh_i, 0.0)
                o_ref[3 + Cs:3 + Cs + Co, pl.ds(gi * B + b, 1), :] = zit[:, None, :]

    return pl.pallas_call(
        body,
        grid=(nb,),
        in_specs=[
            pl.BlockSpec((Co, 2), lambda j: (0, 0)),
            pl.BlockSpec((Cs, 2), lambda j: (0, 0)),
            pl.BlockSpec((_GBLK * B * C, 128), lambda j: (j, 0)),
            pl.BlockSpec((B, Cs, _GBLK * 128), lambda j: (0, 0, j)),
            pl.BlockSpec((3, GB, 128), lambda j: (0, j, 0)),
            pl.BlockSpec(wpt.shape, lambda j: (0, 0)),
            pl.BlockSpec(bpt.shape, lambda j: (0, 0)),
            pl.BlockSpec(wst.shape, lambda j: (0, 0)),
            pl.BlockSpec(bst.shape, lambda j: (0, 0)),
            pl.BlockSpec(gp.shape, lambda j: (0, 0)),
            pl.BlockSpec(bep.shape, lambda j: (0, 0)),
            pl.BlockSpec(gs.shape, lambda j: (0, 0)),
            pl.BlockSpec(bes.shape, lambda j: (0, 0)),
        ],
        out_specs=pl.BlockSpec((3 + Cs + Co, GB, 128), lambda j: (0, j, 0)),
        out_shape=jax.ShapeDtypeStruct((3 + Cs + Co, NG * B, 128), jnp.float32),
    )(sti, sts, inter, skipt, coords3, wpt, bpt, wst, bst, gp, bep, gs, bes)


def kernel(curr_coords, curr_feats, skip_coords, skip_feats, upsampling_idxs,
           W_proj, b_proj, g_proj, be_proj, W_skip, b_skip, g_skip, be_skip):
    B, M, C = curr_feats.shape
    _, N, K = upsampling_idxs.shape
    Co = W_proj.shape[1]

    idx3 = (upsampling_idxs.reshape(B, N // 128, 128, K)
            .transpose(3, 1, 0, 2).reshape(K, N // 128, B * 128))
    table = curr_feats.reshape(B * M, C)
    skipt = jnp.transpose(skip_feats, (0, 2, 1))
    coords3 = (skip_coords.reshape(B, N // 128, 128, 3)
               .transpose(3, 1, 0, 2).reshape(3, (N // 128) * B, 128))

    inter = _gather_max_sc(table, idx3, B, M, N, K, C)

    wpt = W_proj.T
    wst = W_skip.T
    col = lambda a: a.reshape(-1, 1)
    sti, sts = _stats_tc(inter, skipt, wpt, col(b_proj), wst, col(b_skip),
                         B, N, C)
    out3 = _apply_tc(inter, skipt, coords3, sti, sts,
                     wpt, col(b_proj), wst, col(b_skip),
                     col(g_proj), col(be_proj), col(g_skip), col(be_skip),
                     B, N, C)
    return (out3.reshape(3 + 2 * Co, N // 128, B, 128)
            .transpose(2, 1, 3, 0).reshape(B, N, 3 + 2 * Co))

# --- scband reference (transcript-rebuilt; emitter-appended) ---
"""Pipeline reference for scband-unpool-w-skip-15504831939266 (READ-ONLY COPY).

The authoritative reference and input builder live on the scoring server;
editing this copy changes nothing except your own understanding.
"""

import jax, jax.numpy as jnp
import numpy as np

EPS = 1e-5

def _bn(x, gamma, beta):
    # PointBatchNorm: BatchNorm1d over channel dim, training-mode batch statistics
    mean = jnp.mean(x, axis=(0, 1), keepdims=True)
    var = jnp.var(x, axis=(0, 1), keepdims=True)
    return gamma * (x - mean) / jnp.sqrt(var + EPS) + beta

def setup_inputs(seed: int = 0) -> dict:
    key = jax.random.key(seed)
    ks = jax.random.split(key, 12)
    B, M, N, K = 4, 8192, 32768, 3
    feat_c, skip_c, out_c = 64, 32, 32
    return {
        "curr_coords": jax.random.normal(ks[0], (B, M, 3), dtype=jnp.float32),
        "curr_feats": jax.random.normal(ks[1], (B, M, feat_c), dtype=jnp.float32),
        "skip_coords": jax.random.normal(ks[2], (B, N, 3), dtype=jnp.float32),
        "skip_feats": jax.random.normal(ks[3], (B, N, skip_c), dtype=jnp.float32),
        "upsampling_idxs": jax.random.randint(ks[4], (B, N, K), 0, M, dtype=jnp.int32),
        "W_proj": jax.random.normal(ks[5], (feat_c, out_c), dtype=jnp.float32) * (1.0 / np.sqrt(feat_c)),
        "b_proj": jnp.zeros((out_c,), dtype=jnp.float32),
        "g_proj": jnp.ones((out_c,), dtype=jnp.float32),
        "be_proj": jnp.zeros((out_c,), dtype=jnp.float32),
        "W_skip": jax.random.normal(ks[6], (skip_c, out_c), dtype=jnp.float32) * (1.0 / np.sqrt(skip_c)),
        "b_skip": jnp.zeros((out_c,), dtype=jnp.float32),
        "g_skip": jnp.ones((out_c,), dtype=jnp.float32),
        "be_skip": jnp.zeros((out_c,), dtype=jnp.float32),
    }

def reference(curr_coords, curr_feats, skip_coords, skip_feats, upsampling_idxs,
              W_proj, b_proj, g_proj, be_proj, W_skip, b_skip, g_skip, be_skip):
    B, N, K = upsampling_idxs.shape
    C = curr_feats.shape[-1]
    # backend == 'max': gather K neighbor features from the coarse level, max-reduce
    idx = upsampling_idxs.reshape(B, N * K, 1)
    gathered = jnp.take_along_axis(curr_feats, idx, axis=1).reshape(B, N, K, C)
    inter_feats = jnp.max(gathered, axis=2)
    # proj: Linear -> PointBatchNorm -> ReLU
    inter_feats = jax.nn.relu(_bn(inter_feats @ W_proj + b_proj, g_proj, be_proj))
    # proj_skip: Linear -> PointBatchNorm -> ReLU
    skip_proj = jax.nn.relu(_bn(skip_feats @ W_skip + b_skip, g_skip, be_skip))
    # concat=True
    feats = jnp.concatenate([skip_proj, inter_feats], axis=-1)
    return jnp.concatenate([skip_coords, feats], axis=-1)

if __name__ == "__main__":
    import jax
    _d = setup_inputs()
    print(jax.jit(kernel)(*tuple(_d.values())))

</pallas_src>

<mosaic_0001>
#map = affine_map<(d0, d1) -> (0, 0)>
#map1 = affine_map<(d0, d1) -> (0, 0, 0)>
module attributes {stable_mosaic.version = 14 : i64} {
  func.func @sc_kernel(%arg0: i32, %arg1: i32, %arg2: memref<32768x64xf32, #tpu.memory_space<hbm>>, %arg3: memref<3x256x512xi32, #tpu.memory_space<hbm>>, %arg4: memref<65536x128xf32, #tpu.memory_space<hbm>>, %arg5: memref<96x128xi32, #tpu.memory_space<vmem>>, %arg6: memref<384x64xf32, #tpu.memory_space<vmem>>, %arg7: memref<384x64xf32, #tpu.memory_space<vmem>>, %arg8: memref<64x129xf32, #tpu.memory_space<vmem>>, %arg9: memref<64x129xf32, #tpu.memory_space<vmem>>, %arg10: memref<!tpu.dma_semaphore, #tpu.memory_space<semaphore_mem>>, %arg11: memref<!tpu.dma_semaphore, #tpu.memory_space<semaphore_mem>>) attributes {dimension_semantics = [#tpu.dimension_semantics<core_parallel>, #tpu.dimension_semantics<subcore_parallel>], iteration_bounds = array<i64: 2, 16>, scalar_prefetch = 0 : i64, scratch_operands = 7 : i64, tpu.core_type = #tpu.core_type<sc_vector_subcore>, window_params = [{transform_indices = #map}, {transform_indices = #map1}, {transform_indices = #map}]} {
    %mul3A = arith.constant 2 : i32
    %mul3A_0 = arith.muli %arg1, %mul3A : i32
    %add3A = arith.addi %mul3A_0, %arg0 : i32
    %jit3A = arith.constant 8 : i32
    %div3A = arith.divsi %add3A, %jit3A : i32
    %sign3A = arith.constant 0 : i32
    %sign3A_1 = arith.cmpi sgt, %add3A, %sign3A : i32
    %sign3A_2 = arith.extui %sign3A_1 : i1 to i32
    %sign3A_3 = arith.constant 0 : i32
    %sign3A_4 = arith.cmpi slt, %add3A, %sign3A_3 : i32
    %sign3A_5 = arith.extui %sign3A_4 : i1 to i32
    %sign3A_6 = arith.subi %sign3A_2, %sign3A_5 : i32
    %sign3A_7 = arith.constant 0 : i32
    %sign3A_8 = arith.cmpi sgt, %jit3A, %sign3A_7 : i32
    %sign3A_9 = arith.extui %sign3A_8 : i1 to i32
    %sign3A_10 = arith.constant 0 : i32
    %sign3A_11 = arith.cmpi slt, %jit3A, %sign3A_10 : i32
    %sign3A_12 = arith.extui %sign3A_11 : i1 to i32
    %sign3A_13 = arith.subi %sign3A_9, %sign3A_12 : i32
    %ne3A = arith.cmpi ne, %sign3A_6, %sign3A_13 : i32
    %rem3A = arith.remsi %add3A, %jit3A : i32
    %ne3A_14 = arith.constant 0 : i32
    %ne3A_15 = arith.cmpi ne, %rem3A, %ne3A_14 : i32
    %and3A = arith.andi %ne3A, %ne3A_15 : i1
    %sub3A = arith.constant 1 : i32
    %sub3A_16 = arith.subi %div3A, %sub3A : i32
    %select_n3A = arith.select %and3A, %sub3A_16, %div3A : i32
    %jit3A_17 = arith.constant 8 : i32
    %eq3A = arith.constant 0 : i32
    %eq3A_18 = arith.cmpi eq, %jit3A_17, %eq3A : i32
    %jit3A_19 = arith.constant 1 : i32
    %select_n3A_20 = arith.select %eq3A_18, %jit3A_19, %jit3A_17 : i32
    %rem3A_21 = arith.remsi %add3A, %select_n3A_20 : i32
    %ne3A_22 = arith.constant 0 : i32
    %ne3A_23 = arith.cmpi ne, %rem3A_21, %ne3A_22 : i32
    %lt3A = arith.constant 0 : i32
    %lt3A_24 = arith.cmpi slt, %rem3A_21, %lt3A : i32
    %lt3A_25 = arith.constant 0 : i32
    %lt3A_26 = arith.cmpi slt, %select_n3A_20, %lt3A_25 : i32
    %ne3A_27 = arith.xori %lt3A_24, %lt3A_26 : i1
    %and3A_28 = arith.andi %ne3A_27, %ne3A_23 : i1
    %add3A_29 = arith.addi %rem3A_21, %select_n3A_20 : i32
    %select_n3A_30 = arith.select %and3A_28, %add3A_29, %rem3A_21 : i32
    %mul3A_31 = arith.constant 4096 : i32
    %mul3A_32 = arith.muli %select_n3A_30, %mul3A_31 : i32
    %jit3A_33 = arith.constant 128 : i32
    %div3A_34 = arith.divsi %mul3A_32, %jit3A_33 : i32
    %sign3A_35 = arith.constant 0 : i32
    %sign3A_36 = arith.cmpi sgt, %mul3A_32, %sign3A_35 : i32
    %sign3A_37 = arith.extui %sign3A_36 : i1 to i32
    %sign3A_38 = arith.constant 0 : i32
    %sign3A_39 = arith.cmpi slt, %mul3A_32, %sign3A_38 : i32
    %sign3A_40 = arith.extui %sign3A_39 : i1 to i32
    %sign3A_41 = arith.subi %sign3A_37, %sign3A_40 : i32
    %sign3A_42 = arith.constant 0 : i32
    %sign3A_43 = arith.cmpi sgt, %jit3A_33, %sign3A_42 : i32
    %sign3A_44 = arith.extui %sign3A_43 : i1 to i32
    %sign3A_45 = arith.constant 0 : i32
    %sign3A_46 = arith.cmpi slt, %jit3A_33, %sign3A_45 : i32
    %sign3A_47 = arith.extui %sign3A_46 : i1 to i32
    %sign3A_48 = arith.subi %sign3A_44, %sign3A_47 : i32
    %ne3A_49 = arith.cmpi ne, %sign3A_41, %sign3A_48 : i32
    %rem3A_50 = arith.remsi %mul3A_32, %jit3A_33 : i32
    %ne3A_51 = arith.constant 0 : i32
    %ne3A_52 = arith.cmpi ne, %rem3A_50, %ne3A_51 : i32
    %and3A_53 = arith.andi %ne3A_49, %ne3A_52 : i1
    %sub3A_54 = arith.constant 1 : i32
    %sub3A_55 = arith.subi %div3A_34, %sub3A_54 : i32
    %select_n3A_56 = arith.select %and3A_53, %sub3A_55, %div3A_34 : i32
    %multiple_of3A = tpu.assume_multiple %select_n3A_56, 8 : i32
    %mul3A_57 = arith.constant 8192 : i32
    %mul3A_58 = arith.muli %select_n3A, %mul3A_57 : i32
    %multiple_of3A_59 = tpu.assume_multiple %mul3A_58, 8 : i32
    %iota3A = tpu.iota {dimensions = array<i32: 0>} : vector<16xi32>
    %add3A_60 = arith.constant 0 : i32
    %add3A_61 = vector.broadcast %add3A_60 : i32 to vector<16xi32>
    %add3A_62 = arith.addi %add3A_61, %iota3A : vector<16xi32>
    %add3A_63 = arith.constant 16 : i32
    %add3A_64 = vector.broadcast %add3A_63 : i32 to vector<16xi32>
    %add3A_65 = arith.addi %add3A_64, %iota3A : vector<16xi32>
    %add3A_66 = arith.constant 32 : i32
    %add3A_67 = vector.broadcast %add3A_66 : i32 to vector<16xi32>
    %add3A_68 = arith.addi %add3A_67, %iota3A : vector<16xi32>
    %add3A_69 = arith.constant 48 : i32
    %add3A_70 = vector.broadcast %add3A_69 : i32 to vector<16xi32>
    %add3A_71 = arith.addi %add3A_70, %iota3A : vector<16xi32>
    %mul3A_72 = arith.constant 128 : i32
    %mul3A_73 = arith.muli %select_n3A, %mul3A_72 : i32
    %multiple_of3A_74 = tpu.assume_multiple %mul3A_73, 8 : i32
    %run_scoped3A = arith.constant 0 : i32
    "tpu.region"() ({
      %run_scoped3A_123 = tpu.sem_alloc : memref<!tpu.dma_semaphore, #tpu.memory_space<semaphore_mem>>
      %dma_start3A_124 = arith.constant 0 : i32
      %dma_start3A_125 = arith.constant 0 : i32
      %dma_start3A_126 = tpu.memref_slice %arg5[%dma_start3A_124, %dma_start3A_125] : memref<96x128xi32, #tpu.memory_space<vmem>> -> memref<32x128xi32, #tpu.memory_space<vmem>>
      %dma_start3A_127 = tpu.memref_slice %arg3[%run_scoped3A, %multiple_of3A, %multiple_of3A_74] : memref<3x256x512xi32, #tpu.memory_space<hbm>> -> memref<1x32x128xi32, #tpu.memory_space<hbm>>
      %dma_start3A_128 = tpu.memref_squeeze %dma_start3A_127 : memref<1x32x128xi32, #tpu.memory_space<hbm>> -> memref<32x128xi32, #tpu.memory_space<hbm>>
      %dma_start3A_129 = arith.constant 0 : i32
      %dma_start3A_130 = arith.constant 0 : i32
      %dma_start3A_131 = tpu.memref_slice %arg5[%dma_start3A_129, %dma_start3A_130] : memref<96x128xi32, #tpu.memory_space<vmem>> -> memref<32x128xi32, #tpu.memory_space<vmem>>
      %dma_start3A_132 = tpu.memref_slice %arg3[%run_scoped3A, %multiple_of3A, %multiple_of3A_74] : memref<3x256x512xi32, #tpu.memory_space<hbm>> -> memref<1x32x128xi32, #tpu.memory_space<hbm>>
      %dma_start3A_133 = tpu.memref_squeeze %dma_start3A_132 : memref<1x32x128xi32, #tpu.memory_space<hbm>> -> memref<32x128xi32, #tpu.memory_space<hbm>>
      tpu.enqueue_dma source(%dma_start3A_133 : memref<32x128xi32, #tpu.memory_space<hbm>>) target(%dma_start3A_131 : memref<32x128xi32, #tpu.memory_space<vmem>>) target_semaphore(%run_scoped3A_123 : memref<!tpu.dma_semaphore, #tpu.memory_space<semaphore_mem>>)
      %dma_wait3A = arith.constant 0 : i32
      %dma_wait3A_134 = arith.constant 0 : i32
      %dma_wait3A_135 = tpu.memref_slice %arg5[%dma_wait3A, %dma_wait3A_134] : memref<96x128xi32, #tpu.memory_space<vmem>> -> memref<32x128xi32, #tpu.memory_space<vmem>>
      %dma_wait3A_136 = tpu.memref_slice %arg3[%run_scoped3A, %multiple_of3A, %multiple_of3A_74] : memref<3x256x512xi32, #tpu.memory_space<hbm>> -> memref<1x32x128xi32, #tpu.memory_space<hbm>>
      %dma_wait3A_137 = tpu.memref_squeeze %dma_wait3A_136 : memref<1x32x128xi32, #tpu.memory_space<hbm>> -> memref<32x128xi32, #tpu.memory_space<hbm>>
      %dma_wait3A_138 = arith.constant 0 : i32
      %dma_wait3A_139 = arith.constant 0 : i32
      %dma_wait3A_140 = tpu.memref_slice %arg5[%dma_wait3A_138, %dma_wait3A_139] : memref<96x128xi32, #tpu.memory_space<vmem>> -> memref<32x128xi32, #tpu.memory_space<vmem>>
      %dma_wait3A_141 = tpu.memref_slice %arg3[%run_scoped3A, %multiple_of3A, %multiple_of3A_74] : memref<3x256x512xi32, #tpu.memory_space<hbm>> -> memref<1x32x128xi32, #tpu.memory_space<hbm>>
      %dma_wait3A_142 = tpu.memref_squeeze %dma_wait3A_141 : memref<1x32x128xi32, #tpu.memory_space<hbm>> -> memref<32x128xi32, #tpu.memory_space<hbm>>
      tpu.wait_dma2 semaphore(%run_scoped3A_123 : memref<!tpu.dma_semaphore, #tpu.memory_space<semaphore_mem>>) src(%dma_wait3A_142 : memref<32x128xi32, #tpu.memory_space<hbm>>) dst(%dma_wait3A_140 : memref<32x128xi32, #tpu.memory_space<vmem>>)
      tpu.yield
    }) : () -> ()
    %mul3A_75 = arith.constant 128 : i32
    %mul3A_76 = arith.muli %select_n3A, %mul3A_75 : i32
    %multiple_of3A_77 = tpu.assume_multiple %mul3A_76, 8 : i32
    %run_scoped3A_78 = arith.constant 1 : i32
    "tpu.region"() ({
      %run_scoped3A_123 = tpu.sem_alloc : memref<!tpu.dma_semaphore, #tpu.memory_space<semaphore_mem>>
      %dma_start3A_124 = arith.constant 32 : i32
      %dma_start3A_125 = arith.constant 0 : i32
      %dma_start3A_126 = tpu.memref_slice %arg5[%dma_start3A_124, %dma_start3A_125] : memref<96x128xi32, #tpu.memory_space<vmem>> -> memref<32x128xi32, #tpu.memory_space<vmem>>
      %dma_start3A_127 = tpu.memref_slice %arg3[%run_scoped3A_78, %multiple_of3A, %multiple_of3A_77] : memref<3x256x512xi32, #tpu.memory_space<hbm>> -> memref<1x32x128xi32, #tpu.memory_space<hbm>>
      %dma_start3A_128 = tpu.memref_squeeze %dma_start3A_127 : memref<1x32x128xi32, #tpu.memory_space<hbm>> -> memref<32x128xi32, #tpu.memory_space<hbm>>
      %dma_start3A_129 = arith.constant 32 : i32
      %dma_start3A_130 = arith.constant 0 : i32
      %dma_start3A_131 = tpu.memref_slice %arg5[%dma_start3A_129, %dma_start3A_130] : memref<96x128xi32, #tpu.memory_space<vmem>> -> memref<32x128xi32, #tpu.memory_space<vmem>>
      %dma_start3A_132 = tpu.memref_slice %arg3[%run_scoped3A_78, %multiple_of3A, %multiple_of3A_77] : memref<3x256x512xi32, #tpu.memory_space<hbm>> -> memref<1x32x128xi32, #tpu.memory_space<hbm>>
      %dma_start3A_133 = tpu.memref_squeeze %dma_start3A_132 : memref<1x32x128xi32, #tpu.memory_space<hbm>> -> memref<32x128xi32, #tpu.memory_space<hbm>>
      tpu.enqueue_dma source(%dma_start3A_133 : memref<32x128xi32, #tpu.memory_space<hbm>>) target(%dma_start3A_131 : memref<32x128xi32, #tpu.memory_space<vmem>>) target_semaphore(%run_scoped3A_123 : memref<!tpu.dma_semaphore, #tpu.memory_space<semaphore_mem>>)
      %dma_wait3A = arith.constant 32 : i32
      %dma_wait3A_134 = arith.constant 0 : i32
      %dma_wait3A_135 = tpu.memref_slice %arg5[%dma_wait3A, %dma_wait3A_134] : memref<96x128xi32, #tpu.memory_space<vmem>> -> memref<32x128xi32, #tpu.memory_space<vmem>>
      %dma_wait3A_136 = tpu.memref_slice %arg3[%run_scoped3A_78, %multiple_of3A, %multiple_of3A_77] : memref<3x256x512xi32, #tpu.memory_space<hbm>> -> memref<1x32x128xi32, #tpu.memory_space<hbm>>
      %dma_wait3A_137 = tpu.memref_squeeze %dma_wait3A_136 : memref<1x32x128xi32, #tpu.memory_space<hbm>> -> memref<32x128xi32, #tpu.memory_space<hbm>>
      %dma_wait3A_138 = arith.constant 32 : i32
      %dma_wait3A_139 = arith.constant 0 : i32
      %dma_wait3A_140 = tpu.memref_slice %arg5[%dma_wait3A_138, %dma_wait3A_139] : memref<96x128xi32, #tpu.memory_space<vmem>> -> memref<32x128xi32, #tpu.memory_space<vmem>>
      %dma_wait3A_141 = tpu.memref_slice %arg3[%run_scoped3A_78, %multiple_of3A, %multiple_of3A_77] : memref<3x256x512xi32, #tpu.memory_space<hbm>> -> memref<1x32x128xi32, #tpu.memory_space<hbm>>
      %dma_wait3A_142 = tpu.memref_squeeze %dma_wait3A_141 : memref<1x32x128xi32, #tpu.memory_space<hbm>> -> memref<32x128xi32, #tpu.memory_space<hbm>>
      tpu.wait_dma2 semaphore(%run_scoped3A_123 : memref<!tpu.dma_semaphore, #tpu.memory_space<semaphore_mem>>) src(%dma_wait3A_142 : memref<32x128xi32, #tpu.memory_space<hbm>>) dst(%dma_wait3A_140 : memref<32x128xi32, #tpu.memory_space<vmem>>)
      tpu.yield
    }) : () -> ()
    %mul3A_79 = arith.constant 128 : i32
    %mul3A_80 = arith.muli %select_n3A, %mul3A_79 : i32
    %multiple_of3A_81 = tpu.assume_multiple %mul3A_80, 8 : i32
    %run_scoped3A_82 = arith.constant 2 : i32
    "tpu.region"() ({
      %run_scoped3A_123 = tpu.sem_alloc : memref<!tpu.dma_semaphore, #tpu.memory_space<semaphore_mem>>
      %dma_start3A_124 = arith.constant 64 : i32
      %dma_start3A_125 = arith.constant 0 : i32
      %dma_start3A_126 = tpu.memref_slice %arg5[%dma_start3A_124, %dma_start3A_125] : memref<96x128xi32, #tpu.memory_space<vmem>> -> memref<32x128xi32, #tpu.memory_space<vmem>>
      %dma_start3A_127 = tpu.memref_slice %arg3[%run_scoped3A_82, %multiple_of3A, %multiple_of3A_81] : memref<3x256x512xi32, #tpu.memory_space<hbm>> -> memref<1x32x128xi32, #tpu.memory_space<hbm>>
      %dma_start3A_128 = tpu.memref_squeeze %dma_start3A_127 : memref<1x32x128xi32, #tpu.memory_space<hbm>> -> memref<32x128xi32, #tpu.memory_space<hbm>>
      %dma_start3A_129 = arith.constant 64 : i32
      %dma_start3A_130 = arith.constant 0 : i32
      %dma_start3A_131 = tpu.memref_slice %arg5[%dma_start3A_129, %dma_start3A_130] : memref<96x128xi32, #tpu.memory_space<vmem>> -> memref<32x128xi32, #tpu.memory_space<vmem>>
      %dma_start3A_132 = tpu.memref_slice %arg3[%run_scoped3A_82, %multiple_of3A, %multiple_of3A_81] : memref<3x256x512xi32, #tpu.memory_space<hbm>> -> memref<1x32x128xi32, #tpu.memory_space<hbm>>
      %dma_start3A_133 = tpu.memref_squeeze %dma_start3A_132 : memref<1x32x128xi32, #tpu.memory_space<hbm>> -> memref<32x128xi32, #tpu.memory_space<hbm>>
      tpu.enqueue_dma source(%dma_start3A_133 : memref<32x128xi32, #tpu.memory_space<hbm>>) target(%dma_start3A_131 : memref<32x128xi32, #tpu.memory_space<vmem>>) target_semaphore(%run_scoped3A_123 : memref<!tpu.dma_semaphore, #tpu.memory_space<semaphore_mem>>)
      %dma_wait3A = arith.constant 64 : i32
      %dma_wait3A_134 = arith.constant 0 : i32
      %dma_wait3A_135 = tpu.memref_slice %arg5[%dma_wait3A, %dma_wait3A_134] : memref<96x128xi32, #tpu.memory_space<vmem>> -> memref<32x128xi32, #tpu.memory_space<vmem>>
      %dma_wait3A_136 = tpu.memref_slice %arg3[%run_scoped3A_82, %multiple_of3A, %multiple_of3A_81] : memref<3x256x512xi32, #tpu.memory_space<hbm>> -> memref<1x32x128xi32, #tpu.memory_space<hbm>>
      %dma_wait3A_137 = tpu.memref_squeeze %dma_wait3A_136 : memref<1x32x128xi32, #tpu.memory_space<hbm>> -> memref<32x128xi32, #tpu.memory_space<hbm>>
      %dma_wait3A_138 = arith.constant 64 : i32
      %dma_wait3A_139 = arith.constant 0 : i32
      %dma_wait3A_140 = tpu.memref_slice %arg5[%dma_wait3A_138, %dma_wait3A_139] : memref<96x128xi32, #tpu.memory_space<vmem>> -> memref<32x128xi32, #tpu.memory_space<vmem>>
      %dma_wait3A_141 = tpu.memref_slice %arg3[%run_scoped3A_82, %multiple_of3A, %multiple_of3A_81] : memref<3x256x512xi32, #tpu.memory_space<hbm>> -> memref<1x32x128xi32, #tpu.memory_space<hbm>>
      %dma_wait3A_142 = tpu.memref_squeeze %dma_wait3A_141 : memref<1x32x128xi32, #tpu.memory_space<hbm>> -> memref<32x128xi32, #tpu.memory_space<hbm>>
      tpu.wait_dma2 semaphore(%run_scoped3A_123 : memref<!tpu.dma_semaphore, #tpu.memory_space<semaphore_mem>>) src(%dma_wait3A_142 : memref<32x128xi32, #tpu.memory_space<hbm>>) dst(%dma_wait3A_140 : memref<32x128xi32, #tpu.memory_space<vmem>>)
      tpu.yield
    }) : () -> ()
    %dma_start3A = arith.constant 0 : i32
    %dma_start3A_83 = arith.constant 0 : i32
    %dma_start3A_84 = arith.constant 0 : i32
    %dma_start3A_85 = tpu.memref_slice %arg6[%dma_start3A_83, %dma_start3A_84] : memref<384x64xf32, #tpu.memory_space<vmem>> -> memref<128x64xf32, #tpu.memory_space<vmem>>
    %dma_start3A_86 = arith.constant 0 : i32
    %dma_start3A_87 = tpu.memref_slice %arg5[%dma_start3A, %dma_start3A_86] : memref<96x128xi32, #tpu.memory_space<vmem>> -> memref<1x128xi32, #tpu.memory_space<vmem>>
    %dma_start3A_88 = tpu.memref_squeeze %dma_start3A_87 : memref<1x128xi32, #tpu.memory_space<vmem>> -> memref<128xi32, #tpu.memory_space<vmem>>
    %dma_start3A_89 = arith.constant 0 : i32
    %dma_start3A_90 = tpu.memref_slice %arg2[%multiple_of3A_59, %dma_start3A_89] : memref<32768x64xf32, #tpu.memory_space<hbm>> -> memref<8192x64xf32, #tpu.memory_space<hbm>>
    %dma_start3A_91 = arith.constant 0 : i32
    %dma_start3A_92 = arith.constant 0 : i32
    %dma_start3A_93 = tpu.memref_slice %dma_start3A_90[%dma_start3A_91, %dma_start3A_92] : memref<8192x64xf32, #tpu.memory_space<hbm>> -> memref<8192x64xf32, #tpu.memory_space<hbm>>
    tpu.enqueue_indirect_dma source(%dma_start3A_93 : memref<8192x64xf32, #tpu.memory_space<hbm>>) target(%dma_start3A_85 : memref<128x64xf32, #tpu.memory_space<vmem>>) offsets(%dma_start3A_88 : memref<128xi32, #tpu.memory_space<vmem>>) semaphore(%arg10 : memref<!tpu.dma_semaphore, #tpu.memory_space<semaphore_mem>>)
    %dma_start3A_94 = arith.constant 32 : i32
    %dma_start3A_95 = arith.constant 128 : i32
    %dma_start3A_96 = arith.constant 0 : i32
    %dma_start3A_97 = tpu.memref_slice %arg6[%dma_start3A_95, %dma_start3A_96] : memref<384x64xf32, #tpu.memory_space<vmem>> -> memref<128x64xf32, #tpu.memory_space<vmem>>
    %dma_start3A_98 = arith.constant 0 : i32
    %dma_start3A_99 = tpu.memref_slice %arg5[%dma_start3A_94, %dma_start3A_98] : memref<96x128xi32, #tpu.memory_space<vmem>> -> memref<1x128xi32, #tpu.memory_space<vmem>>
    %dma_start3A_100 = tpu.memref_squeeze %dma_start3A_99 : memref<1x128xi32, #tpu.memory_space<vmem>> -> memref<128xi32, #tpu.memory_space<vmem>>
    %dma_start3A_101 = arith.constant 0 : i32
    %dma_start3A_102 = tpu.memref_slice %arg2[%multiple_of3A_59, %dma_start3A_101] : memref<32768x64xf32, #tpu.memory_space<hbm>> -> memref<8192x64xf32, #tpu.memory_space<hbm>>
    %dma_start3A_103 = arith.constant 0 : i32
    %dma_start3A_104 = arith.constant 0 : i32
    %dma_start3A_105 = tpu.memref_slice %dma_start3A_102[%dma_start3A_103, %dma_start3A_104] : memref<8192x64xf32, #tpu.memory_space<hbm>> -> memref<8192x64xf32, #tpu.memory_space<hbm>>
    tpu.enqueue_indirect_dma source(%dma_start3A_105 : memref<8192x64xf32, #tpu.memory_space<hbm>>) target(%dma_start3A_97 : memref<128x64xf32, #tpu.memory_space<vmem>>) offsets(%dma_start3A_100 : memref<128xi32, #tpu.memory_space<vmem>>) semaphore(%arg10 : memref<!tpu.dma_semaphore, #tpu.memory_space<semaphore_mem>>)
    %dma_start3A_106 = arith.constant 64 : i32
    %dma_start3A_107 = arith.constant 256 : i32
    %dma_start3A_108 = arith.constant 0 : i32
    %dma_start3A_109 = tpu.memref_slice %arg6[%dma_start3A_107, %dma_start3A_108] : memref<384x64xf32, #tpu.memory_space<vmem>> -> memref<128x64xf32, #tpu.memory_space<vmem>>
    %dma_start3A_110 = arith.constant 0 : i32
    %dma_start3A_111 = tpu.memref_slice %arg5[%dma_start3A_106, %dma_start3A_110] : memref<96x128xi32, #tpu.memory_space<vmem>> -> memref<1x128xi32, #tpu.memory_space<vmem>>
    %dma_start3A_112 = tpu.memref_squeeze %dma_start3A_111 : memref<1x128xi32, #tpu.memory_space<vmem>> -> memref<128xi32, #tpu.memory_space<vmem>>
    %dma_start3A_113 = arith.constant 0 : i32
    %dma_start3A_114 = tpu.memref_slice %arg2[%multiple_of3A_59, %dma_start3A_113] : memref<32768x64xf32, #tpu.memory_space<hbm>> -> memref<8192x64xf32, #tpu.memory_space<hbm>>
    %dma_start3A_115 = arith.constant 0 : i32
    %dma_start3A_116 = arith.constant 0 : i32
    %dma_start3A_117 = tpu.memref_slice %dma_start3A_114[%dma_start3A_115, %dma_start3A_116] : memref<8192x64xf32, #tpu.memory_space<hbm>> -> memref<8192x64xf32, #tpu.memory_space<hbm>>
    tpu.enqueue_indirect_dma source(%dma_start3A_117 : memref<8192x64xf32, #tpu.memory_space<hbm>>) target(%dma_start3A_109 : memref<128x64xf32, #tpu.memory_space<vmem>>) offsets(%dma_start3A_112 : memref<128xi32, #tpu.memory_space<vmem>>) semaphore(%arg10 : memref<!tpu.dma_semaphore, #tpu.memory_space<semaphore_mem>>)
    %scan3A = arith.constant 0 : i32
    %scan3A_118 = arith.constant 0 : i32
    %scan3A_119 = arith.constant 16 : i32
    %scan3A_120 = arith.addi %scan3A_118, %scan3A_119 : i32
    %scan3A_121 = arith.constant 1 : i32
    scf.for %scan3A_123 = %scan3A_118 to %scan3A_120 step %scan3A_121  : i32 {
      %mul3A_124 = arith.constant 2 : i32
      %mul3A_125 = arith.muli %mul3A_124, %scan3A_123 : i32
      %add3A_126 = arith.constant 0 : i32
      %add3A_127 = arith.addi %mul3A_125, %add3A_126 : i32
      %dma_wait3A = arith.constant 0 : i32
      %dma_wait3A_128 = arith.constant 0 : i32
      %dma_wait3A_129 = arith.constant 0 : i32
      %dma_wait3A_130 = tpu.memref_slice %arg6[%dma_wait3A_128, %dma_wait3A_129] : memref<384x64xf32, #tpu.memory_space<vmem>> -> memref<128x64xf32, #tpu.memory_space<vmem>>
      %dma_wait3A_131 = arith.constant 0 : i32
      %dma_wait3A_132 = tpu.memref_slice %arg5[%dma_wait3A, %dma_wait3A_131] : memref<96x128xi32, #tpu.memory_space<vmem>> -> memref<1x128xi32, #tpu.memory_space<vmem>>
      %dma_wait3A_133 = tpu.memref_squeeze %dma_wait3A_132 : memref<1x128xi32, #tpu.memory_space<vmem>> -> memref<128xi32, #tpu.memory_space<vmem>>
      %dma_wait3A_134 = arith.constant 0 : i32
      %dma_wait3A_135 = tpu.memref_slice %arg2[%multiple_of3A_59, %dma_wait3A_134] : memref<32768x64xf32, #tpu.memory_space<hbm>> -> memref<8192x64xf32, #tpu.memory_space<hbm>>
      %dma_wait3A_136 = arith.constant 0 : i32
      %dma_wait3A_137 = arith.constant 0 : i32
      %dma_wait3A_138 = tpu.memref_slice %dma_wait3A_135[%dma_wait3A_136, %dma_wait3A_137] : memref<8192x64xf32, #tpu.memory_space<hbm>> -> memref<8192x64xf32, #tpu.memory_space<hbm>>
      tpu.wait_indirect_dma semaphore(%arg10 : memref<!tpu.dma_semaphore, #tpu.memory_space<semaphore_mem>>) src(%dma_wait3A_138 : memref<8192x64xf32, #tpu.memory_space<hbm>>) dst(%dma_wait3A_130 : memref<128x64xf32, #tpu.memory_space<vmem>>)
      %dma_wait3A_139 = arith.constant 32 : i32
      %dma_wait3A_140 = arith.constant 128 : i32
      %dma_wait3A_141 = arith.constant 0 : i32
      %dma_wait3A_142 = tpu.memref_slice %arg6[%dma_wait3A_140, %dma_wait3A_141] : memref<384x64xf32, #tpu.memory_space<vmem>> -> memref<128x64xf32, #tpu.memory_space<vmem>>
      %dma_wait3A_143 = arith.constant 0 : i32
      %dma_wait3A_144 = tpu.memref_slice %arg5[%dma_wait3A_139, %dma_wait3A_143] : memref<96x128xi32, #tpu.memory_space<vmem>> -> memref<1x128xi32, #tpu.memory_space<vmem>>
      %dma_wait3A_145 = tpu.memref_squeeze %dma_wait3A_144 : memref<1x128xi32, #tpu.memory_space<vmem>> -> memref<128xi32, #tpu.memory_space<vmem>>
      %dma_wait3A_146 = arith.constant 0 : i32
      %dma_wait3A_147 = tpu.memref_slice %arg2[%multiple_of3A_59, %dma_wait3A_146] : memref<32768x64xf32, #tpu.memory_space<hbm>> -> memref<8192x64xf32, #tpu.memory_space<hbm>>
      %dma_wait3A_148 = arith.constant 0 : i32
      %dma_wait3A_149 = arith.constant 0 : i32
      %dma_wait3A_150 = tpu.memref_slice %dma_wait3A_147[%dma_wait3A_148, %dma_wait3A_149] : memref<8192x64xf32, #tpu.memory_space<hbm>> -> memref<8192x64xf32, #tpu.memory_space<hbm>>
      tpu.wait_indirect_dma semaphore(%arg10 : memref<!tpu.dma_semaphore, #tpu.memory_space<semaphore_mem>>) src(%dma_wait3A_150 : memref<8192x64xf32, #tpu.memory_space<hbm>>) dst(%dma_wait3A_142 : memref<128x64xf32, #tpu.memory_space<vmem>>)
      %dma_wait3A_151 = arith.constant 64 : i32
      %dma_wait3A_152 = arith.constant 256 : i32
      %dma_wait3A_153 = arith.constant 0 : i32
      %dma_wait3A_154 = tpu.memref_slice %arg6[%dma_wait3A_152, %dma_wait3A_153] : memref<384x64xf32, #tpu.memory_space<vmem>> -> memref<128x64xf32, #tpu.memory_space<vmem>>
      %dma_wait3A_155 = arith.constant 0 : i32
      %dma_wait3A_156 = tpu.memref_slice %arg5[%dma_wait3A_151, %dma_wait3A_155] : memref<96x128xi32, #tpu.memory_space<vmem>> -> memref<1x128xi32, #tpu.memory_space<vmem>>
      %dma_wait3A_157 = tpu.memref_squeeze %dma_wait3A_156 : memref<1x128xi32, #tpu.memory_space<vmem>> -> memref<128xi32, #tpu.memory_space<vmem>>
      %dma_wait3A_158 = arith.constant 0 : i32
      %dma_wait3A_159 = tpu.memref_slice %arg2[%multiple_of3A_59, %dma_wait3A_158] : memref<32768x64xf32, #tpu.memory_space<hbm>> -> memref<8192x64xf32, #tpu.memory_space<hbm>>
      %dma_wait3A_160 = arith.constant 0 : i32
      %dma_wait3A_161 = arith.constant 0 : i32
      %dma_wait3A_162 = tpu.memref_slice %dma_wait3A_159[%dma_wait3A_160, %dma_wait3A_161] : memref<8192x64xf32, #tpu.memory_space<hbm>> -> memref<8192x64xf32, #tpu.memory_space<hbm>>
      tpu.wait_indirect_dma semaphore(%arg10 : memref<!tpu.dma_semaphore, #tpu.memory_space<semaphore_mem>>) src(%dma_wait3A_162 : memref<8192x64xf32, #tpu.memory_space<hbm>>) dst(%dma_wait3A_154 : memref<128x64xf32, #tpu.memory_space<vmem>>)
      %add3A_163 = arith.constant 1 : i32
      %add3A_164 = arith.addi %add3A_127, %add3A_163 : i32
      %lt3A_165 = arith.constant 32 : i32
      %lt3A_166 = arith.cmpi slt, %add3A_164, %lt3A_165 : i32
      %convert_element_type3A = arith.extui %lt3A_166 : i1 to i32
      %cond3A = arith.constant 0 : i32
      %cond3A_167 = arith.cmpi ne, %convert_element_type3A, %cond3A : i32
      scf.if %cond3A_167 {
        %add3A_241 = arith.constant 1 : i32
        %add3A_242 = arith.addi %add3A_127, %add3A_241 : i32
        %add3A_243 = arith.constant 0 : i32
        %add3A_244 = arith.addi %add3A_243, %add3A_242 : i32
        %dma_start3A_245 = arith.constant 0 : i32
        %dma_start3A_246 = arith.constant 0 : i32
        %dma_start3A_247 = tpu.memref_slice %arg7[%dma_start3A_245, %dma_start3A_246] : memref<384x64xf32, #tpu.memory_space<vmem>> -> memref<128x64xf32, #tpu.memory_space<vmem>>
        %dma_start3A_248 = arith.constant 0 : i32
        %dma_start3A_249 = tpu.memref_slice %arg5[%add3A_244, %dma_start3A_248] : memref<96x128xi32, #tpu.memory_space<vmem>> -> memref<1x128xi32, #tpu.memory_space<vmem>>
        %dma_start3A_250 = tpu.memref_squeeze %dma_start3A_249 : memref<1x128xi32, #tpu.memory_space<vmem>> -> memref<128xi32, #tpu.memory_space<vmem>>
        %dma_start3A_251 = arith.constant 0 : i32
        %dma_start3A_252 = tpu.memref_slice %arg2[%multiple_of3A_59, %dma_start3A_251] : memref<32768x64xf32, #tpu.memory_space<hbm>> -> memref<8192x64xf32, #tpu.memory_space<hbm>>
        %dma_start3A_253 = arith.constant 0 : i32
        %dma_start3A_254 = arith.constant 0 : i32
        %dma_start3A_255 = tpu.memref_slice %dma_start3A_252[%dma_start3A_253, %dma_start3A_254] : memref<8192x64xf32, #tpu.memory_space<hbm>> -> memref<8192x64xf32, #tpu.memory_space<hbm>>
        tpu.enqueue_indirect_dma source(%dma_start3A_255 : memref<8192x64xf32, #tpu.memory_space<hbm>>) target(%dma_start3A_247 : memref<128x64xf32, #tpu.memory_space<vmem>>) offsets(%dma_start3A_250 : memref<128xi32, #tpu.memory_space<vmem>>) semaphore(%arg11 : memref<!tpu.dma_semaphore, #tpu.memory_space<semaphore_mem>>)
        %add3A_256 = arith.constant 32 : i32
        %add3A_257 = arith.addi %add3A_256, %add3A_242 : i32
        %dma_start3A_258 = arith.constant 128 : i32
        %dma_start3A_259 = arith.constant 0 : i32
        %dma_start3A_260 = tpu.memref_slice %arg7[%dma_start3A_258, %dma_start3A_259] : memref<384x64xf32, #tpu.memory_space<vmem>> -> memref<128x64xf32, #tpu.memory_space<vmem>>
        %dma_start3A_261 = arith.constant 0 : i32
        %dma_start3A_262 = tpu.memref_slice %arg5[%add3A_257, %dma_start3A_261] : memref<96x128xi32, #tpu.memory_space<vmem>> -> memref<1x128xi32, #tpu.memory_space<vmem>>
        %dma_start3A_263 = tpu.memref_squeeze %dma_start3A_262 : memref<1x128xi32, #tpu.memory_space<vmem>> -> memref<128xi32, #tpu.memory_space<vmem>>
        %dma_start3A_264 = arith.constant 0 : i32
        %dma_start3A_265 = tpu.memref_slice %arg2[%multiple_of3A_59, %dma_start3A_264] : memref<32768x64xf32, #tpu.memory_space<hbm>> -> memref<8192x64xf32, #tpu.memory_space<hbm>>
        %dma_start3A_266 = arith.constant 0 : i32
        %dma_start3A_267 = arith.constant 0 : i32
        %dma_start3A_268 = tpu.memref_slice %dma_start3A_265[%dma_start3A_266, %dma_start3A_267] : memref<8192x64xf32, #tpu.memory_space<hbm>> -> memref<8192x64xf32, #tpu.memory_space<hbm>>
        tpu.enqueue_indirect_dma source(%dma_start3A_268 : memref<8192x64xf32, #tpu.memory_space<hbm>>) target(%dma_start3A_260 : memref<128x64xf32, #tpu.memory_space<vmem>>) offsets(%dma_start3A_263 : memref<128xi32, #tpu.memory_space<vmem>>) semaphore(%arg11 : memref<!tpu.dma_semaphore, #tpu.memory_space<semaphore_mem>>)
        %add3A_269 = arith.constant 64 : i32
        %add3A_270 = arith.addi %add3A_269, %add3A_242 : i32
        %dma_start3A_271 = arith.constant 256 : i32
        %dma_start3A_272 = arith.constant 0 : i32
        %dma_start3A_273 = tpu.memref_slice %arg7[%dma_start3A_271, %dma_start3A_272] : memref<384x64xf32, #tpu.memory_space<vmem>> -> memref<128x64xf32, #tpu.memory_space<vmem>>
        %dma_start3A_274 = arith.constant 0 : i32
        %dma_start3A_275 = tpu.memref_slice %arg5[%add3A_270, %dma_start3A_274] : memref<96x128xi32, #tpu.memory_space<vmem>> -> memref<1x128xi32, #tpu.memory_space<vmem>>
        %dma_start3A_276 = tpu.memref_squeeze %dma_start3A_275 : memref<1x128xi32, #tpu.memory_space<vmem>> -> memref<128xi32, #tpu.memory_space<vmem>>
        %dma_start3A_277 = arith.constant 0 : i32
        %dma_start3A_278 = tpu.memref_slice %arg2[%multiple_of3A_59, %dma_start3A_277] : memref<32768x64xf32, #tpu.memory_space<hbm>> -> memref<8192x64xf32, #tpu.memory_space<hbm>>
        %dma_start3A_279 = arith.constant 0 : i32
        %dma_start3A_280 = arith.constant 0 : i32
        %dma_start3A_281 = tpu.memref_slice %dma_start3A_278[%dma_start3A_279, %dma_start3A_280] : memref<8192x64xf32, #tpu.memory_space<hbm>> -> memref<8192x64xf32, #tpu.memory_space<hbm>>
        tpu.enqueue_indirect_dma source(%dma_start3A_281 : memref<8192x64xf32, #tpu.memory_space<hbm>>) target(%dma_start3A_273 : memref<128x64xf32, #tpu.memory_space<vmem>>) offsets(%dma_start3A_276 : memref<128xi32, #tpu.memory_space<vmem>>) semaphore(%arg11 : memref<!tpu.dma_semaphore, #tpu.memory_space<semaphore_mem>>)
      } else {
      }
      %scan3A_168 = arith.constant 0 : i32
      %scan3A_169 = arith.constant 0 : i32
      %scan3A_170 = arith.constant 128 : i32
      %scan3A_171 = arith.addi %scan3A_169, %scan3A_170 : i32
      %scan3A_172 = arith.constant 2 : i32
      scf.for %scan3A_241 = %scan3A_169 to %scan3A_171 step %scan3A_172  : i32 {
        %broadcast_in_dim3A = vector.broadcast %scan3A_241 : i32 to vector<16xi32>
        %get3A = arith.index_cast %scan3A_241 : i32 to index
        %get3A_242 = arith.constant 0 : index
        %get3A_243 = tpu.vector_load %arg6[%get3A, %get3A_242] {strides = array<i32>} : memref<384x64xf32, #tpu.memory_space<vmem>>, vector<16xf32>,
        %add3A_244 = arith.constant 128 : i32
        %add3A_245 = arith.addi %add3A_244, %scan3A_241 : i32
        %get3A_246 = arith.index_cast %add3A_245 : i32 to index
        %get3A_247 = arith.constant 0 : index
        %get3A_248 = tpu.vector_load %arg6[%get3A_246, %get3A_247] {strides = array<i32>} : memref<384x64xf32, #tpu.memory_space<vmem>>, vector<16xf32>,
        %max3A = arith.maximumf %get3A_243, %get3A_248 : vector<16xf32>
        %add3A_249 = arith.constant 256 : i32
        %add3A_250 = arith.addi %add3A_249, %scan3A_241 : i32
        %get3A_251 = arith.index_cast %add3A_250 : i32 to index
        %get3A_252 = arith.constant 0 : index
        %get3A_253 = tpu.vector_load %arg6[%get3A_251, %get3A_252] {strides = array<i32>} : memref<384x64xf32, #tpu.memory_space<vmem>>, vector<16xf32>,
        %max3A_254 = arith.maximumf %max3A, %get3A_253 : vector<16xf32>
        tpu.vector_store_idx %arg8[%add3A_62, %broadcast_in_dim3A], %max3A_254 : memref<64x129xf32, #tpu.memory_space<vmem>>[vector<16xi32>, vector<16xi32>], vector<16xf32>,
        %get3A_255 = arith.index_cast %scan3A_241 : i32 to index
        %get3A_256 = arith.constant 16 : index
        %get3A_257 = tpu.vector_load %arg6[%get3A_255, %get3A_256] {strides = array<i32>} : memref<384x64xf32, #tpu.memory_space<vmem>>, vector<16xf32>,
        %add3A_258 = arith.constant 128 : i32
        %add3A_259 = arith.addi %add3A_258, %scan3A_241 : i32
        %get3A_260 = arith.index_cast %add3A_259 : i32 to index
        %get3A_261 = arith.constant 16 : index
        %get3A_262 = tpu.vector_load %arg6[%get3A_260, %get3A_261] {strides = array<i32>} : memref<384x64xf32, #tpu.memory_space<vmem>>, vector<16xf32>,
        %max3A_263 = arith.maximumf %get3A_257, %get3A_262 : vector<16xf32>
        %add3A_264 = arith.constant 256 : i32
        %add3A_265 = arith.addi %add3A_264, %scan3A_241 : i32
        %get3A_266 = arith.index_cast %add3A_265 : i32 to index
        %get3A_267 = arith.constant 16 : index
        %get3A_268 = tpu.vector_load %arg6[%get3A_266, %get3A_267] {strides = array<i32>} : memref<384x64xf32, #tpu.memory_space<vmem>>, vector<16xf32>,
        %max3A_269 = arith.maximumf %max3A_263, %get3A_268 : vector<16xf32>
        tpu.vector_store_idx %arg8[%add3A_65, %broadcast_in_dim3A], %max3A_269 : memref<64x129xf32, #tpu.memory_space<vmem>>[vector<16xi32>, vector<16xi32>], vector<16xf32>,
        %get3A_270 = arith.index_cast %scan3A_241 : i32 to index
        %get3A_271 = arith.constant 32 : index
        %get3A_272 = tpu.vector_load %arg6[%get3A_270, %get3A_271] {strides = array<i32>} : memref<384x64xf32, #tpu.memory_space<vmem>>, vector<16xf32>,
        %add3A_273 = arith.constant 128 : i32
        %add3A_274 = arith.addi %add3A_273, %scan3A_241 : i32
        %get3A_275 = arith.index_cast %add3A_274 : i32 to index
        %get3A_276 = arith.constant 32 : index
        %get3A_277 = tpu.vector_load %arg6[%get3A_275, %get3A_276] {strides = array<i32>} : memref<384x64xf32, #tpu.memory_space<vmem>>, vector<16xf32>,
        %max3A_278 = arith.maximumf %get3A_272, %get3A_277 : vector<16xf32>
        %add3A_279 = arith.constant 256 : i32
        %add3A_280 = arith.addi %add3A_279, %scan3A_241 : i32
        %get3A_281 = arith.index_cast %add3A_280 : i32 to index
        %get3A_282 = arith.constant 32 : index
        %get3A_283 = tpu.vector_load %arg6[%get3A_281, %get3A_282] {strides = array<i32>} : memref<384x64xf32, #tpu.memory_space<vmem>>, vector<16xf32>,
        %max3A_284 = arith.maximumf %max3A_278, %get3A_283 : vector<16xf32>
        tpu.vector_store_idx %arg8[%add3A_68, %broadcast_in_dim3A], %max3A_284 : memref<64x129xf32, #tpu.memory_space<vmem>>[vector<16xi32>, vector<16xi32>], vector<16xf32>,
        %get3A_285 = arith.index_cast %scan3A_241 : i32 to index
        %get3A_286 = arith.constant 48 : index
        %get3A_287 = tpu.vector_load %arg6[%get3A_285, %get3A_286] {strides = array<i32>} : memref<384x64xf32, #tpu.memory_space<vmem>>, vector<16xf32>,
        %add3A_288 = arith.constant 128 : i32
        %add3A_289 = arith.addi %add3A_288, %scan3A_241 : i32
        %get3A_290 = arith.index_cast %add3A_289 : i32 to index
        %get3A_291 = arith.constant 48 : index
        %get3A_292 = tpu.vector_load %arg6[%get3A_290, %get3A_291] {strides = array<i32>} : memref<384x64xf32, #tpu.memory_space<vmem>>, vector<16xf32>,
        %max3A_293 = arith.maximumf %get3A_287, %get3A_292 : vector<16xf32>
        %add3A_294 = arith.constant 256 : i32
        %add3A_295 = arith.addi %add3A_294, %scan3A_241 : i32
        %get3A_296 = arith.index_cast %add3A_295 : i32 to index
        %get3A_297 = arith.constant 48 : index
        %get3A_298 = tpu.vector_load %arg6[%get3A_296, %get3A_297] {strides = array<i32>} : memref<384x64xf32, #tpu.memory_space<vmem>>, vector<16xf32>,
        %max3A_299 = arith.maximumf %max3A_293, %get3A_298 : vector<16xf32>
        tpu.vector_store_idx %arg8[%add3A_71, %broadcast_in_dim3A], %max3A_299 : memref<64x129xf32, #tpu.memory_space<vmem>>[vector<16xi32>, vector<16xi32>], vector<16xf32>,
        %scan3A_300 = arith.constant 1 : i32
        %scan3A_301 = arith.addi %scan3A_241, %scan3A_300 : i32
        %broadcast_in_dim3A_302 = vector.broadcast %scan3A_301 : i32 to vector<16xi32>
        %get3A_303 = arith.index_cast %scan3A_301 : i32 to index
        %get3A_304 = arith.constant 0 : index
        %get3A_305 = tpu.vector_load %arg6[%get3A_303, %get3A_304] {strides = array<i32>} : memref<384x64xf32, #tpu.memory_space<vmem>>, vector<16xf32>,
        %add3A_306 = arith.constant 128 : i32
        %add3A_307 = arith.addi %add3A_306, %scan3A_301 : i32
        %get3A_308 = arith.index_cast %add3A_307 : i32 to index
        %get3A_309 = arith.constant 0 : index
        %get3A_310 = tpu.vector_load %arg6[%get3A_308, %get3A_309] {strides = array<i32>} : memref<384x64xf32, #tpu.memory_space<vmem>>, vector<16xf32>,
        %max3A_311 = arith.maximumf %get3A_305, %get3A_310 : vector<16xf32>
        %add3A_312 = arith.constant 256 : i32
        %add3A_313 = arith.addi %add3A_312, %scan3A_301 : i32
        %get3A_314 = arith.index_cast %add3A_313 : i32 to index
        %get3A_315 = arith.constant 0 : index
        %get3A_316 = tpu.vector_load %arg6[%get3A_314, %get3A_315] {strides = array<i32>} : memref<384x64xf32, #tpu.memory_space<vmem>>, vector<16xf32>,
        %max3A_317 = arith.maximumf %max3A_311, %get3A_316 : vector<16xf32>
        tpu.vector_store_idx %arg8[%add3A_62, %broadcast_in_dim3A_302], %max3A_317 : memref<64x129xf32, #tpu.memory_space<vmem>>[vector<16xi32>, vector<16xi32>], vector<16xf32>,
        %get3A_318 = arith.index_cast %scan3A_301 : i32 to index
        %get3A_319 = arith.constant 16 : index
        %get3A_320 = tpu.vector_load %arg6[%get3A_318, %get3A_319] {strides = array<i32>} : memref<384x64xf32, #tpu.memory_space<vmem>>, vector<16xf32>,
        %add3A_321 = arith.constant 128 : i32
        %add3A_322 = arith.addi %add3A_321, %scan3A_301 : i32
        %get3A_323 = arith.index_cast %add3A_322 : i32 to index
        %get3A_324 = arith.constant 16 : index
        %get3A_325 = tpu.vector_load %arg6[%get3A_323, %get3A_324] {strides = array<i32>} : memref<384x64xf32, #tpu.memory_space<vmem>>, vector<16xf32>,
        %max3A_326 = arith.maximumf %get3A_320, %get3A_325 : vector<16xf32>
        %add3A_327 = arith.constant 256 : i32
        %add3A_328 = arith.addi %add3A_327, %scan3A_301 : i32
        %get3A_329 = arith.index_cast %add3A_328 : i32 to index
        %get3A_330 = arith.constant 16 : index
        %get3A_331 = tpu.vector_load %arg6[%get3A_329, %get3A_330] {strides = array<i32>} : memref<384x64xf32, #tpu.memory_space<vmem>>, vector<16xf32>,
        %max3A_332 = arith.maximumf %max3A_326, %get3A_331 : vector<16xf32>
        tpu.vector_store_idx %arg8[%add3A_65, %broadcast_in_dim3A_302], %max3A_332 : memref<64x129xf32, #tpu.memory_space<vmem>>[vector<16xi32>, vector<16xi32>], vector<16xf32>,
        %get3A_333 = arith.index_cast %scan3A_301 : i32 to index
        %get3A_334 = arith.constant 32 : index
        %get3A_335 = tpu.vector_load %arg6[%get3A_333, %get3A_334] {strides = array<i32>} : memref<384x64xf32, #tpu.memory_space<vmem>>, vector<16xf32>,
        %add3A_336 = arith.constant 128 : i32
        %add3A_337 = arith.addi %add3A_336, %scan3A_301 : i32
        %get3A_338 = arith.index_cast %add3A_337 : i32 to index
        %get3A_339 = arith.constant 32 : index
        %get3A_340 = tpu.vector_load %arg6[%get3A_338, %get3A_339] {strides = array<i32>} : memref<384x64xf32, #tpu.memory_space<vmem>>, vector<16xf32>,
        %max3A_341 = arith.maximumf %get3A_335, %get3A_340 : vector<16xf32>
        %add3A_342 = arith.constant 256 : i32
        %add3A_343 = arith.addi %add3A_342, %scan3A_301 : i32
        %get3A_344 = arith.index_cast %add3A_343 : i32 to index
        %get3A_345 = arith.constant 32 : index
        %get3A_346 = tpu.vector_load %arg6[%get3A_344, %get3A_345] {strides = array<i32>} : memref<384x64xf32, #tpu.memory_space<vmem>>, vector<16xf32>,
        %max3A_347 = arith.maximumf %max3A_341, %get3A_346 : vector<16xf32>
        tpu.vector_store_idx %arg8[%add3A_68, %broadcast_in_dim3A_302], %max3A_347 : memref<64x129xf32, #tpu.memory_space<vmem>>[vector<16xi32>, vector<16xi32>], vector<16xf32>,
        %get3A_348 = arith.index_cast %scan3A_301 : i32 to index
        %get3A_349 = arith.constant 48 : index
        %get3A_350 = tpu.vector_load %arg6[%get3A_348, %get3A_349] {strides = array<i32>} : memref<384x64xf32, #tpu.memory_space<vmem>>, vector<16xf32>,
        %add3A_351 = arith.constant 128 : i32
        %add3A_352 = arith.addi %add3A_351, %scan3A_301 : i32
        %get3A_353 = arith.index_cast %add3A_352 : i32 to index
        %get3A_354 = arith.constant 48 : index
        %get3A_355 = tpu.vector_load %arg6[%get3A_353, %get3A_354] {strides = array<i32>} : memref<384x64xf32, #tpu.memory_space<vmem>>, vector<16xf32>,
        %max3A_356 = arith.maximumf %get3A_350, %get3A_355 : vector<16xf32>
        %add3A_357 = arith.constant 256 : i32
        %add3A_358 = arith.addi %add3A_357, %scan3A_301 : i32
        %get3A_359 = arith.index_cast %add3A_358 : i32 to index
        %get3A_360 = arith.constant 48 : index
        %get3A_361 = tpu.vector_load %arg6[%get3A_359, %get3A_360] {strides = array<i32>} : memref<384x64xf32, #tpu.memory_space<vmem>>, vector<16xf32>,
        %max3A_362 = arith.maximumf %max3A_356, %get3A_361 : vector<16xf32>
        tpu.vector_store_idx %arg8[%add3A_71, %broadcast_in_dim3A_302], %max3A_362 : memref<64x129xf32, #tpu.memory_space<vmem>>[vector<16xi32>, vector<16xi32>], vector<16xf32>,
      }
      %scan3A_173 = arith.constant 128 : i32
      %add3A_174 = arith.addi %multiple_of3A, %add3A_127 : i32
      %mul3A_175 = arith.constant 4 : i32
      %mul3A_176 = arith.muli %add3A_174, %mul3A_175 : i32
      %add3A_177 = arith.addi %mul3A_176, %select_n3A : i32
      %mul3A_178 = arith.constant 64 : i32
      %mul3A_179 = arith.muli %add3A_177, %mul3A_178 : i32
      %multiple_of3A_180 = tpu.assume_multiple %mul3A_179, 8 : i32
      "tpu.region"() ({
        %run_scoped3A_241 = tpu.sem_alloc : memref<!tpu.dma_semaphore, #tpu.memory_space<semaphore_mem>>
        %dma_start3A_242 = arith.constant 0 : i32
        %dma_start3A_243 = arith.constant 0 : i32
        %dma_start3A_244 = tpu.memref_slice %arg8[%dma_start3A_242, %dma_start3A_243] : memref<64x129xf32, #tpu.memory_space<vmem>> -> memref<64x128xf32, #tpu.memory_space<vmem>>
        %dma_start3A_245 = arith.constant 0 : i32
        %dma_start3A_246 = tpu.memref_slice %arg4[%multiple_of3A_180, %dma_start3A_245] : memref<65536x128xf32, #tpu.memory_space<hbm>> -> memref<64x128xf32, #tpu.memory_space<hbm>>
        %dma_start3A_247 = arith.constant 0 : i32
        %dma_start3A_248 = tpu.memref_slice %arg4[%multiple_of3A_180, %dma_start3A_247] : memref<65536x128xf32, #tpu.memory_space<hbm>> -> memref<64x128xf32, #tpu.memory_space<hbm>>
        %dma_start3A_249 = arith.constant 0 : i32
        %dma_start3A_250 = arith.constant 0 : i32
        %dma_start3A_251 = tpu.memref_slice %arg8[%dma_start3A_249, %dma_start3A_250] : memref<64x129xf32, #tpu.memory_space<vmem>> -> memref<64x128xf32, #tpu.memory_space<vmem>>
        tpu.enqueue_dma source(%dma_start3A_251 : memref<64x128xf32, #tpu.memory_space<vmem>>) target(%dma_start3A_248 : memref<64x128xf32, #tpu.memory_space<hbm>>) target_semaphore(%run_scoped3A_241 : memref<!tpu.dma_semaphore, #tpu.memory_space<semaphore_mem>>)
        %dma_wait3A_252 = arith.constant 0 : i32
        %dma_wait3A_253 = arith.constant 0 : i32
        %dma_wait3A_254 = tpu.memref_slice %arg8[%dma_wait3A_252, %dma_wait3A_253] : memref<64x129xf32, #tpu.memory_space<vmem>> -> memref<64x128xf32, #tpu.memory_space<vmem>>
        %dma_wait3A_255 = arith.constant 0 : i32
        %dma_wait3A_256 = tpu.memref_slice %arg4[%multiple_of3A_180, %dma_wait3A_255] : memref<65536x128xf32, #tpu.memory_space<hbm>> -> memref<64x128xf32, #tpu.memory_space<hbm>>
        %dma_wait3A_257 = arith.constant 0 : i32
        %dma_wait3A_258 = tpu.memref_slice %arg4[%multiple_of3A_180, %dma_wait3A_257] : memref<65536x128xf32, #tpu.memory_space<hbm>> -> memref<64x128xf32, #tpu.memory_space<hbm>>
        %dma_wait3A_259 = arith.constant 0 : i32
        %dma_wait3A_260 = arith.constant 0 : i32
        %dma_wait3A_261 = tpu.memref_slice %arg8[%dma_wait3A_259, %dma_wait3A_260] : memref<64x129xf32, #tpu.memory_space<vmem>> -> memref<64x128xf32, #tpu.memory_space<vmem>>
        tpu.wait_dma2 semaphore(%run_scoped3A_241 : memref<!tpu.dma_semaphore, #tpu.memory_space<semaphore_mem>>) src(%dma_wait3A_261 : memref<64x128xf32, #tpu.memory_space<vmem>>) dst(%dma_wait3A_258 : memref<64x128xf32, #tpu.memory_space<hbm>>)
        tpu.yield
      }) : () -> ()
      %mul3A_181 = arith.constant 2 : i32
      %mul3A_182 = arith.muli %mul3A_181, %scan3A_123 : i32
      %add3A_183 = arith.constant 1 : i32
      %add3A_184 = arith.addi %mul3A_182, %add3A_183 : i32
      %dma_wait3A_185 = arith.constant 0 : i32
      %dma_wait3A_186 = arith.constant 0 : i32
      %dma_wait3A_187 = arith.constant 0 : i32
      %dma_wait3A_188 = tpu.memref_slice %arg7[%dma_wait3A_186, %dma_wait3A_187] : memref<384x64xf32, #tpu.memory_space<vmem>> -> memref<128x64xf32, #tpu.memory_space<vmem>>
      %dma_wait3A_189 = arith.constant 0 : i32
      %dma_wait3A_190 = tpu.memref_slice %arg5[%dma_wait3A_185, %dma_wait3A_189] : memref<96x128xi32, #tpu.memory_space<vmem>> -> memref<1x128xi32, #tpu.memory_space<vmem>>
      %dma_wait3A_191 = tpu.memref_squeeze %dma_wait3A_190 : memref<1x128xi32, #tpu.memory_space<vmem>> -> memref<128xi32, #tpu.memory_space<vmem>>
      %dma_wait3A_192 = arith.constant 0 : i32
      %dma_wait3A_193 = tpu.memref_slice %arg2[%multiple_of3A_59, %dma_wait3A_192] : memref<32768x64xf32, #tpu.memory_space<hbm>> -> memref<8192x64xf32, #tpu.memory_space<hbm>>
      %dma_wait3A_194 = arith.constant 0 : i32
      %dma_wait3A_195 = arith.constant 0 : i32
      %dma_wait3A_196 = tpu.memref_slice %dma_wait3A_193[%dma_wait3A_194, %dma_wait3A_195] : memref<8192x64xf32, #tpu.memory_space<hbm>> -> memref<8192x64xf32, #tpu.memory_space<hbm>>
      tpu.wait_indirect_dma semaphore(%arg11 : memref<!tpu.dma_semaphore, #tpu.memory_space<semaphore_mem>>) src(%dma_wait3A_196 : memref<8192x64xf32, #tpu.memory_space<hbm>>) dst(%dma_wait3A_188 : memref<128x64xf32, #tpu.memory_space<vmem>>)
      %dma_wait3A_197 = arith.constant 32 : i32
      %dma_wait3A_198 = arith.constant 128 : i32
      %dma_wait3A_199 = arith.constant 0 : i32
      %dma_wait3A_200 = tpu.memref_slice %arg7[%dma_wait3A_198, %dma_wait3A_199] : memref<384x64xf32, #tpu.memory_space<vmem>> -> memref<128x64xf32, #tpu.memory_space<vmem>>
      %dma_wait3A_201 = arith.constant 0 : i32
      %dma_wait3A_202 = tpu.memref_slice %arg5[%dma_wait3A_197, %dma_wait3A_201] : memref<96x128xi32, #tpu.memory_space<vmem>> -> memref<1x128xi32, #tpu.memory_space<vmem>>
      %dma_wait3A_203 = tpu.memref_squeeze %dma_wait3A_202 : memref<1x128xi32, #tpu.memory_space<vmem>> -> memref<128xi32, #tpu.memory_space<vmem>>
      %dma_wait3A_204 = arith.constant 0 : i32
      %dma_wait3A_205 = tpu.memref_slice %arg2[%multiple_of3A_59, %dma_wait3A_204] : memref<32768x64xf32, #tpu.memory_space<hbm>> -> memref<8192x64xf32, #tpu.memory_space<hbm>>
      %dma_wait3A_206 = arith.constant 0 : i32
      %dma_wait3A_207 = arith.constant 0 : i32
      %dma_wait3A_208 = tpu.memref_slice %dma_wait3A_205[%dma_wait3A_206, %dma_wait3A_207] : memref<8192x64xf32, #tpu.memory_space<hbm>> -> memref<8192x64xf32, #tpu.memory_space<hbm>>
      tpu.wait_indirect_dma semaphore(%arg11 : memref<!tpu.dma_semaphore, #tpu.memory_space<semaphore_mem>>) src(%dma_wait3A_208 : memref<8192x64xf32, #tpu.memory_space<hbm>>) dst(%dma_wait3A_200 : memref<128x64xf32, #tpu.memory_space<vmem>>)
      %dma_wait3A_209 = arith.constant 64 : i32
      %dma_wait3A_210 = arith.constant 256 : i32
      %dma_wait3A_211 = arith.constant 0 : i32
      %dma_wait3A_212 = tpu.memref_slice %arg7[%dma_wait3A_210, %dma_wait3A_211] : memref<384x64xf32, #tpu.memory_space<vmem>> -> memref<128x64xf32, #tpu.memory_space<vmem>>
      %dma_wait3A_213 = arith.constant 0 : i32
      %dma_wait3A_214 = tpu.memref_slice %arg5[%dma_wait3A_209, %dma_wait3A_213] : memref<96x128xi32, #tpu.memory_space<vmem>> -> memref<1x128xi32, #tpu.memory_space<vmem>>
      %dma_wait3A_215 = tpu.memref_squeeze %dma_wait3A_214 : memref<1x128xi32, #tpu.memory_space<vmem>> -> memref<128xi32, #tpu.memory_space<vmem>>
      %dma_wait3A_216 = arith.constant 0 : i32
      %dma_wait3A_217 = tpu.memref_slice %arg2[%multiple_of3A_59, %dma_wait3A_216] : memref<32768x64xf32, #tpu.memory_space<hbm>> -> memref<8192x64xf32, #tpu.memory_space<hbm>>
      %dma_wait3A_218 = arith.constant 0 : i32
      %dma_wait3A_219 = arith.constant 0 : i32
      %dma_wait3A_220 = tpu.memref_slice %dma_wait3A_217[%dma_wait3A_218, %dma_wait3A_219] : memref<8192x64xf32, #tpu.memory_space<hbm>> -> memref<8192x64xf32, #tpu.memory_space<hbm>>
      tpu.wait_indirect_dma semaphore(%arg11 : memref<!tpu.dma_semaphore, #tpu.memory_space<semaphore_mem>>) src(%dma_wait3A_220 : memref<8192x64xf32, #tpu.memory_space<hbm>>) dst(%dma_wait3A_212 : memref<128x64xf32, #tpu.memory_space<vmem>>)
      %add3A_221 = arith.constant 1 : i32
      %add3A_222 = arith.addi %add3A_184, %add3A_221 : i32
      %lt3A_223 = arith.constant 32 : i32
      %lt3A_224 = arith.cmpi slt, %add3A_222, %lt3A_223 : i32
      %convert_element_type3A_225 = arith.extui %lt3A_224 : i1 to i32
      %cond3A_226 = arith.constant 0 : i32
      %cond3A_227 = arith.cmpi ne, %convert_element_type3A_225, %cond3A_226 : i32
      scf.if %cond3A_227 {
        %add3A_241 = arith.constant 1 : i32
        %add3A_242 = arith.addi %add3A_184, %add3A_241 : i32
        %add3A_243 = arith.constant 0 : i32
        %add3A_244 = arith.addi %add3A_243, %add3A_242 : i32
        %dma_start3A_245 = arith.constant 0 : i32
        %dma_start3A_246 = arith.constant 0 : i32
        %dma_start3A_247 = tpu.memref_slice %arg6[%dma_start3A_245, %dma_start3A_246] : memref<384x64xf32, #tpu.memory_space<vmem>> -> memref<128x64xf32, #tpu.memory_space<vmem>>
        %dma_start3A_248 = arith.constant 0 : i32
        %dma_start3A_249 = tpu.memref_slice %arg5[%add3A_244, %dma_start3A_248] : memref<96x128xi32, #tpu.memory_space<vmem>> -> memref<1x128xi32, #tpu.memory_space<vmem>>
        %dma_start3A_250 = tpu.memref_squeeze %dma_start3A_249 : memref<1x128xi32, #tpu.memory_space<vmem>> -> memref<128xi32, #tpu.memory_space<vmem>>
        %dma_start3A_251 = arith.constant 0 : i32
        %dma_start3A_252 = tpu.memref_slice %arg2[%multiple_of3A_59, %dma_start3A_251] : memref<32768x64xf32, #tpu.memory_space<hbm>> -> memref<8192x64xf32, #tpu.memory_space<hbm>>
        %dma_start3A_253 = arith.constant 0 : i32
        %dma_start3A_254 = arith.constant 0 : i32
        %dma_start3A_255 = tpu.memref_slice %dma_start3A_252[%dma_start3A_253, %dma_start3A_254] : memref<8192x64xf32, #tpu.memory_space<hbm>> -> memref<8192x64xf32, #tpu.memory_space<hbm>>
        tpu.enqueue_indirect_dma source(%dma_start3A_255 : memref<8192x64xf32, #tpu.memory_space<hbm>>) target(%dma_start3A_247 : memref<128x64xf32, #tpu.memory_space<vmem>>) offsets(%dma_start3A_250 : memref<128xi32, #tpu.memory_space<vmem>>) semaphore(%arg10 : memref<!tpu.dma_semaphore, #tpu.memory_space<semaphore_mem>>)
        %add3A_256 = arith.constant 32 : i32
        %add3A_257 = arith.addi %add3A_256, %add3A_242 : i32
        %dma_start3A_258 = arith.constant 128 : i32
        %dma_start3A_259 = arith.constant 0 : i32
        %dma_start3A_260 = tpu.memref_slice %arg6[%dma_start3A_258, %dma_start3A_259] : memref<384x64xf32, #tpu.memory_space<vmem>> -> memref<128x64xf32, #tpu.memory_space<vmem>>
        %dma_start3A_261 = arith.constant 0 : i32
        %dma_start3A_262 = tpu.memref_slice %arg5[%add3A_257, %dma_start3A_261] : memref<96x128xi32, #tpu.memory_space<vmem>> -> memref<1x128xi32, #tpu.memory_space<vmem>>
        %dma_start3A_263 = tpu.memref_squeeze %dma_start3A_262 : memref<1x128xi32, #tpu.memory_space<vmem>> -> memref<128xi32, #tpu.memory_space<vmem>>
        %dma_start3A_264 = arith.constant 0 : i32
        %dma_start3A_265 = tpu.memref_slice %arg2[%multiple_of3A_59, %dma_start3A_264] : memref<32768x64xf32, #tpu.memory_space<hbm>> -> memref<8192x64xf32, #tpu.memory_space<hbm>>
        %dma_start3A_266 = arith.constant 0 : i32
        %dma_start3A_267 = arith.constant 0 : i32
        %dma_start3A_268 = tpu.memref_slice %dma_start3A_265[%dma_start3A_266, %dma_start3A_267] : memref<8192x64xf32, #tpu.memory_space<hbm>> -> memref<8192x64xf32, #tpu.memory_space<hbm>>
        tpu.enqueue_indirect_dma source(%dma_start3A_268 : memref<8192x64xf32, #tpu.memory_space<hbm>>) target(%dma_start3A_260 : memref<128x64xf32, #tpu.memory_space<vmem>>) offsets(%dma_start3A_263 : memref<128xi32, #tpu.memory_space<vmem>>) semaphore(%arg10 : memref<!tpu.dma_semaphore, #tpu.memory_space<semaphore_mem>>)
        %add3A_269 = arith.constant 64 : i32
        %add3A_270 = arith.addi %add3A_269, %add3A_242 : i32
        %dma_start3A_271 = arith.constant 256 : i32
        %dma_start3A_272 = arith.constant 0 : i32
        %dma_start3A_273 = tpu.memref_slice %arg6[%dma_start3A_271, %dma_start3A_272] : memref<384x64xf32, #tpu.memory_space<vmem>> -> memref<128x64xf32, #tpu.memory_space<vmem>>
        %dma_start3A_274 = arith.constant 0 : i32
        %dma_start3A_275 = tpu.memref_slice %arg5[%add3A_270, %dma_start3A_274] : memref<96x128xi32, #tpu.memory_space<vmem>> -> memref<1x128xi32, #tpu.memory_space<vmem>>
        %dma_start3A_276 = tpu.memref_squeeze %dma_start3A_275 : memref<1x128xi32, #tpu.memory_space<vmem>> -> memref<128xi32, #tpu.memory_space<vmem>>
        %dma_start3A_277 = arith.constant 0 : i32
        %dma_start3A_278 = tpu.memref_slice %arg2[%multiple_of3A_59, %dma_start3A_277] : memref<32768x64xf32, #tpu.memory_space<hbm>> -> memref<8192x64xf32, #tpu.memory_space<hbm>>
        %dma_start3A_279 = arith.constant 0 : i32
        %dma_start3A_280 = arith.constant 0 : i32
        %dma_start3A_281 = tpu.memref_slice %dma_start3A_278[%dma_start3A_279, %dma_start3A_280] : memref<8192x64xf32, #tpu.memory_space<hbm>> -> memref<8192x64xf32, #tpu.memory_space<hbm>>
        tpu.enqueue_indirect_dma source(%dma_start3A_281 : memref<8192x64xf32, #tpu.memory_space<hbm>>) target(%dma_start3A_273 : memref<128x64xf32, #tpu.memory_space<vmem>>) offsets(%dma_start3A_276 : memref<128xi32, #tpu.memory_space<vmem>>) semaphore(%arg10 : memref<!tpu.dma_semaphore, #tpu.memory_space<semaphore_mem>>)
      } else {
      }
      %scan3A_228 = arith.constant 0 : i32
      %scan3A_229 = arith.constant 0 : i32
      %scan3A_230 = arith.constant 128 : i32
      %scan3A_231 = arith.addi %scan3A_229, %scan3A_230 : i32
      %scan3A_232 = arith.constant 2 : i32
      scf.for %scan3A_241 = %scan3A_229 to %scan3A_231 step %scan3A_232  : i32 {
        %broadcast_in_dim3A = vector.broadcast %scan3A_241 : i32 to vector<16xi32>
        %get3A = arith.index_cast %scan3A_241 : i32 to index
        %get3A_242 = arith.constant 0 : index
        %get3A_243 = tpu.vector_load %arg7[%get3A, %get3A_242] {strides = array<i32>} : memref<384x64xf32, #tpu.memory_space<vmem>>, vector<16xf32>,
        %add3A_244 = arith.constant 128 : i32
        %add3A_245 = arith.addi %add3A_244, %scan3A_241 : i32
        %get3A_246 = arith.index_cast %add3A_245 : i32 to index
        %get3A_247 = arith.constant 0 : index
        %get3A_248 = tpu.vector_load %arg7[%get3A_246, %get3A_247] {strides = array<i32>} : memref<384x64xf32, #tpu.memory_space<vmem>>, vector<16xf32>,
        %max3A = arith.maximumf %get3A_243, %get3A_248 : vector<16xf32>
        %add3A_249 = arith.constant 256 : i32
        %add3A_250 = arith.addi %add3A_249, %scan3A_241 : i32
        %get3A_251 = arith.index_cast %add3A_250 : i32 to index
        %get3A_252 = arith.constant 0 : index
        %get3A_253 = tpu.vector_load %arg7[%get3A_251, %get3A_252] {strides = array<i32>} : memref<384x64xf32, #tpu.memory_space<vmem>>, vector<16xf32>,
        %max3A_254 = arith.maximumf %max3A, %get3A_253 : vector<16xf32>
        tpu.vector_store_idx %arg9[%add3A_62, %broadcast_in_dim3A], %max3A_254 : memref<64x129xf32, #tpu.memory_space<vmem>>[vector<16xi32>, vector<16xi32>], vector<16xf32>,
        %get3A_255 = arith.index_cast %scan3A_241 : i32 to index
        %get3A_256 = arith.constant 16 : index
        %get3A_257 = tpu.vector_load %arg7[%get3A_255, %get3A_256] {strides = array<i32>} : memref<384x64xf32, #tpu.memory_space<vmem>>, vector<16xf32>,
        %add3A_258 = arith.constant 128 : i32
        %add3A_259 = arith.addi %add3A_258, %scan3A_241 : i32
        %get3A_260 = arith.index_cast %add3A_259 : i32 to index
        %get3A_261 = arith.constant 16 : index
        %get3A_262 = tpu.vector_load %arg7[%get3A_260, %get3A_261] {strides = array<i32>} : memref<384x64xf32, #tpu.memory_space<vmem>>, vector<16xf32>,
        %max3A_263 = arith.maximumf %get3A_257, %get3A_262 : vector<16xf32>
        %add3A_264 = arith.constant 256 : i32
        %add3A_265 = arith.addi %add3A_264, %scan3A_241 : i32
        %get3A_266 = arith.index_cast %add3A_265 : i32 to index
        %get3A_267 = arith.constant 16 : index
        %get3A_268 = tpu.vector_load %arg7[%get3A_266, %get3A_267] {strides = array<i32>} : memref<384x64xf32, #tpu.memory_space<vmem>>, vector<16xf32>,
        %max3A_269 = arith.maximumf %max3A_263, %get3A_268 : vector<16xf32>
        tpu.vector_store_idx %arg9[%add3A_65, %broadcast_in_dim3A], %max3A_269 : memref<64x129xf32, #tpu.memory_space<vmem>>[vector<16xi32>, vector<16xi32>], vector<16xf32>,
        %get3A_270 = arith.index_cast %scan3A_241 : i32 to index
        %get3A_271 = arith.constant 32 : index
        %get3A_272 = tpu.vector_load %arg7[%get3A_270, %get3A_271] {strides = array<i32>} : memref<384x64xf32, #tpu.memory_space<vmem>>, vector<16xf32>,
        %add3A_273 = arith.constant 128 : i32
        %add3A_274 = arith.addi %add3A_273, %scan3A_241 : i32
        %get3A_275 = arith.index_cast %add3A_274 : i32 to index
        %get3A_276 = arith.constant 32 : index
        %get3A_277 = tpu.vector_load %arg7[%get3A_275, %get3A_276] {strides = array<i32>} : memref<384x64xf32, #tpu.memory_space<vmem>>, vector<16xf32>,
        %max3A_278 = arith.maximumf %get3A_272, %get3A_277 : vector<16xf32>
        %add3A_279 = arith.constant 256 : i32
        %add3A_280 = arith.addi %add3A_279, %scan3A_241 : i32
        %get3A_281 = arith.index_cast %add3A_280 : i32 to index
        %get3A_282 = arith.constant 32 : index
        %get3A_283 = tpu.vector_load %arg7[%get3A_281, %get3A_282] {strides = array<i32>} : memref<384x64xf32, #tpu.memory_space<vmem>>, vector<16xf32>,
        %max3A_284 = arith.maximumf %max3A_278, %get3A_283 : vector<16xf32>
        tpu.vector_store_idx %arg9[%add3A_68, %broadcast_in_dim3A], %max3A_284 : memref<64x129xf32, #tpu.memory_space<vmem>>[vector<16xi32>, vector<16xi32>], vector<16xf32>,
        %get3A_285 = arith.index_cast %scan3A_241 : i32 to index
        %get3A_286 = arith.constant 48 : index
        %get3A_287 = tpu.vector_load %arg7[%get3A_285, %get3A_286] {strides = array<i32>} : memref<384x64xf32, #tpu.memory_space<vmem>>, vector<16xf32>,
        %add3A_288 = arith.constant 128 : i32
        %add3A_289 = arith.addi %add3A_288, %scan3A_241 : i32
        %get3A_290 = arith.index_cast %add3A_289 : i32 to index
        %get3A_291 = arith.constant 48 : index
        %get3A_292 = tpu.vector_load %arg7[%get3A_290, %get3A_291] {strides = array<i32>} : memref<384x64xf32, #tpu.memory_space<vmem>>, vector<16xf32>,
        %max3A_293 = arith.maximumf %get3A_287, %get3A_292 : vector<16xf32>
        %add3A_294 = arith.constant 256 : i32
        %add3A_295 = arith.addi %add3A_294, %scan3A_241 : i32
        %get3A_296 = arith.index_cast %add3A_295 : i32 to index
        %get3A_297 = arith.constant 48 : index
        %get3A_298 = tpu.vector_load %arg7[%get3A_296, %get3A_297] {strides = array<i32>} : memref<384x64xf32, #tpu.memory_space<vmem>>, vector<16xf32>,
        %max3A_299 = arith.maximumf %max3A_293, %get3A_298 : vector<16xf32>
        tpu.vector_store_idx %arg9[%add3A_71, %broadcast_in_dim3A], %max3A_299 : memref<64x129xf32, #tpu.memory_space<vmem>>[vector<16xi32>, vector<16xi32>], vector<16xf32>,
        %scan3A_300 = arith.constant 1 : i32
        %scan3A_301 = arith.addi %scan3A_241, %scan3A_300 : i32
        %broadcast_in_dim3A_302 = vector.broadcast %scan3A_301 : i32 to vector<16xi32>
        %get3A_303 = arith.index_cast %scan3A_301 : i32 to index
        %get3A_304 = arith.constant 0 : index
        %get3A_305 = tpu.vector_load %arg7[%get3A_303, %get3A_304] {strides = array<i32>} : memref<384x64xf32, #tpu.memory_space<vmem>>, vector<16xf32>,
        %add3A_306 = arith.constant 128 : i32
        %add3A_307 = arith.addi %add3A_306, %scan3A_301 : i32
        %get3A_308 = arith.index_cast %add3A_307 : i32 to index
        %get3A_309 = arith.constant 0 : index
        %get3A_310 = tpu.vector_load %arg7[%get3A_308, %get3A_309] {strides = array<i32>} : memref<384x64xf32, #tpu.memory_space<vmem>>, vector<16xf32>,
        %max3A_311 = arith.maximumf %get3A_305, %get3A_310 : vector<16xf32>
        %add3A_312 = arith.constant 256 : i32
        %add3A_313 = arith.addi %add3A_312, %scan3A_301 : i32
        %get3A_314 = arith.index_cast %add3A_313 : i32 to index
        %get3A_315 = arith.constant 0 : index
        %get3A_316 = tpu.vector_load %arg7[%get3A_314, %get3A_315] {strides = array<i32>} : memref<384x64xf32, #tpu.memory_space<vmem>>, vector<16xf32>,
        %max3A_317 = arith.maximumf %max3A_311, %get3A_316 : vector<16xf32>
        tpu.vector_store_idx %arg9[%add3A_62, %broadcast_in_dim3A_302], %max3A_317 : memref<64x129xf32, #tpu.memory_space<vmem>>[vector<16xi32>, vector<16xi32>], vector<16xf32>,
        %get3A_318 = arith.index_cast %scan3A_301 : i32 to index
        %get3A_319 = arith.constant 16 : index
        %get3A_320 = tpu.vector_load %arg7[%get3A_318, %get3A_319] {strides = array<i32>} : memref<384x64xf32, #tpu.memory_space<vmem>>, vector<16xf32>,
        %add3A_321 = arith.constant 128 : i32
        %add3A_322 = arith.addi %add3A_321, %scan3A_301 : i32
        %get3A_323 = arith.index_cast %add3A_322 : i32 to index
        %get3A_324 = arith.constant 16 : index
        %get3A_325 = tpu.vector_load %arg7[%get3A_323, %get3A_324] {strides = array<i32>} : memref<384x64xf32, #tpu.memory_space<vmem>>, vector<16xf32>,
        %max3A_326 = arith.maximumf %get3A_320, %get3A_325 : vector<16xf32>
        %add3A_327 = arith.constant 256 : i32
        %add3A_328 = arith.addi %add3A_327, %scan3A_301 : i32
        %get3A_329 = arith.index_cast %add3A_328 : i32 to index
        %get3A_330 = arith.constant 16 : index
        %get3A_331 = tpu.vector_load %arg7[%get3A_329, %get3A_330] {strides = array<i32>} : memref<384x64xf32, #tpu.memory_space<vmem>>, vector<16xf32>,
        %max3A_332 = arith.maximumf %max3A_326, %get3A_331 : vector<16xf32>
        tpu.vector_store_idx %arg9[%add3A_65, %broadcast_in_dim3A_302], %max3A_332 : memref<64x129xf32, #tpu.memory_space<vmem>>[vector<16xi32>, vector<16xi32>], vector<16xf32>,
        %get3A_333 = arith.index_cast %scan3A_301 : i32 to index
        %get3A_334 = arith.constant 32 : index
        %get3A_335 = tpu.vector_load %arg7[%get3A_333, %get3A_334] {strides = array<i32>} : memref<384x64xf32, #tpu.memory_space<vmem>>, vector<16xf32>,
        %add3A_336 = arith.constant 128 : i32
        %add3A_337 = arith.addi %add3A_336, %scan3A_301 : i32
        %get3A_338 = arith.index_cast %add3A_337 : i32 to index
        %get3A_339 = arith.constant 32 : index
        %get3A_340 = tpu.vector_load %arg7[%get3A_338, %get3A_339] {strides = array<i32>} : memref<384x64xf32, #tpu.memory_space<vmem>>, vector<16xf32>,
        %max3A_341 = arith.maximumf %get3A_335, %get3A_340 : vector<16xf32>
        %add3A_342 = arith.constant 256 : i32
        %add3A_343 = arith.addi %add3A_342, %scan3A_301 : i32
        %get3A_344 = arith.index_cast %add3A_343 : i32 to index
        %get3A_345 = arith.constant 32 : index
        %get3A_346 = tpu.vector_load %arg7[%get3A_344, %get3A_345] {strides = array<i32>} : memref<384x64xf32, #tpu.memory_space<vmem>>, vector<16xf32>,
        %max3A_347 = arith.maximumf %max3A_341, %get3A_346 : vector<16xf32>
        tpu.vector_store_idx %arg9[%add3A_68, %broadcast_in_dim3A_302], %max3A_347 : memref<64x129xf32, #tpu.memory_space<vmem>>[vector<16xi32>, vector<16xi32>], vector<16xf32>,
        %get3A_348 = arith.index_cast %scan3A_301 : i32 to index
        %get3A_349 = arith.constant 48 : index
        %get3A_350 = tpu.vector_load %arg7[%get3A_348, %get3A_349] {strides = array<i32>} : memref<384x64xf32, #tpu.memory_space<vmem>>, vector<16xf32>,
        %add3A_351 = arith.constant 128 : i32
        %add3A_352 = arith.addi %add3A_351, %scan3A_301 : i32
        %get3A_353 = arith.index_cast %add3A_352 : i32 to index
        %get3A_354 = arith.constant 48 : index
        %get3A_355 = tpu.vector_load %arg7[%get3A_353, %get3A_354] {strides = array<i32>} : memref<384x64xf32, #tpu.memory_space<vmem>>, vector<16xf32>,
        %max3A_356 = arith.maximumf %get3A_350, %get3A_355 : vector<16xf32>
        %add3A_357 = arith.constant 256 : i32
        %add3A_358 = arith.addi %add3A_357, %scan3A_301 : i32
        %get3A_359 = arith.index_cast %add3A_358 : i32 to index
        %get3A_360 = arith.constant 48 : index
        %get3A_361 = tpu.vector_load %arg7[%get3A_359, %get3A_360] {strides = array<i32>} : memref<384x64xf32, #tpu.memory_space<vmem>>, vector<16xf32>,
        %max3A_362 = arith.maximumf %max3A_356, %get3A_361 : vector<16xf32>
        tpu.vector_store_idx %arg9[%add3A_71, %broadcast_in_dim3A_302], %max3A_362 : memref<64x129xf32, #tpu.memory_space<vmem>>[vector<16xi32>, vector<16xi32>], vector<16xf32>,
      }
      %scan3A_233 = arith.constant 128 : i32
      %add3A_234 = arith.addi %multiple_of3A, %add3A_184 : i32
      %mul3A_235 = arith.constant 4 : i32
      %mul3A_236 = arith.muli %add3A_234, %mul3A_235 : i32
      %add3A_237 = arith.addi %mul3A_236, %select_n3A : i32
      %mul3A_238 = arith.constant 64 : i32
      %mul3A_239 = arith.muli %add3A_237, %mul3A_238 : i32
      %multiple_of3A_240 = tpu.assume_multiple %mul3A_239, 8 : i32
      "tpu.region"() ({
        %run_scoped3A_241 = tpu.sem_alloc : memref<!tpu.dma_semaphore, #tpu.memory_space<semaphore_mem>>
        %dma_start3A_242 = arith.constant 0 : i32
        %dma_start3A_243 = arith.constant 0 : i32
        %dma_start3A_244 = tpu.memref_slice %arg9[%dma_start3A_242, %dma_start3A_243] : memref<64x129xf32, #tpu.memory_space<vmem>> -> memref<64x128xf32, #tpu.memory_space<vmem>>
        %dma_start3A_245 = arith.constant 0 : i32
        %dma_start3A_246 = tpu.memref_slice %arg4[%multiple_of3A_240, %dma_start3A_245] : memref<65536x128xf32, #tpu.memory_space<hbm>> -> memref<64x128xf32, #tpu.memory_space<hbm>>
        %dma_start3A_247 = arith.constant 0 : i32
        %dma_start3A_248 = tpu.memref_slice %arg4[%multiple_of3A_240, %dma_start3A_247] : memref<65536x128xf32, #tpu.memory_space<hbm>> -> memref<64x128xf32, #tpu.memory_space<hbm>>
        %dma_start3A_249 = arith.constant 0 : i32
        %dma_start3A_250 = arith.constant 0 : i32
        %dma_start3A_251 = tpu.memref_slice %arg9[%dma_start3A_249, %dma_start3A_250] : memref<64x129xf32, #tpu.memory_space<vmem>> -> memref<64x128xf32, #tpu.memory_space<vmem>>
        tpu.enqueue_dma source(%dma_start3A_251 : memref<64x128xf32, #tpu.memory_space<vmem>>) target(%dma_start3A_248 : memref<64x128xf32, #tpu.memory_space<hbm>>) target_semaphore(%run_scoped3A_241 : memref<!tpu.dma_semaphore, #tpu.memory_space<semaphore_mem>>)
        %dma_wait3A_252 = arith.constant 0 : i32
        %dma_wait3A_253 = arith.constant 0 : i32
        %dma_wait3A_254 = tpu.memref_slice %arg9[%dma_wait3A_252, %dma_wait3A_253] : memref<64x129xf32, #tpu.memory_space<vmem>> -> memref<64x128xf32, #tpu.memory_space<vmem>>
        %dma_wait3A_255 = arith.constant 0 : i32
        %dma_wait3A_256 = tpu.memref_slice %arg4[%multiple_of3A_240, %dma_wait3A_255] : memref<65536x128xf32, #tpu.memory_space<hbm>> -> memref<64x128xf32, #tpu.memory_space<hbm>>
        %dma_wait3A_257 = arith.constant 0 : i32
        %dma_wait3A_258 = tpu.memref_slice %arg4[%multiple_of3A_240, %dma_wait3A_257] : memref<65536x128xf32, #tpu.memory_space<hbm>> -> memref<64x128xf32, #tpu.memory_space<hbm>>
        %dma_wait3A_259 = arith.constant 0 : i32
        %dma_wait3A_260 = arith.constant 0 : i32
        %dma_wait3A_261 = tpu.memref_slice %arg9[%dma_wait3A_259, %dma_wait3A_260] : memref<64x129xf32, #tpu.memory_space<vmem>> -> memref<64x128xf32, #tpu.memory_space<vmem>>
        tpu.wait_dma2 semaphore(%run_scoped3A_241 : memref<!tpu.dma_semaphore, #tpu.memory_space<semaphore_mem>>) src(%dma_wait3A_261 : memref<64x128xf32, #tpu.memory_space<vmem>>) dst(%dma_wait3A_258 : memref<64x128xf32, #tpu.memory_space<hbm>>)
        tpu.yield
      }) : () -> ()
    }
    %scan3A_122 = arith.constant 16 : i32
    return
  }
}

module attributes {stable_mosaic.version = 14 : i64} {
  func.func @body(%arg0: i32, %arg1: memref<32x2xf32, #tpu.memory_space<vmem>>, %arg2: memref<32x2xf32, #tpu.memory_space<vmem>>, %arg3: memref<2048x128xf32, #tpu.memory_space<vmem>>, %arg4: memref<4x32x1024xf32, #tpu.memory_space<vmem>>, %arg5: memref<3x32x128xf32, #tpu.memory_space<vmem>>, %arg6: memref<32x64xf32, #tpu.memory_space<vmem>>, %arg7: memref<32x1xf32, #tpu.memory_space<vmem>>, %arg8: memref<32x32xf32, #tpu.memory_space<vmem>>, %arg9: memref<32x1xf32, #tpu.memory_space<vmem>>, %arg10: memref<32x1xf32, #tpu.memory_space<vmem>>, %arg11: memref<32x1xf32, #tpu.memory_space<vmem>>, %arg12: memref<32x1xf32, #tpu.memory_space<vmem>>, %arg13: memref<32x1xf32, #tpu.memory_space<vmem>>, %arg14: memref<67x32x128xf32, #tpu.memory_space<vmem>>) attributes {dimension_semantics = [#tpu.dimension_semantics<arbitrary>], iteration_bounds = array<i64: 32>, scalar_prefetch = 0 : i64, scratch_operands = 0 : i64, tpu.core_type = #tpu.core_type<tc>, window_params = [{pipeline_mode = #tpu.pipeline_mode<synchronous>, transform_indices = @transform_0, window_bounds = array<i64: 32, 2>}, {pipeline_mode = #tpu.pipeline_mode<synchronous>, transform_indices = @transform_1, window_bounds = array<i64: 32, 2>}, {transform_indices = @transform_2, window_bounds = array<i64: 2048, 128>}, {transform_indices = @transform_3, window_bounds = array<i64: 4, 32, 1024>}, {transform_indices = @transform_4, window_bounds = array<i64: 3, 32, 128>}, {pipeline_mode = #tpu.pipeline_mode<synchronous>, transform_indices = @transform_5, window_bounds = array<i64: 32, 64>}, {pipeline_mode = #tpu.pipeline_mode<synchronous>, transform_indices = @transform_6, window_bounds = array<i64: 32, 1>}, {pipeline_mode = #tpu.pipeline_mode<synchronous>, transform_indices = @transform_7, window_bounds = array<i64: 32, 32>}, {pipeline_mode = #tpu.pipeline_mode<synchronous>, transform_indices = @transform_8, window_bounds = array<i64: 32, 1>}, {pipeline_mode = #tpu.pipeline_mode<synchronous>, transform_indices = @transform_9, window_bounds = array<i64: 32, 1>}, {pipeline_mode = #tpu.pipeline_mode<synchronous>, transform_indices = @transform_10, window_bounds = array<i64: 32, 1>}, {pipeline_mode = #tpu.pipeline_mode<synchronous>, transform_indices = @transform_11, window_bounds = array<i64: 32, 1>}, {pipeline_mode = #tpu.pipeline_mode<synchronous>, transform_indices = @transform_12, window_bounds = array<i64: 32, 1>}, {transform_indices = @transform_13, window_bounds = array<i64: 67, 32, 128>}]} {
    %get3A = arith.constant 0 : index
    %get3A_0 = arith.constant 0 : index
    %get3A_1 = vector.load %arg1[%get3A, %get3A_0] : memref<32x2xf32, #tpu.memory_space<vmem>>, vector<32x2xf32>
    %slice3A = vector.extract_strided_slice %get3A_1 {offsets = [0, 0], sizes = [32, 1], strides = [1, 1]} : vector<32x2xf32> to vector<32x1xf32>
    %mul3A = arith.constant 7.62939453E-6 : f32
    %mul3A_2 = vector.broadcast %mul3A : f32 to vector<32x1xf32>
    %mul3A_3 = arith.mulf %slice3A, %mul3A_2 : vector<32x1xf32>
    %slice3A_4 = vector.extract_strided_slice %get3A_1 {offsets = [0, 1], sizes = [32, 1], strides = [1, 1]} : vector<32x2xf32> to vector<32x1xf32>
    %mul3A_5 = arith.constant 7.62939453E-6 : f32
    %mul3A_6 = vector.broadcast %mul3A_5 : f32 to vector<32x1xf32>
    %mul3A_7 = arith.mulf %slice3A_4, %mul3A_6 : vector<32x1xf32>
    %mul3A_8 = arith.mulf %mul3A_3, %mul3A_3 : vector<32x1xf32>
    %sub3A = arith.subf %mul3A_7, %mul3A_8 : vector<32x1xf32>
    %get3A_9 = arith.constant 0 : index
    %get3A_10 = arith.constant 0 : index
    %get3A_11 = vector.load %arg10[%get3A_9, %get3A_10] : memref<32x1xf32, #tpu.memory_space<vmem>>, vector<32x1xf32>
    %add3A = arith.constant 9.99999974E-6 : f32
    %add3A_12 = vector.broadcast %add3A : f32 to vector<32x1xf32>
    %add3A_13 = arith.addf %sub3A, %add3A_12 : vector<32x1xf32>
    %rsqrt3A = math.rsqrt %add3A_13 : vector<32x1xf32>
    %mul3A_14 = arith.mulf %get3A_11, %rsqrt3A : vector<32x1xf32>
    %get3A_15 = arith.constant 0 : index
    %get3A_16 = arith.constant 0 : index
    %get3A_17 = vector.load %arg11[%get3A_15, %get3A_16] : memref<32x1xf32, #tpu.memory_space<vmem>>, vector<32x1xf32>
    %mul3A_18 = arith.mulf %mul3A_3, %mul3A_14 : vector<32x1xf32>
    %sub3A_19 = arith.subf %get3A_17, %mul3A_18 : vector<32x1xf32>
    %get3A_20 = arith.constant 0 : index
    %get3A_21 = arith.constant 0 : index
    %get3A_22 = vector.load %arg2[%get3A_20, %get3A_21] : memref<32x2xf32, #tpu.memory_space<vmem>>, vector<32x2xf32>
    %slice3A_23 = vector.extract_strided_slice %get3A_22 {offsets = [0, 0], sizes = [32, 1], strides = [1, 1]} : vector<32x2xf32> to vector<32x1xf32>
    %mul3A_24 = arith.constant 7.62939453E-6 : f32
    %mul3A_25 = vector.broadcast %mul3A_24 : f32 to vector<32x1xf32>
    %mul3A_26 = arith.mulf %slice3A_23, %mul3A_25 : vector<32x1xf32>
    %slice3A_27 = vector.extract_strided_slice %get3A_22 {offsets = [0, 1], sizes = [32, 1], strides = [1, 1]} : vector<32x2xf32> to vector<32x1xf32>
    %mul3A_28 = arith.constant 7.62939453E-6 : f32
    %mul3A_29 = vector.broadcast %mul3A_28 : f32 to vector<32x1xf32>
    %mul3A_30 = arith.mulf %slice3A_27, %mul3A_29 : vector<32x1xf32>
    %mul3A_31 = arith.mulf %mul3A_26, %mul3A_26 : vector<32x1xf32>
    %sub3A_32 = arith.subf %mul3A_30, %mul3A_31 : vector<32x1xf32>
    %get3A_33 = arith.constant 0 : index
    %get3A_34 = arith.constant 0 : index
    %get3A_35 = vector.load %arg12[%get3A_33, %get3A_34] : memref<32x1xf32, #tpu.memory_space<vmem>>, vector<32x1xf32>
    %add3A_36 = arith.constant 9.99999974E-6 : f32
    %add3A_37 = vector.broadcast %add3A_36 : f32 to vector<32x1xf32>
    %add3A_38 = arith.addf %sub3A_32, %add3A_37 : vector<32x1xf32>
    %rsqrt3A_39 = math.rsqrt %add3A_38 : vector<32x1xf32>
    %mul3A_40 = arith.mulf %get3A_35, %rsqrt3A_39 : vector<32x1xf32>
    %get3A_41 = arith.constant 0 : index
    %get3A_42 = arith.constant 0 : index
    %get3A_43 = vector.load %arg13[%get3A_41, %get3A_42] : memref<32x1xf32, #tpu.memory_space<vmem>>, vector<32x1xf32>
    %mul3A_44 = arith.mulf %mul3A_26, %mul3A_40 : vector<32x1xf32>
    %sub3A_45 = arith.subf %get3A_43, %mul3A_44 : vector<32x1xf32>
    %get3A_46 = arith.constant 0 : index
    %get3A_47 = arith.constant 0 : index
    %get3A_48 = arith.constant 0 : index
    %get3A_49 = vector.load %arg5[%get3A_46, %get3A_47, %get3A_48] : memref<3x32x128xf32, #tpu.memory_space<vmem>>, vector<3x32x128xf32>
    %swap3A = arith.constant 0 : index
    %swap3A_50 = arith.constant 0 : index
    %swap3A_51 = arith.constant 0 : index
    %swap3A_52 = vector.load %arg14[%swap3A, %swap3A_50, %swap3A_51] : memref<67x32x128xf32, #tpu.memory_space<vmem>>, vector<3x32x128xf32>
    tpu.vector_store %arg14[%swap3A, %swap3A_50, %swap3A_51], %get3A_49 {strides = array<i32>} : memref<67x32x128xf32, #tpu.memory_space<vmem>>, vector<3x32x128xf32>,
    %get3A_53 = arith.constant 0 : index
    %get3A_54 = arith.constant 0 : index
    %get3A_55 = vector.load %arg8[%get3A_53, %get3A_54] : memref<32x32xf32, #tpu.memory_space<vmem>>, vector<32x32xf32>
    %get3A_56 = arith.constant 0 : index
    %get3A_57 = arith.constant 0 : index
    %get3A_58 = arith.constant 0 : index
    %get3A_59 = vector.load %arg4[%get3A_56, %get3A_57, %get3A_58] : memref<4x32x1024xf32, #tpu.memory_space<vmem>>, vector<1x32x1024xf32>
    %get3A_60 = vector.shape_cast %get3A_59 : vector<1x32x1024xf32> to vector<32x1024xf32>
    %dot_general3A = arith.constant dense<0.000000e+00> : vector<32x1024xf32>
    %dot_general3A_61 = tpu.matmul %get3A_55, %get3A_60, %dot_general3A {dimension_numbers = #tpu.dot_dimension_numbers<[1], [0], [0], [1], [0, 0, 1, 1], [], []>, transpose_lhs_hint = false} : vector<32x32xf32>, vector<32x1024xf32>, vector<32x1024xf32> -> vector<32x1024xf32>
    %get3A_62 = arith.constant 0 : index
    %get3A_63 = arith.constant 0 : index
    %get3A_64 = vector.load %arg9[%get3A_62, %get3A_63] : memref<32x1xf32, #tpu.memory_space<vmem>>, vector<32x1xf32>
    %add3A_65 = vector.broadcast %get3A_64 : vector<32x1xf32> to vector<32x1024xf32>
    %add3A_66 = arith.addf %dot_general3A_61, %add3A_65 : vector<32x1024xf32>
    %mul3A_67 = vector.broadcast %mul3A_40 : vector<32x1xf32> to vector<32x1024xf32>
    %mul3A_68 = arith.mulf %add3A_66, %mul3A_67 : vector<32x1024xf32>
    %add3A_69 = vector.broadcast %sub3A_45 : vector<32x1xf32> to vector<32x1024xf32>
    %add3A_70 = arith.addf %mul3A_68, %add3A_69 : vector<32x1024xf32>
    %max3A = arith.constant 0.000000e+00 : f32
    %max3A_71 = vector.broadcast %max3A : f32 to vector<32x1024xf32>
    %max3A_72 = arith.maximumf %add3A_70, %max3A_71 : vector<32x1024xf32>
    %slice3A_73 = vector.extract_strided_slice %max3A_72 {offsets = [0, 0], sizes = [32, 128], strides = [1, 1]} : vector<32x1024xf32> to vector<32x128xf32>
    %broadcast_in_dim3A = vector.shape_cast %slice3A_73 : vector<32x128xf32> to vector<32x1x128xf32>
    %swap3A_74 = arith.constant 3 : index
    %swap3A_75 = arith.constant 0 : index
    %swap3A_76 = arith.constant 0 : index
    %swap3A_77 = vector.load %arg14[%swap3A_74, %swap3A_75, %swap3A_76] : memref<67x32x128xf32, #tpu.memory_space<vmem>>, vector<32x1x128xf32>
    tpu.vector_store %arg14[%swap3A_74, %swap3A_75, %swap3A_76], %broadcast_in_dim3A {strides = array<i32>} : memref<67x32x128xf32, #tpu.memory_space<vmem>>, vector<32x1x128xf32>,
    %slice3A_78 = vector.extract_strided_slice %max3A_72 {offsets = [0, 128], sizes = [32, 128], strides = [1, 1]} : vector<32x1024xf32> to vector<32x128xf32>
    %broadcast_in_dim3A_79 = vector.shape_cast %slice3A_78 : vector<32x128xf32> to vector<32x1x128xf32>
    %swap3A_80 = arith.constant 3 : index
    %swap3A_81 = arith.constant 4 : index
    %swap3A_82 = arith.constant 0 : index
    %swap3A_83 = vector.load %arg14[%swap3A_80, %swap3A_81, %swap3A_82] : memref<67x32x128xf32, #tpu.memory_space<vmem>>, vector<32x1x128xf32>
    tpu.vector_store %arg14[%swap3A_80, %swap3A_81, %swap3A_82], %broadcast_in_dim3A_79 {strides = array<i32>} : memref<67x32x128xf32, #tpu.memory_space<vmem>>, vector<32x1x128xf32>,
    %slice3A_84 = vector.extract_strided_slice %max3A_72 {offsets = [0, 256], sizes = [32, 128], strides = [1, 1]} : vector<32x1024xf32> to vector<32x128xf32>
    %broadcast_in_dim3A_85 = vector.shape_cast %slice3A_84 : vector<32x128xf32> to vector<32x1x128xf32>
    %swap3A_86 = arith.constant 3 : index
    %swap3A_87 = arith.constant 8 : index
    %swap3A_88 = arith.constant 0 : index
    %swap3A_89 = vector.load %arg14[%swap3A_86, %swap3A_87, %swap3A_88] : memref<67x32x128xf32, #tpu.memory_space<vmem>>, vector<32x1x128xf32>
    tpu.vector_store %arg14[%swap3A_86, %swap3A_87, %swap3A_88], %broadcast_in_dim3A_85 {strides = array<i32>} : memref<67x32x128xf32, #tpu.memory_space<vmem>>, vector<32x1x128xf32>,
    %slice3A_90 = vector.extract_strided_slice %max3A_72 {offsets = [0, 384], sizes = [32, 128], strides = [1, 1]} : vector<32x1024xf32> to vector<32x128xf32>
    %broadcast_in_dim3A_91 = vector.shape_cast %slice3A_90 : vector<32x128xf32> to vector<32x1x128xf32>
    %swap3A_92 = arith.constant 3 : index
    %swap3A_93 = arith.constant 12 : index
    %swap3A_94 = arith.constant 0 : index
    %swap3A_95 = vector.load %arg14[%swap3A_92, %swap3A_93, %swap3A_94] : memref<67x32x128xf32, #tpu.memory_space<vmem>>, vector<32x1x128xf32>
    tpu.vector_store %arg14[%swap3A_92, %swap3A_93, %swap3A_94], %broadcast_in_dim3A_91 {strides = array<i32>} : memref<67x32x128xf32, #tpu.memory_space<vmem>>, vector<32x1x128xf32>,
    %slice3A_96 = vector.extract_strided_slice %max3A_72 {offsets = [0, 512], sizes = [32, 128], strides = [1, 1]} : vector<32x1024xf32> to vector<32x128xf32>
    %broadcast_in_dim3A_97 = vector.shape_cast %slice3A_96 : vector<32x128xf32> to vector<32x1x128xf32>
    %swap3A_98 = arith.constant 3 : index
    %swap3A_99 = arith.constant 16 : index
    %swap3A_100 = arith.constant 0 : index
    %swap3A_101 = vector.load %arg14[%swap3A_98, %swap3A_99, %swap3A_100] : memref<67x32x128xf32, #tpu.memory_space<vmem>>, vector<32x1x128xf32>
    tpu.vector_store %arg14[%swap3A_98, %swap3A_99, %swap3A_100], %broadcast_in_dim3A_97 {strides = array<i32>} : memref<67x32x128xf32, #tpu.memory_space<vmem>>, vector<32x1x128xf32>,
    %slice3A_102 = vector.extract_strided_slice %max3A_72 {offsets = [0, 640], sizes = [32, 128], strides = [1, 1]} : vector<32x1024xf32> to vector<32x128xf32>
    %broadcast_in_dim3A_103 = vector.shape_cast %slice3A_102 : vector<32x128xf32> to vector<32x1x128xf32>
    %swap3A_104 = arith.constant 3 : index
    %swap3A_105 = arith.constant 20 : index
    %swap3A_106 = arith.constant 0 : index
    %swap3A_107 = vector.load %arg14[%swap3A_104, %swap3A_105, %swap3A_106] : memref<67x32x128xf32, #tpu.memory_space<vmem>>, vector<32x1x128xf32>
    tpu.vector_store %arg14[%swap3A_104, %swap3A_105, %swap3A_106], %broadcast_in_dim3A_103 {strides = array<i32>} : memref<67x32x128xf32, #tpu.memory_space<vmem>>, vector<32x1x128xf32>,
    %slice3A_108 = vector.extract_strided_slice %max3A_72 {offsets = [0, 768], sizes = [32, 128], strides = [1, 1]} : vector<32x1024xf32> to vector<32x128xf32>
    %broadcast_in_dim3A_109 = vector.shape_cast %slice3A_108 : vector<32x128xf32> to vector<32x1x128xf32>
    %swap3A_110 = arith.constant 3 : index
    %swap3A_111 = arith.constant 24 : index
    %swap3A_112 = arith.constant 0 : index
    %swap3A_113 = vector.load %arg14[%swap3A_110, %swap3A_111, %swap3A_112] : memref<67x32x128xf32, #tpu.memory_space<vmem>>, vector<32x1x128xf32>
    tpu.vector_store %arg14[%swap3A_110, %swap3A_111, %swap3A_112], %broadcast_in_dim3A_109 {strides = array<i32>} : memref<67x32x128xf32, #tpu.memory_space<vmem>>, vector<32x1x128xf32>,
    %slice3A_114 = vector.extract_strided_slice %max3A_72 {offsets = [0, 896], sizes = [32, 128], strides = [1, 1]} : vector<32x1024xf32> to vector<32x128xf32>
    %broadcast_in_dim3A_115 = vector.shape_cast %slice3A_114 : vector<32x128xf32> to vector<32x1x128xf32>
    %swap3A_116 = arith.constant 3 : index
    %swap3A_117 = arith.constant 28 : index
    %swap3A_118 = arith.constant 0 : index
    %swap3A_119 = vector.load %arg14[%swap3A_116, %swap3A_117, %swap3A_118] : memref<67x32x128xf32, #tpu.memory_space<vmem>>, vector<32x1x128xf32>
    tpu.vector_store %arg14[%swap3A_116, %swap3A_117, %swap3A_118], %broadcast_in_dim3A_115 {strides = array<i32>} : memref<67x32x128xf32, #tpu.memory_space<vmem>>, vector<32x1x128xf32>,
    %get3A_120 = arith.constant 0 : index
    %get3A_121 = arith.constant 0 : index
    %get3A_122 = vector.load %arg8[%get3A_120, %get3A_121] : memref<32x32xf32, #tpu.memory_space<vmem>>, vector<32x32xf32>
    %get3A_123 = arith.constant 1 : index
    %get3A_124 = arith.constant 0 : index
    %get3A_125 = arith.constant 0 : index
    %get3A_126 = vector.load %arg4[%get3A_123, %get3A_124, %get3A_125] : memref<4x32x1024xf32, #tpu.memory_space<vmem>>, vector<1x32x1024xf32>
    %get3A_127 = vector.shape_cast %get3A_126 : vector<1x32x1024xf32> to vector<32x1024xf32>
    %dot_general3A_128 = arith.constant dense<0.000000e+00> : vector<32x1024xf32>
    %dot_general3A_129 = tpu.matmul %get3A_122, %get3A_127, %dot_general3A_128 {dimension_numbers = #tpu.dot_dimension_numbers<[1], [0], [0], [1], [0, 0, 1, 1], [], []>, transpose_lhs_hint = false} : vector<32x32xf32>, vector<32x1024xf32>, vector<32x1024xf32> -> vector<32x1024xf32>
    %get3A_130 = arith.constant 0 : index
    %get3A_131 = arith.constant 0 : index
    %get3A_132 = vector.load %arg9[%get3A_130, %get3A_131] : memref<32x1xf32, #tpu.memory_space<vmem>>, vector<32x1xf32>
    %add3A_133 = vector.broadcast %get3A_132 : vector<32x1xf32> to vector<32x1024xf32>
    %add3A_134 = arith.addf %dot_general3A_129, %add3A_133 : vector<32x1024xf32>
    %mul3A_135 = vector.broadcast %mul3A_40 : vector<32x1xf32> to vector<32x1024xf32>
    %mul3A_136 = arith.mulf %add3A_134, %mul3A_135 : vector<32x1024xf32>
    %add3A_137 = vector.broadcast %sub3A_45 : vector<32x1xf32> to vector<32x1024xf32>
    %add3A_138 = arith.addf %mul3A_136, %add3A_137 : vector<32x1024xf32>
    %max3A_139 = arith.constant 0.000000e+00 : f32
    %max3A_140 = vector.broadcast %max3A_139 : f32 to vector<32x1024xf32>
    %max3A_141 = arith.maximumf %add3A_138, %max3A_140 : vector<32x1024xf32>
    %slice3A_142 = vector.extract_strided_slice %max3A_141 {offsets = [0, 0], sizes = [32, 128], strides = [1, 1]} : vector<32x1024xf32> to vector<32x128xf32>
    %broadcast_in_dim3A_143 = vector.shape_cast %slice3A_142 : vector<32x128xf32> to vector<32x1x128xf32>
    %swap3A_144 = arith.constant 3 : index
    %swap3A_145 = arith.constant 1 : index
    %swap3A_146 = arith.constant 0 : index
    %swap3A_147 = vector.load %arg14[%swap3A_144, %swap3A_145, %swap3A_146] : memref<67x32x128xf32, #tpu.memory_space<vmem>>, vector<32x1x128xf32>
    tpu.vector_store %arg14[%swap3A_144, %swap3A_145, %swap3A_146], %broadcast_in_dim3A_143 {strides = array<i32>} : memref<67x32x128xf32, #tpu.memory_space<vmem>>, vector<32x1x128xf32>,
    %slice3A_148 = vector.extract_strided_slice %max3A_141 {offsets = [0, 128], sizes = [32, 128], strides = [1, 1]} : vector<32x1024xf32> to vector<32x128xf32>
    %broadcast_in_dim3A_149 = vector.shape_cast %slice3A_148 : vector<32x128xf32> to vector<32x1x128xf32>
    %swap3A_150 = arith.constant 3 : index
    %swap3A_151 = arith.constant 5 : index
    %swap3A_152 = arith.constant 0 : index
    %swap3A_153 = vector.load %arg14[%swap3A_150, %swap3A_151, %swap3A_152] : memref<67x32x128xf32, #tpu.memory_space<vmem>>, vector<32x1x128xf32>
    tpu.vector_store %arg14[%swap3A_150, %swap3A_151, %swap3A_152], %broadcast_in_dim3A_149 {strides = array<i32>} : memref<67x32x128xf32, #tpu.memory_space<vmem>>, vector<32x1x128xf32>,
    %slice3A_154 = vector.extract_strided_slice %max3A_141 {offsets = [0, 256], sizes = [32, 128], strides = [1, 1]} : vector<32x1024xf32> to vector<32x128xf32>
    %broadcast_in_dim3A_155 = vector.shape_cast %slice3A_154 : vector<32x128xf32> to vector<32x1x128xf32>
    %swap3A_156 = arith.constant 3 : index
    %swap3A_157 = arith.constant 9 : index
    %swap3A_158 = arith.constant 0 : index
    %swap3A_159 = vector.load %arg14[%swap3A_156, %swap3A_157, %swap3A_158] : memref<67x32x128xf32, #tpu.memory_space<vmem>>, vector<32x1x128xf32>
    tpu.vector_store %arg14[%swap3A_156, %swap3A_157, %swap3A_158], %broadcast_in_dim3A_155 {strides = array<i32>} : memref<67x32x128xf32, #tpu.memory_space<vmem>>, vector<32x1x128xf32>,
    %slice3A_160 = vector.extract_strided_slice %max3A_141 {offsets = [0, 384], sizes = [32, 128], strides = [1, 1]} : vector<32x1024xf32> to vector<32x128xf32>
    %broadcast_in_dim3A_161 = vector.shape_cast %slice3A_160 : vector<32x128xf32> to vector<32x1x128xf32>
    %swap3A_162 = arith.constant 3 : index
    %swap3A_163 = arith.constant 13 : index
    %swap3A_164 = arith.constant 0 : index
    %swap3A_165 = vector.load %arg14[%swap3A_162, %swap3A_163, %swap3A_164] : memref<67x32x128xf32, #tpu.memory_space<vmem>>, vector<32x1x128xf32>
    tpu.vector_store %arg14[%swap3A_162, %swap3A_163, %swap3A_164], %broadcast_in_dim3A_161 {strides = array<i32>} : memref<67x32x128xf32, #tpu.memory_space<vmem>>, vector<32x1x128xf32>,
    %slice3A_166 = vector.extract_strided_slice %max3A_141 {offsets = [0, 512], sizes = [32, 128], strides = [1, 1]} : vector<32x1024xf32> to vector<32x128xf32>
    %broadcast_in_dim3A_167 = vector.shape_cast %slice3A_166 : vector<32x128xf32> to vector<32x1x128xf32>
    %swap3A_168 = arith.constant 3 : index
    %swap3A_169 = arith.constant 17 : index
    %swap3A_170 = arith.constant 0 : index
    %swap3A_171 = vector.load %arg14[%swap3A_168, %swap3A_169, %swap3A_170] : memref<67x32x128xf32, #tpu.memory_space<vmem>>, vector<32x1x128xf32>
    tpu.vector_store %arg14[%swap3A_168, %swap3A_169, %swap3A_170], %broadcast_in_dim3A_167 {strides = array<i32>} : memref<67x32x128xf32, #tpu.memory_space<vmem>>, vector<32x1x128xf32>,
    %slice3A_172 = vector.extract_strided_slice %max3A_141 {offsets = [0, 640], sizes = [32, 128], strides = [1, 1]} : vector<32x1024xf32> to vector<32x128xf32>
    %broadcast_in_dim3A_173 = vector.shape_cast %slice3A_172 : vector<32x128xf32> to vector<32x1x128xf32>
    %swap3A_174 = arith.constant 3 : index
    %swap3A_175 = arith.constant 21 : index
    %swap3A_176 = arith.constant 0 : index
    %swap3A_177 = vector.load %arg14[%swap3A_174, %swap3A_175, %swap3A_176] : memref<67x32x128xf32, #tpu.memory_space<vmem>>, vector<32x1x128xf32>
    tpu.vector_store %arg14[%swap3A_174, %swap3A_175, %swap3A_176], %broadcast_in_dim3A_173 {strides = array<i32>} : memref<67x32x128xf32, #tpu.memory_space<vmem>>, vector<32x1x128xf32>,
    %slice3A_178 = vector.extract_strided_slice %max3A_141 {offsets = [0, 768], sizes = [32, 128], strides = [1, 1]} : vector<32x1024xf32> to vector<32x128xf32>
    %broadcast_in_dim3A_179 = vector.shape_cast %slice3A_178 : vector<32x128xf32> to vector<32x1x128xf32>
    %swap3A_180 = arith.constant 3 : index
    %swap3A_181 = arith.constant 25 : index
    %swap3A_182 = arith.constant 0 : index
    %swap3A_183 = vector.load %arg14[%swap3A_180, %swap3A_181, %swap3A_182] : memref<67x32x128xf32, #tpu.memory_space<vmem>>, vector<32x1x128xf32>
    tpu.vector_store %arg14[%swap3A_180, %swap3A_181, %swap3A_182], %broadcast_in_dim3A_179 {strides = array<i32>} : memref<67x32x128xf32, #tpu.memory_space<vmem>>, vector<32x1x128xf32>,
    %slice3A_184 = vector.extract_strided_slice %max3A_141 {offsets = [0, 896], sizes = [32, 128], strides = [1, 1]} : vector<32x1024xf32> to vector<32x128xf32>
    %broadcast_in_dim3A_185 = vector.shape_cast %slice3A_184 : vector<32x128xf32> to vector<32x1x128xf32>
    %swap3A_186 = arith.constant 3 : index
    %swap3A_187 = arith.constant 29 : index
    %swap3A_188 = arith.constant 0 : index
    %swap3A_189 = vector.load %arg14[%swap3A_186, %swap3A_187, %swap3A_188] : memref<67x32x128xf32, #tpu.memory_space<vmem>>, vector<32x1x128xf32>
    tpu.vector_store %arg14[%swap3A_186, %swap3A_187, %swap3A_188], %broadcast_in_dim3A_185 {strides = array<i32>} : memref<67x32x128xf32, #tpu.memory_space<vmem>>, vector<32x1x128xf32>,
    %get3A_190 = arith.constant 0 : index
    %get3A_191 = arith.constant 0 : index
    %get3A_192 = vector.load %arg8[%get3A_190, %get3A_191] : memref<32x32xf32, #tpu.memory_space<vmem>>, vector<32x32xf32>
    %get3A_193 = arith.constant 2 : index
    %get3A_194 = arith.constant 0 : index
    %get3A_195 = arith.constant 0 : index
    %get3A_196 = vector.load %arg4[%get3A_193, %get3A_194, %get3A_195] : memref<4x32x1024xf32, #tpu.memory_space<vmem>>, vector<1x32x1024xf32>
    %get3A_197 = vector.shape_cast %get3A_196 : vector<1x32x1024xf32> to vector<32x1024xf32>
    %dot_general3A_198 = arith.constant dense<0.000000e+00> : vector<32x1024xf32>
    %dot_general3A_199 = tpu.matmul %get3A_192, %get3A_197, %dot_general3A_198 {dimension_numbers = #tpu.dot_dimension_numbers<[1], [0], [0], [1], [0, 0, 1, 1], [], []>, transpose_lhs_hint = false} : vector<32x32xf32>, vector<32x1024xf32>, vector<32x1024xf32> -> vector<32x1024xf32>
    %get3A_200 = arith.constant 0 : index
    %get3A_201 = arith.constant 0 : index
    %get3A_202 = vector.load %arg9[%get3A_200, %get3A_201] : memref<32x1xf32, #tpu.memory_space<vmem>>, vector<32x1xf32>
    %add3A_203 = vector.broadcast %get3A_202 : vector<32x1xf32> to vector<32x1024xf32>
    %add3A_204 = arith.addf %dot_general3A_199, %add3A_203 : vector<32x1024xf32>
    %mul3A_205 = vector.broadcast %mul3A_40 : vector<32x1xf32> to vector<32x1024xf32>
    %mul3A_206 = arith.mulf %add3A_204, %mul3A_205 : vector<32x1024xf32>
    %add3A_207 = vector.broadcast %sub3A_45 : vector<32x1xf32> to vector<32x1024xf32>
    %add3A_208 = arith.addf %mul3A_206, %add3A_207 : vector<32x1024xf32>
    %max3A_209 = arith.constant 0.000000e+00 : f32
    %max3A_210 = vector.broadcast %max3A_209 : f32 to vector<32x1024xf32>
    %max3A_211 = arith.maximumf %add3A_208, %max3A_210 : vector<32x1024xf32>
    %slice3A_212 = vector.extract_strided_slice %max3A_211 {offsets = [0, 0], sizes = [32, 128], strides = [1, 1]} : vector<32x1024xf32> to vector<32x128xf32>
    %broadcast_in_dim3A_213 = vector.shape_cast %slice3A_212 : vector<32x128xf32> to vector<32x1x128xf32>
    %swap3A_214 = arith.constant 3 : index
    %swap3A_215 = arith.constant 2 : index
    %swap3A_216 = arith.constant 0 : index
    %swap3A_217 = vector.load %arg14[%swap3A_214, %swap3A_215, %swap3A_216] : memref<67x32x128xf32, #tpu.memory_space<vmem>>, vector<32x1x128xf32>
    tpu.vector_store %arg14[%swap3A_214, %swap3A_215, %swap3A_216], %broadcast_in_dim3A_213 {strides = array<i32>} : memref<67x32x128xf32, #tpu.memory_space<vmem>>, vector<32x1x128xf32>,
    %slice3A_218 = vector.extract_strided_slice %max3A_211 {offsets = [0, 128], sizes = [32, 128], strides = [1, 1]} : vector<32x1024xf32> to vector<32x128xf32>
    %broadcast_in_dim3A_219 = vector.shape_cast %slice3A_218 : vector<32x128xf32> to vector<32x1x128xf32>
    %swap3A_220 = arith.constant 3 : index
    %swap3A_221 = arith.constant 6 : index
    %swap3A_222 = arith.constant 0 : index
    %swap3A_223 = vector.load %arg14[%swap3A_220, %swap3A_221, %swap3A_222] : memref<67x32x128xf32, #tpu.memory_space<vmem>>, vector<32x1x128xf32>
    tpu.vector_store %arg14[%swap3A_220, %swap3A_221, %swap3A_222], %broadcast_in_dim3A_219 {strides = array<i32>} : memref<67x32x128xf32, #tpu.memory_space<vmem>>, vector<32x1x128xf32>,
    %slice3A_224 = vector.extract_strided_slice %max3A_211 {offsets = [0, 256], sizes = [32, 128], strides = [1, 1]} : vector<32x1024xf32> to vector<32x128xf32>
    %broadcast_in_dim3A_225 = vector.shape_cast %slice3A_224 : vector<32x128xf32> to vector<32x1x128xf32>
    %swap3A_226 = arith.constant 3 : index
    %swap3A_227 = arith.constant 10 : index
    %swap3A_228 = arith.constant 0 : index
    %swap3A_229 = vector.load %arg14[%swap3A_226, %swap3A_227, %swap3A_228] : memref<67x32x128xf32, #tpu.memory_space<vmem>>, vector<32x1x128xf32>
    tpu.vector_store %arg14[%swap3A_226, %swap3A_227, %swap3A_228], %broadcast_in_dim3A_225 {strides = array<i32>} : memref<67x32x128xf32, #tpu.memory_space<vmem>>, vector<32x1x128xf32>,
    %slice3A_230 = vector.extract_strided_slice %max3A_211 {offsets = [0, 384], sizes = [32, 128], strides = [1, 1]} : vector<32x1024xf32> to vector<32x128xf32>
    %broadcast_in_dim3A_231 = vector.shape_cast %slice3A_230 : vector<32x128xf32> to vector<32x1x128xf32>
    %swap3A_232 = arith.constant 3 : index
    %swap3A_233 = arith.constant 14 : index
    %swap3A_234 = arith.constant 0 : index
    %swap3A_235 = vector.load %arg14[%swap3A_232, %swap3A_233, %swap3A_234] : memref<67x32x128xf32, #tpu.memory_space<vmem>>, vector<32x1x128xf32>
    tpu.vector_store %arg14[%swap3A_232, %swap3A_233, %swap3A_234], %broadcast_in_dim3A_231 {strides = array<i32>} : memref<67x32x128xf32, #tpu.memory_space<vmem>>, vector<32x1x128xf32>,
    %slice3A_236 = vector.extract_strided_slice %max3A_211 {offsets = [0, 512], sizes = [32, 128], strides = [1, 1]} : vector<32x1024xf32> to vector<32x128xf32>
    %broadcast_in_dim3A_237 = vector.shape_cast %slice3A_236 : vector<32x128xf32> to vector<32x1x128xf32>
    %swap3A_238 = arith.constant 3 : index
    %swap3A_239 = arith.constant 18 : index
    %swap3A_240 = arith.constant 0 : index
    %swap3A_241 = vector.load %arg14[%swap3A_238, %swap3A_239, %swap3A_240] : memref<67x32x128xf32, #tpu.memory_space<vmem>>, vector<32x1x128xf32>
    tpu.vector_store %arg14[%swap3A_238, %swap3A_239, %swap3A_240], %broadcast_in_dim3A_237 {strides = array<i32>} : memref<67x32x128xf32, #tpu.memory_space<vmem>>, vector<32x1x128xf32>,
    %slice3A_242 = vector.extract_strided_slice %max3A_211 {offsets = [0, 640], sizes = [32, 128], strides = [1, 1]} : vector<32x1024xf32> to vector<32x128xf32>
    %broadcast_in_dim3A_243 = vector.shape_cast %slice3A_242 : vector<32x128xf32> to vector<32x1x128xf32>
    %swap3A_244 = arith.constant 3 : index
    %swap3A_245 = arith.constant 22 : index
    %swap3A_246 = arith.constant 0 : index
    %swap3A_247 = vector.load %arg14[%swap3A_244, %swap3A_245, %swap3A_246] : memref<67x32x128xf32, #tpu.memory_space<vmem>>, vector<32x1x128xf32>
    tpu.vector_store %arg14[%swap3A_244, %swap3A_245, %swap3A_246], %broadcast_in_dim3A_243 {strides = array<i32>} : memref<67x32x128xf32, #tpu.memory_space<vmem>>, vector<32x1x128xf32>,
    %slice3A_248 = vector.extract_strided_slice %max3A_211 {offsets = [0, 768], sizes = [32, 128], strides = [1, 1]} : vector<32x1024xf32> to vector<32x128xf32>
    %broadcast_in_dim3A_249 = vector.shape_cast %slice3A_248 : vector<32x128xf32> to vector<32x1x128xf32>
    %swap3A_250 = arith.constant 3 : index
    %swap3A_251 = arith.constant 26 : index
    %swap3A_252 = arith.constant 0 : index
    %swap3A_253 = vector.load %arg14[%swap3A_250, %swap3A_251, %swap3A_252] : memref<67x32x128xf32, #tpu.memory_space<vmem>>, vector<32x1x128xf32>
    tpu.vector_store %arg14[%swap3A_250, %swap3A_251, %swap3A_252], %broadcast_in_dim3A_249 {strides = array<i32>} : memref<67x32x128xf32, #tpu.memory_space<vmem>>, vector<32x1x128xf32>,
    %slice3A_254 = vector.extract_strided_slice %max3A_211 {offsets = [0, 896], sizes = [32, 128], strides = [1, 1]} : vector<32x1024xf32> to vector<32x128xf32>
    %broadcast_in_dim3A_255 = vector.shape_cast %slice3A_254 : vector<32x128xf32> to vector<32x1x128xf32>
    %swap3A_256 = arith.constant 3 : index
    %swap3A_257 = arith.constant 30 : index
    %swap3A_258 = arith.constant 0 : index
    %swap3A_259 = vector.load %arg14[%swap3A_256, %swap3A_257, %swap3A_258] : memref<67x32x128xf32, #tpu.memory_space<vmem>>, vector<32x1x128xf32>
    tpu.vector_store %arg14[%swap3A_256, %swap3A_257, %swap3A_258], %broadcast_in_dim3A_255 {strides = array<i32>} : memref<67x32x128xf32, #tpu.memory_space<vmem>>, vector<32x1x128xf32>,
    %get3A_260 = arith.constant 0 : index
    %get3A_261 = arith.constant 0 : index
    %get3A_262 = vector.load %arg8[%get3A_260, %get3A_261] : memref<32x32xf32, #tpu.memory_space<vmem>>, vector<32x32xf32>
    %get3A_263 = arith.constant 3 : index
    %get3A_264 = arith.constant 0 : index
    %get3A_265 = arith.constant 0 : index
    %get3A_266 = vector.load %arg4[%get3A_263, %get3A_264, %get3A_265] : memref<4x32x1024xf32, #tpu.memory_space<vmem>>, vector<1x32x1024xf32>
    %get3A_267 = vector.shape_cast %get3A_266 : vector<1x32x1024xf32> to vector<32x1024xf32>
    %dot_general3A_268 = arith.constant dense<0.000000e+00> : vector<32x1024xf32>
    %dot_general3A_269 = tpu.matmul %get3A_262, %get3A_267, %dot_general3A_268 {dimension_numbers = #tpu.dot_dimension_numbers<[1], [0], [0], [1], [0, 0, 1, 1], [], []>, transpose_lhs_hint = false} : vector<32x32xf32>, vector<32x1024xf32>, vector<32x1024xf32> -> vector<32x1024xf32>
    %get3A_270 = arith.constant 0 : index
    %get3A_271 = arith.constant 0 : index
    %get3A_272 = vector.load %arg9[%get3A_270, %get3A_271] : memref<32x1xf32, #tpu.memory_space<vmem>>, vector<32x1xf32>
    %add3A_273 = vector.broadcast %get3A_272 : vector<32x1xf32> to vector<32x1024xf32>
    %add3A_274 = arith.addf %dot_general3A_269, %add3A_273 : vector<32x1024xf32>
    %mul3A_275 = vector.broadcast %mul3A_40 : vector<32x1xf32> to vector<32x1024xf32>
    %mul3A_276 = arith.mulf %add3A_274, %mul3A_275 : vector<32x1024xf32>
    %add3A_277 = vector.broadcast %sub3A_45 : vector<32x1xf32> to vector<32x1024xf32>
    %add3A_278 = arith.addf %mul3A_276, %add3A_277 : vector<32x1024xf32>
    %max3A_279 = arith.constant 0.000000e+00 : f32
    %max3A_280 = vector.broadcast %max3A_279 : f32 to vector<32x1024xf32>
    %max3A_281 = arith.maximumf %add3A_278, %max3A_280 : vector<32x1024xf32>
    %slice3A_282 = vector.extract_strided_slice %max3A_281 {offsets = [0, 0], sizes = [32, 128], strides = [1, 1]} : vector<32x1024xf32> to vector<32x128xf32>
    %broadcast_in_dim3A_283 = vector.shape_cast %slice3A_282 : vector<32x128xf32> to vector<32x1x128xf32>
    %swap3A_284 = arith.constant 3 : index
    %swap3A_285 = arith.constant 3 : index
    %swap3A_286 = arith.constant 0 : index
    %swap3A_287 = vector.load %arg14[%swap3A_284, %swap3A_285, %swap3A_286] : memref<67x32x128xf32, #tpu.memory_space<vmem>>, vector<32x1x128xf32>
    tpu.vector_store %arg14[%swap3A_284, %swap3A_285, %swap3A_286], %broadcast_in_dim3A_283 {strides = array<i32>} : memref<67x32x128xf32, #tpu.memory_space<vmem>>, vector<32x1x128xf32>,
    %slice3A_288 = vector.extract_strided_slice %max3A_281 {offsets = [0, 128], sizes = [32, 128], strides = [1, 1]} : vector<32x1024xf32> to vector<32x128xf32>
    %broadcast_in_dim3A_289 = vector.shape_cast %slice3A_288 : vector<32x128xf32> to vector<32x1x128xf32>
    %swap3A_290 = arith.constant 3 : index
    %swap3A_291 = arith.constant 7 : index
    %swap3A_292 = arith.constant 0 : index
    %swap3A_293 = vector.load %arg14[%swap3A_290, %swap3A_291, %swap3A_292] : memref<67x32x128xf32, #tpu.memory_space<vmem>>, vector<32x1x128xf32>
    tpu.vector_store %arg14[%swap3A_290, %swap3A_291, %swap3A_292], %broadcast_in_dim3A_289 {strides = array<i32>} : memref<67x32x128xf32, #tpu.memory_space<vmem>>, vector<32x1x128xf32>,
    %slice3A_294 = vector.extract_strided_slice %max3A_281 {offsets = [0, 256], sizes = [32, 128], strides = [1, 1]} : vector<32x1024xf32> to vector<32x128xf32>
    %broadcast_in_dim3A_295 = vector.shape_cast %slice3A_294 : vector<32x128xf32> to vector<32x1x128xf32>
    %swap3A_296 = arith.constant 3 : index
    %swap3A_297 = arith.constant 11 : index
    %swap3A_298 = arith.constant 0 : index
    %swap3A_299 = vector.load %arg14[%swap3A_296, %swap3A_297, %swap3A_298] : memref<67x32x128xf32, #tpu.memory_space<vmem>>, vector<32x1x128xf32>
    tpu.vector_store %arg14[%swap3A_296, %swap3A_297, %swap3A_298], %broadcast_in_dim3A_295 {strides = array<i32>} : memref<67x32x128xf32, #tpu.memory_space<vmem>>, vector<32x1x128xf32>,
    %slice3A_300 = vector.extract_strided_slice %max3A_281 {offsets = [0, 384], sizes = [32, 128], strides = [1, 1]} : vector<32x1024xf32> to vector<32x128xf32>
    %broadcast_in_dim3A_301 = vector.shape_cast %slice3A_300 : vector<32x128xf32> to vector<32x1x128xf32>
    %swap3A_302 = arith.constant 3 : index
    %swap3A_303 = arith.constant 15 : index
    %swap3A_304 = arith.constant 0 : index
    %swap3A_305 = vector.load %arg14[%swap3A_302, %swap3A_303, %swap3A_304] : memref<67x32x128xf32, #tpu.memory_space<vmem>>, vector<32x1x128xf32>
    tpu.vector_store %arg14[%swap3A_302, %swap3A_303, %swap3A_304], %broadcast_in_dim3A_301 {strides = array<i32>} : memref<67x32x128xf32, #tpu.memory_space<vmem>>, vector<32x1x128xf32>,
    %slice3A_306 = vector.extract_strided_slice %max3A_281 {offsets = [0, 512], sizes = [32, 128], strides = [1, 1]} : vector<32x1024xf32> to vector<32x128xf32>
    %broadcast_in_dim3A_307 = vector.shape_cast %slice3A_306 : vector<32x128xf32> to vector<32x1x128xf32>
    %swap3A_308 = arith.constant 3 : index
    %swap3A_309 = arith.constant 19 : index
    %swap3A_310 = arith.constant 0 : index
    %swap3A_311 = vector.load %arg14[%swap3A_308, %swap3A_309, %swap3A_310] : memref<67x32x128xf32, #tpu.memory_space<vmem>>, vector<32x1x128xf32>
    tpu.vector_store %arg14[%swap3A_308, %swap3A_309, %swap3A_310], %broadcast_in_dim3A_307 {strides = array<i32>} : memref<67x32x128xf32, #tpu.memory_space<vmem>>, vector<32x1x128xf32>,
    %slice3A_312 = vector.extract_strided_slice %max3A_281 {offsets = [0, 640], sizes = [32, 128], strides = [1, 1]} : vector<32x1024xf32> to vector<32x128xf32>
    %broadcast_in_dim3A_313 = vector.shape_cast %slice3A_312 : vector<32x128xf32> to vector<32x1x128xf32>
    %swap3A_314 = arith.constant 3 : index
    %swap3A_315 = arith.constant 23 : index
    %swap3A_316 = arith.constant 0 : index
    %swap3A_317 = vector.load %arg14[%swap3A_314, %swap3A_315, %swap3A_316] : memref<67x32x128xf32, #tpu.memory_space<vmem>>, vector<32x1x128xf32>
    tpu.vector_store %arg14[%swap3A_314, %swap3A_315, %swap3A_316], %broadcast_in_dim3A_313 {strides = array<i32>} : memref<67x32x128xf32, #tpu.memory_space<vmem>>, vector<32x1x128xf32>,
    %slice3A_318 = vector.extract_strided_slice %max3A_281 {offsets = [0, 768], sizes = [32, 128], strides = [1, 1]} : vector<32x1024xf32> to vector<32x128xf32>
    %broadcast_in_dim3A_319 = vector.shape_cast %slice3A_318 : vector<32x128xf32> to vector<32x1x128xf32>
    %swap3A_320 = arith.constant 3 : index
    %swap3A_321 = arith.constant 27 : index
    %swap3A_322 = arith.constant 0 : index
    %swap3A_323 = vector.load %arg14[%swap3A_320, %swap3A_321, %swap3A_322] : memref<67x32x128xf32, #tpu.memory_space<vmem>>, vector<32x1x128xf32>
    tpu.vector_store %arg14[%swap3A_320, %swap3A_321, %swap3A_322], %broadcast_in_dim3A_319 {strides = array<i32>} : memref<67x32x128xf32, #tpu.memory_space<vmem>>, vector<32x1x128xf32>,
    %slice3A_324 = vector.extract_strided_slice %max3A_281 {offsets = [0, 896], sizes = [32, 128], strides = [1, 1]} : vector<32x1024xf32> to vector<32x128xf32>
    %broadcast_in_dim3A_325 = vector.shape_cast %slice3A_324 : vector<32x128xf32> to vector<32x1x128xf32>
    %swap3A_326 = arith.constant 3 : index
    %swap3A_327 = arith.constant 31 : index
    %swap3A_328 = arith.constant 0 : index
    %swap3A_329 = vector.load %arg14[%swap3A_326, %swap3A_327, %swap3A_328] : memref<67x32x128xf32, #tpu.memory_space<vmem>>, vector<32x1x128xf32>
    tpu.vector_store %arg14[%swap3A_326, %swap3A_327, %swap3A_328], %broadcast_in_dim3A_325 {strides = array<i32>} : memref<67x32x128xf32, #tpu.memory_space<vmem>>, vector<32x1x128xf32>,
    %get3A_330 = arith.constant 0 : index
    %get3A_331 = arith.constant 0 : index
    %get3A_332 = vector.load %arg3[%get3A_330, %get3A_331] : memref<2048x128xf32, #tpu.memory_space<vmem>>, vector<2048x128xf32>
    %reshape3A = vector.shape_cast %get3A_332 : vector<2048x128xf32> to vector<8x4x64x128xf32>
    %get3A_333 = arith.constant 0 : index
    %get3A_334 = arith.constant 0 : index
    %get3A_335 = vector.load %arg6[%get3A_333, %get3A_334] : memref<32x64xf32, #tpu.memory_space<vmem>>, vector<32x64xf32>
    %slice3A_336 = vector.extract_strided_slice %reshape3A {offsets = [0, 0, 0, 0], sizes = [1, 1, 64, 128], strides = [1, 1, 1, 1]} : vector<8x4x64x128xf32> to vector<1x1x64x128xf32>
    %squeeze3A = vector.shape_cast %slice3A_336 : vector<1x1x64x128xf32> to vector<64x128xf32>
    %dot_general3A_337 = arith.constant dense<0.000000e+00> : vector<32x128xf32>
    %dot_general3A_338 = tpu.matmul %get3A_335, %squeeze3A, %dot_general3A_337 {dimension_numbers = #tpu.dot_dimension_numbers<[1], [0], [0], [1], [0, 0, 1, 1], [], []>, transpose_lhs_hint = false} : vector<32x64xf32>, vector<64x128xf32>, vector<32x128xf32> -> vector<32x128xf32>
    %get3A_339 = arith.constant 0 : index
    %get3A_340 = arith.constant 0 : index
    %get3A_341 = vector.load %arg7[%get3A_339, %get3A_340] : memref<32x1xf32, #tpu.memory_space<vmem>>, vector<32x1xf32>
    %add3A_342 = vector.broadcast %get3A_341 : vector<32x1xf32> to vector<32x128xf32>
    %add3A_343 = arith.addf %dot_general3A_338, %add3A_342 : vector<32x128xf32>
    %mul3A_344 = vector.broadcast %mul3A_14 : vector<32x1xf32> to vector<32x128xf32>
    %mul3A_345 = arith.mulf %add3A_343, %mul3A_344 : vector<32x128xf32>
    %add3A_346 = vector.broadcast %sub3A_19 : vector<32x1xf32> to vector<32x128xf32>
    %add3A_347 = arith.addf %mul3A_345, %add3A_346 : vector<32x128xf32>
    %max3A_348 = arith.constant 0.000000e+00 : f32
    %max3A_349 = vector.broadcast %max3A_348 : f32 to vector<32x128xf32>
    %max3A_350 = arith.maximumf %add3A_347, %max3A_349 : vector<32x128xf32>
    %broadcast_in_dim3A_351 = vector.shape_cast %max3A_350 : vector<32x128xf32> to vector<32x1x128xf32>
    %swap3A_352 = arith.constant 35 : index
    %swap3A_353 = arith.constant 0 : index
    %swap3A_354 = arith.constant 0 : index
    %swap3A_355 = vector.load %arg14[%swap3A_352, %swap3A_353, %swap3A_354] : memref<67x32x128xf32, #tpu.memory_space<vmem>>, vector<32x1x128xf32>
    tpu.vector_store %arg14[%swap3A_352, %swap3A_353, %swap3A_354], %broadcast_in_dim3A_351 {strides = array<i32>} : memref<67x32x128xf32, #tpu.memory_space<vmem>>, vector<32x1x128xf32>,
    %get3A_356 = arith.constant 0 : index
    %get3A_357 = arith.constant 0 : index
    %get3A_358 = vector.load %arg6[%get3A_356, %get3A_357] : memref<32x64xf32, #tpu.memory_space<vmem>>, vector<32x64xf32>
    %slice3A_359 = vector.extract_strided_slice %reshape3A {offsets = [0, 1, 0, 0], sizes = [1, 1, 64, 128], strides = [1, 1, 1, 1]} : vector<8x4x64x128xf32> to vector<1x1x64x128xf32>
    %squeeze3A_360 = vector.shape_cast %slice3A_359 : vector<1x1x64x128xf32> to vector<64x128xf32>
    %dot_general3A_361 = arith.constant dense<0.000000e+00> : vector<32x128xf32>
    %dot_general3A_362 = tpu.matmul %get3A_358, %squeeze3A_360, %dot_general3A_361 {dimension_numbers = #tpu.dot_dimension_numbers<[1], [0], [0], [1], [0, 0, 1, 1], [], []>, transpose_lhs_hint = false} : vector<32x64xf32>, vector<64x128xf32>, vector<32x128xf32> -> vector<32x128xf32>
    %get3A_363 = arith.constant 0 : index
    %get3A_364 = arith.constant 0 : index
    %get3A_365 = vector.load %arg7[%get3A_363, %get3A_364] : memref<32x1xf32, #tpu.memory_space<vmem>>, vector<32x1xf32>
    %add3A_366 = vector.broadcast %get3A_365 : vector<32x1xf32> to vector<32x128xf32>
    %add3A_367 = arith.addf %dot_general3A_362, %add3A_366 : vector<32x128xf32>
    %mul3A_368 = vector.broadcast %mul3A_14 : vector<32x1xf32> to vector<32x128xf32>
    %mul3A_369 = arith.mulf %add3A_367, %mul3A_368 : vector<32x128xf32>
    %add3A_370 = vector.broadcast %sub3A_19 : vector<32x1xf32> to vector<32x128xf32>
    %add3A_371 = arith.addf %mul3A_369, %add3A_370 : vector<32x128xf32>
    %max3A_372 = arith.constant 0.000000e+00 : f32
    %max3A_373 = vector.broadcast %max3A_372 : f32 to vector<32x128xf32>
    %max3A_374 = arith.maximumf %add3A_371, %max3A_373 : vector<32x128xf32>
    %broadcast_in_dim3A_375 = vector.shape_cast %max3A_374 : vector<32x128xf32> to vector<32x1x128xf32>
    %swap3A_376 = arith.constant 35 : index
    %swap3A_377 = arith.constant 1 : index
    %swap3A_378 = arith.constant 0 : index
    %swap3A_379 = vector.load %arg14[%swap3A_376, %swap3A_377, %swap3A_378] : memref<67x32x128xf32, #tpu.memory_space<vmem>>, vector<32x1x128xf32>
    tpu.vector_store %arg14[%swap3A_376, %swap3A_377, %swap3A_378], %broadcast_in_dim3A_375 {strides = array<i32>} : memref<67x32x128xf32, #tpu.memory_space<vmem>>, vector<32x1x128xf32>,
    %get3A_380 = arith.constant 0 : index
    %get3A_381 = arith.constant 0 : index
    %get3A_382 = vector.load %arg6[%get3A_380, %get3A_381] : memref<32x64xf32, #tpu.memory_space<vmem>>, vector<32x64xf32>
    %slice3A_383 = vector.extract_strided_slice %reshape3A {offsets = [0, 2, 0, 0], sizes = [1, 1, 64, 128], strides = [1, 1, 1, 1]} : vector<8x4x64x128xf32> to vector<1x1x64x128xf32>
    %squeeze3A_384 = vector.shape_cast %slice3A_383 : vector<1x1x64x128xf32> to vector<64x128xf32>
    %dot_general3A_385 = arith.constant dense<0.000000e+00> : vector<32x128xf32>
    %dot_general3A_386 = tpu.matmul %get3A_382, %squeeze3A_384, %dot_general3A_385 {dimension_numbers = #tpu.dot_dimension_numbers<[1], [0], [0], [1], [0, 0, 1, 1], [], []>, transpose_lhs_hint = false} : vector<32x64xf32>, vector<64x128xf32>, vector<32x128xf32> -> vector<32x128xf32>
    %get3A_387 = arith.constant 0 : index
    %get3A_388 = arith.constant 0 : index
    %get3A_389 = vector.load %arg7[%get3A_387, %get3A_388] : memref<32x1xf32, #tpu.memory_space<vmem>>, vector<32x1xf32>
    %add3A_390 = vector.broadcast %get3A_389 : vector<32x1xf32> to vector<32x128xf32>
    %add3A_391 = arith.addf %dot_general3A_386, %add3A_390 : vector<32x128xf32>
    %mul3A_392 = vector.broadcast %mul3A_14 : vector<32x1xf32> to vector<32x128xf32>
    %mul3A_393 = arith.mulf %add3A_391, %mul3A_392 : vector<32x128xf32>
    %add3A_394 = vector.broadcast %sub3A_19 : vector<32x1xf32> to vector<32x128xf32>
    %add3A_395 = arith.addf %mul3A_393, %add3A_394 : vector<32x128xf32>
    %max3A_396 = arith.constant 0.000000e+00 : f32
    %max3A_397 = vector.broadcast %max3A_396 : f32 to vector<32x128xf32>
    %max3A_398 = arith.maximumf %add3A_395, %max3A_397 : vector<32x128xf32>
    %broadcast_in_dim3A_399 = vector.shape_cast %max3A_398 : vector<32x128xf32> to vector<32x1x128xf32>
    %swap3A_400 = arith.constant 35 : index
    %swap3A_401 = arith.constant 2 : index
    %swap3A_402 = arith.constant 0 : index
    %swap3A_403 = vector.load %arg14[%swap3A_400, %swap3A_401, %swap3A_402] : memref<67x32x128xf32, #tpu.memory_space<vmem>>, vector<32x1x128xf32>
    tpu.vector_store %arg14[%swap3A_400, %swap3A_401, %swap3A_402], %broadcast_in_dim3A_399 {strides = array<i32>} : memref<67x32x128xf32, #tpu.memory_space<vmem>>, vector<32x1x128xf32>,
    %get3A_404 = arith.constant 0 : index
    %get3A_405 = arith.constant 0 : index
    %get3A_406 = vector.load %arg6[%get3A_404, %get3A_405] : memref<32x64xf32, #tpu.memory_space<vmem>>, vector<32x64xf32>
    %slice3A_407 = vector.extract_strided_slice %reshape3A {offsets = [0, 3, 0, 0], sizes = [1, 1, 64, 128], strides = [1, 1, 1, 1]} : vector<8x4x64x128xf32> to vector<1x1x64x128xf32>
    %squeeze3A_408 = vector.shape_cast %slice3A_407 : vector<1x1x64x128xf32> to vector<64x128xf32>
    %dot_general3A_409 = arith.constant dense<0.000000e+00> : vector<32x128xf32>
    %dot_general3A_410 = tpu.matmul %get3A_406, %squeeze3A_408, %dot_general3A_409 {dimension_numbers = #tpu.dot_dimension_numbers<[1], [0], [0], [1], [0, 0, 1, 1], [], []>, transpose_lhs_hint = false} : vector<32x64xf32>, vector<64x128xf32>, vector<32x128xf32> -> vector<32x128xf32>
    %get3A_411 = arith.constant 0 : index
    %get3A_412 = arith.constant 0 : index
    %get3A_413 = vector.load %arg7[%get3A_411, %get3A_412] : memref<32x1xf32, #tpu.memory_space<vmem>>, vector<32x1xf32>
    %add3A_414 = vector.broadcast %get3A_413 : vector<32x1xf32> to vector<32x128xf32>
    %add3A_415 = arith.addf %dot_general3A_410, %add3A_414 : vector<32x128xf32>
    %mul3A_416 = vector.broadcast %mul3A_14 : vector<32x1xf32> to vector<32x128xf32>
    %mul3A_417 = arith.mulf %add3A_415, %mul3A_416 : vector<32x128xf32>
    %add3A_418 = vector.broadcast %sub3A_19 : vector<32x1xf32> to vector<32x128xf32>
    %add3A_419 = arith.addf %mul3A_417, %add3A_418 : vector<32x128xf32>
    %max3A_420 = arith.constant 0.000000e+00 : f32
    %max3A_421 = vector.broadcast %max3A_420 : f32 to vector<32x128xf32>
    %max3A_422 = arith.maximumf %add3A_419, %max3A_421 : vector<32x128xf32>
    %broadcast_in_dim3A_423 = vector.shape_cast %max3A_422 : vector<32x128xf32> to vector<32x1x128xf32>
    %swap3A_424 = arith.constant 35 : index
    %swap3A_425 = arith.constant 3 : index
    %swap3A_426 = arith.constant 0 : index
    %swap3A_427 = vector.load %arg14[%swap3A_424, %swap3A_425, %swap3A_426] : memref<67x32x128xf32, #tpu.memory_space<vmem>>, vector<32x1x128xf32>
    tpu.vector_store %arg14[%swap3A_424, %swap3A_425, %swap3A_426], %broadcast_in_dim3A_423 {strides = array<i32>} : memref<67x32x128xf32, #tpu.memory_space<vmem>>, vector<32x1x128xf32>,
    %get3A_428 = arith.constant 0 : index
    %get3A_429 = arith.constant 0 : index
    %get3A_430 = vector.load %arg6[%get3A_428, %get3A_429] : memref<32x64xf32, #tpu.memory_space<vmem>>, vector<32x64xf32>
    %slice3A_431 = vector.extract_strided_slice %reshape3A {offsets = [1, 0, 0, 0], sizes = [1, 1, 64, 128], strides = [1, 1, 1, 1]} : vector<8x4x64x128xf32> to vector<1x1x64x128xf32>
    %squeeze3A_432 = vector.shape_cast %slice3A_431 : vector<1x1x64x128xf32> to vector<64x128xf32>
    %dot_general3A_433 = arith.constant dense<0.000000e+00> : vector<32x128xf32>
    %dot_general3A_434 = tpu.matmul %get3A_430, %squeeze3A_432, %dot_general3A_433 {dimension_numbers = #tpu.dot_dimension_numbers<[1], [0], [0], [1], [0, 0, 1, 1], [], []>, transpose_lhs_hint = false} : vector<32x64xf32>, vector<64x128xf32>, vector<32x128xf32> -> vector<32x128xf32>
    %get3A_435 = arith.constant 0 : index
    %get3A_436 = arith.constant 0 : index
    %get3A_437 = vector.load %arg7[%get3A_435, %get3A_436] : memref<32x1xf32, #tpu.memory_space<vmem>>, vector<32x1xf32>
    %add3A_438 = vector.broadcast %get3A_437 : vector<32x1xf32> to vector<32x128xf32>
    %add3A_439 = arith.addf %dot_general3A_434, %add3A_438 : vector<32x128xf32>
    %mul3A_440 = vector.broadcast %mul3A_14 : vector<32x1xf32> to vector<32x128xf32>
    %mul3A_441 = arith.mulf %add3A_439, %mul3A_440 : vector<32x128xf32>
    %add3A_442 = vector.broadcast %sub3A_19 : vector<32x1xf32> to vector<32x128xf32>
    %add3A_443 = arith.addf %mul3A_441, %add3A_442 : vector<32x128xf32>
    %max3A_444 = arith.constant 0.000000e+00 : f32
    %max3A_445 = vector.broadcast %max3A_444 : f32 to vector<32x128xf32>
    %max3A_446 = arith.maximumf %add3A_443, %max3A_445 : vector<32x128xf32>
    %broadcast_in_dim3A_447 = vector.shape_cast %max3A_446 : vector<32x128xf32> to vector<32x1x128xf32>
    %swap3A_448 = arith.constant 35 : index
    %swap3A_449 = arith.constant 4 : index
    %swap3A_450 = arith.constant 0 : index
    %swap3A_451 = vector.load %arg14[%swap3A_448, %swap3A_449, %swap3A_450] : memref<67x32x128xf32, #tpu.memory_space<vmem>>, vector<32x1x128xf32>
    tpu.vector_store %arg14[%swap3A_448, %swap3A_449, %swap3A_450], %broadcast_in_dim3A_447 {strides = array<i32>} : memref<67x32x128xf32, #tpu.memory_space<vmem>>, vector<32x1x128xf32>,
    %get3A_452 = arith.constant 0 : index
    %get3A_453 = arith.constant 0 : index
    %get3A_454 = vector.load %arg6[%get3A_452, %get3A_453] : memref<32x64xf32, #tpu.memory_space<vmem>>, vector<32x64xf32>
    %slice3A_455 = vector.extract_strided_slice %reshape3A {offsets = [1, 1, 0, 0], sizes = [1, 1, 64, 128], strides = [1, 1, 1, 1]} : vector<8x4x64x128xf32> to vector<1x1x64x128xf32>
    %squeeze3A_456 = vector.shape_cast %slice3A_455 : vector<1x1x64x128xf32> to vector<64x128xf32>
    %dot_general3A_457 = arith.constant dense<0.000000e+00> : vector<32x128xf32>
    %dot_general3A_458 = tpu.matmul %get3A_454, %squeeze3A_456, %dot_general3A_457 {dimension_numbers = #tpu.dot_dimension_numbers<[1], [0], [0], [1], [0, 0, 1, 1], [], []>, transpose_lhs_hint = false} : vector<32x64xf32>, vector<64x128xf32>, vector<32x128xf32> -> vector<32x128xf32>
    %get3A_459 = arith.constant 0 : index
    %get3A_460 = arith.constant 0 : index
    %get3A_461 = vector.load %arg7[%get3A_459, %get3A_460] : memref<32x1xf32, #tpu.memory_space<vmem>>, vector<32x1xf32>
    %add3A_462 = vector.broadcast %get3A_461 : vector<32x1xf32> to vector<32x128xf32>
    %add3A_463 = arith.addf %dot_general3A_458, %add3A_462 : vector<32x128xf32>
    %mul3A_464 = vector.broadcast %mul3A_14 : vector<32x1xf32> to vector<32x128xf32>
    %mul3A_465 = arith.mulf %add3A_463, %mul3A_464 : vector<32x128xf32>
    %add3A_466 = vector.broadcast %sub3A_19 : vector<32x1xf32> to vector<32x128xf32>
    %add3A_467 = arith.addf %mul3A_465, %add3A_466 : vector<32x128xf32>
    %max3A_468 = arith.constant 0.000000e+00 : f32
    %max3A_469 = vector.broadcast %max3A_468 : f32 to vector<32x128xf32>
    %max3A_470 = arith.maximumf %add3A_467, %max3A_469 : vector<32x128xf32>
    %broadcast_in_dim3A_471 = vector.shape_cast %max3A_470 : vector<32x128xf32> to vector<32x1x128xf32>
    %swap3A_472 = arith.constant 35 : index
    %swap3A_473 = arith.constant 5 : index
    %swap3A_474 = arith.constant 0 : index
    %swap3A_475 = vector.load %arg14[%swap3A_472, %swap3A_473, %swap3A_474] : memref<67x32x128xf32, #tpu.memory_space<vmem>>, vector<32x1x128xf32>
    tpu.vector_store %arg14[%swap3A_472, %swap3A_473, %swap3A_474], %broadcast_in_dim3A_471 {strides = array<i32>} : memref<67x32x128xf32, #tpu.memory_space<vmem>>, vector<32x1x128xf32>,
    %get3A_476 = arith.constant 0 : index
    %get3A_477 = arith.constant 0 : index
    %get3A_478 = vector.load %arg6[%get3A_476, %get3A_477] : memref<32x64xf32, #tpu.memory_space<vmem>>, vector<32x64xf32>
    %slice3A_479 = vector.extract_strided_slice %reshape3A {offsets = [1, 2, 0, 0], sizes = [1, 1, 64, 128], strides = [1, 1, 1, 1]} : vector<8x4x64x128xf32> to vector<1x1x64x128xf32>
    %squeeze3A_480 = vector.shape_cast %slice3A_479 : vector<1x1x64x128xf32> to vector<64x128xf32>
    %dot_general3A_481 = arith.constant dense<0.000000e+00> : vector<32x128xf32>
    %dot_general3A_482 = tpu.matmul %get3A_478, %squeeze3A_480, %dot_general3A_481 {dimension_numbers = #tpu.dot_dimension_numbers<[1], [0], [0], [1], [0, 0, 1, 1], [], []>, transpose_lhs_hint = false} : vector<32x64xf32>, vector<64x128xf32>, vector<32x128xf32> -> vector<32x128xf32>
    %get3A_483 = arith.constant 0 : index
    %get3A_484 = arith.constant 0 : index
    %get3A_485 = vector.load %arg7[%get3A_483, %get3A_484] : memref<32x1xf32, #tpu.memory_space<vmem>>, vector<32x1xf32>
    %add3A_486 = vector.broadcast %get3A_485 : vector<32x1xf32> to vector<32x128xf32>
    %add3A_487 = arith.addf %dot_general3A_482, %add3A_486 : vector<32x128xf32>
    %mul3A_488 = vector.broadcast %mul3A_14 : vector<32x1xf32> to vector<32x128xf32>
    %mul3A_489 = arith.mulf %add3A_487, %mul3A_488 : vector<32x128xf32>
    %add3A_490 = vector.broadcast %sub3A_19 : vector<32x1xf32> to vector<32x128xf32>
    %add3A_491 = arith.addf %mul3A_489, %add3A_490 : vector<32x128xf32>
    %max3A_492 = arith.constant 0.000000e+00 : f32
    %max3A_493 = vector.broadcast %max3A_492 : f32 to vector<32x128xf32>
    %max3A_494 = arith.maximumf %add3A_491, %max3A_493 : vector<32x128xf32>
    %broadcast_in_dim3A_495 = vector.shape_cast %max3A_494 : vector<32x128xf32> to vector<32x1x128xf32>
    %swap3A_496 = arith.constant 35 : index
    %swap3A_497 = arith.constant 6 : index
    %swap3A_498 = arith.constant 0 : index
    %swap3A_499 = vector.load %arg14[%swap3A_496, %swap3A_497, %swap3A_498] : memref<67x32x128xf32, #tpu.memory_space<vmem>>, vector<32x1x128xf32>
    tpu.vector_store %arg14[%swap3A_496, %swap3A_497, %swap3A_498], %broadcast_in_dim3A_495 {strides = array<i32>} : memref<67x32x128xf32, #tpu.memory_space<vmem>>, vector<32x1x128xf32>,
    %get3A_500 = arith.constant 0 : index
    %get3A_501 = arith.constant 0 : index
    %get3A_502 = vector.load %arg6[%get3A_500, %get3A_501] : memref<32x64xf32, #tpu.memory_space<vmem>>, vector<32x64xf32>
    %slice3A_503 = vector.extract_strided_slice %reshape3A {offsets = [1, 3, 0, 0], sizes = [1, 1, 64, 128], strides = [1, 1, 1, 1]} : vector<8x4x64x128xf32> to vector<1x1x64x128xf32>
    %squeeze3A_504 = vector.shape_cast %slice3A_503 : vector<1x1x64x128xf32> to vector<64x128xf32>
    %dot_general3A_505 = arith.constant dense<0.000000e+00> : vector<32x128xf32>
    %dot_general3A_506 = tpu.matmul %get3A_502, %squeeze3A_504, %dot_general3A_505 {dimension_numbers = #tpu.dot_dimension_numbers<[1], [0], [0], [1], [0, 0, 1, 1], [], []>, transpose_lhs_hint = false} : vector<32x64xf32>, vector<64x128xf32>, vector<32x128xf32> -> vector<32x128xf32>
    %get3A_507 = arith.constant 0 : index
    %get3A_508 = arith.constant 0 : index
    %get3A_509 = vector.load %arg7[%get3A_507, %get3A_508] : memref<32x1xf32, #tpu.memory_space<vmem>>, vector<32x1xf32>
    %add3A_510 = vector.broadcast %get3A_509 : vector<32x1xf32> to vector<32x128xf32>
    %add3A_511 = arith.addf %dot_general3A_506, %add3A_510 : vector<32x128xf32>
    %mul3A_512 = vector.broadcast %mul3A_14 : vector<32x1xf32> to vector<32x128xf32>
    %mul3A_513 = arith.mulf %add3A_511, %mul3A_512 : vector<32x128xf32>
    %add3A_514 = vector.broadcast %sub3A_19 : vector<32x1xf32> to vector<32x128xf32>
    %add3A_515 = arith.addf %mul3A_513, %add3A_514 : vector<32x128xf32>
    %max3A_516 = arith.constant 0.000000e+00 : f32
    %max3A_517 = vector.broadcast %max3A_516 : f32 to vector<32x128xf32>
    %max3A_518 = arith.maximumf %add3A_515, %max3A_517 : vector<32x128xf32>
    %broadcast_in_dim3A_519 = vector.shape_cast %max3A_518 : vector<32x128xf32> to vector<32x1x128xf32>
    %swap3A_520 = arith.constant 35 : index
    %swap3A_521 = arith.constant 7 : index
    %swap3A_522 = arith.constant 0 : index
    %swap3A_523 = vector.load %arg14[%swap3A_520, %swap3A_521, %swap3A_522] : memref<67x32x128xf32, #tpu.memory_space<vmem>>, vector<32x1x128xf32>
    tpu.vector_store %arg14[%swap3A_520, %swap3A_521, %swap3A_522], %broadcast_in_dim3A_519 {strides = array<i32>} : memref<67x32x128xf32, #tpu.memory_space<vmem>>, vector<32x1x128xf32>,
    %get3A_524 = arith.constant 0 : index
    %get3A_525 = arith.constant 0 : index
    %get3A_526 = vector.load %arg6[%get3A_524, %get3A_525] : memref<32x64xf32, #tpu.memory_space<vmem>>, vector<32x64xf32>
    %slice3A_527 = vector.extract_strided_slice %reshape3A {offsets = [2, 0, 0, 0], sizes = [1, 1, 64, 128], strides = [1, 1, 1, 1]} : vector<8x4x64x128xf32> to vector<1x1x64x128xf32>
    %squeeze3A_528 = vector.shape_cast %slice3A_527 : vector<1x1x64x128xf32> to vector<64x128xf32>
    %dot_general3A_529 = arith.constant dense<0.000000e+00> : vector<32x128xf32>
    %dot_general3A_530 = tpu.matmul %get3A_526, %squeeze3A_528, %dot_general3A_529 {dimension_numbers = #tpu.dot_dimension_numbers<[1], [0], [0], [1], [0, 0, 1, 1], [], []>, transpose_lhs_hint = false} : vector<32x64xf32>, vector<64x128xf32>, vector<32x128xf32> -> vector<32x128xf32>
    %get3A_531 = arith.constant 0 : index
    %get3A_532 = arith.constant 0 : index
    %get3A_533 = vector.load %arg7[%get3A_531, %get3A_532] : memref<32x1xf32, #tpu.memory_space<vmem>>, vector<32x1xf32>
    %add3A_534 = vector.broadcast %get3A_533 : vector<32x1xf32> to vector<32x128xf32>
    %add3A_535 = arith.addf %dot_general3A_530, %add3A_534 : vector<32x128xf32>
    %mul3A_536 = vector.broadcast %mul3A_14 : vector<32x1xf32> to vector<32x128xf32>
    %mul3A_537 = arith.mulf %add3A_535, %mul3A_536 : vector<32x128xf32>
    %add3A_538 = vector.broadcast %sub3A_19 : vector<32x1xf32> to vector<32x128xf32>
    %add3A_539 = arith.addf %mul3A_537, %add3A_538 : vector<32x128xf32>
    %max3A_540 = arith.constant 0.000000e+00 : f32
    %max3A_541 = vector.broadcast %max3A_540 : f32 to vector<32x128xf32>
    %max3A_542 = arith.maximumf %add3A_539, %max3A_541 : vector<32x128xf32>
    %broadcast_in_dim3A_543 = vector.shape_cast %max3A_542 : vector<32x128xf32> to vector<32x1x128xf32>
    %swap3A_544 = arith.constant 35 : index
    %swap3A_545 = arith.constant 8 : index
    %swap3A_546 = arith.constant 0 : index
    %swap3A_547 = vector.load %arg14[%swap3A_544, %swap3A_545, %swap3A_546] : memref<67x32x128xf32, #tpu.memory_space<vmem>>, vector<32x1x128xf32>
    tpu.vector_store %arg14[%swap3A_544, %swap3A_545, %swap3A_546], %broadcast_in_dim3A_543 {strides = array<i32>} : memref<67x32x128xf32, #tpu.memory_space<vmem>>, vector<32x1x128xf32>,
    %get3A_548 = arith.constant 0 : index
    %get3A_549 = arith.constant 0 : index
    %get3A_550 = vector.load %arg6[%get3A_548, %get3A_549] : memref<32x64xf32, #tpu.memory_space<vmem>>, vector<32x64xf32>
    %slice3A_551 = vector.extract_strided_slice %reshape3A {offsets = [2, 1, 0, 0], sizes = [1, 1, 64, 128], strides = [1, 1, 1, 1]} : vector<8x4x64x128xf32> to vector<1x1x64x128xf32>
    %squeeze3A_552 = vector.shape_cast %slice3A_551 : vector<1x1x64x128xf32> to vector<64x128xf32>
    %dot_general3A_553 = arith.constant dense<0.000000e+00> : vector<32x128xf32>
    %dot_general3A_554 = tpu.matmul %get3A_550, %squeeze3A_552, %dot_general3A_553 {dimension_numbers = #tpu.dot_dimension_numbers<[1], [0], [0], [1], [0, 0, 1, 1], [], []>, transpose_lhs_hint = false} : vector<32x64xf32>, vector<64x128xf32>, vector<32x128xf32> -> vector<32x128xf32>
    %get3A_555 = arith.constant 0 : index
    %get3A_556 = arith.constant 0 : index
    %get3A_557 = vector.load %arg7[%get3A_555, %get3A_556] : memref<32x1xf32, #tpu.memory_space<vmem>>, vector<32x1xf32>
    %add3A_558 = vector.broadcast %get3A_557 : vector<32x1xf32> to vector<32x128xf32>
    %add3A_559 = arith.addf %dot_general3A_554, %add3A_558 : vector<32x128xf32>
    %mul3A_560 = vector.broadcast %mul3A_14 : vector<32x1xf32> to vector<32x128xf32>
    %mul3A_561 = arith.mulf %add3A_559, %mul3A_560 : vector<32x128xf32>
    %add3A_562 = vector.broadcast %sub3A_19 : vector<32x1xf32> to vector<32x128xf32>
    %add3A_563 = arith.addf %mul3A_561, %add3A_562 : vector<32x128xf32>
    %max3A_564 = arith.constant 0.000000e+00 : f32
    %max3A_565 = vector.broadcast %max3A_564 : f32 to vector<32x128xf32>
    %max3A_566 = arith.maximumf %add3A_563, %max3A_565 : vector<32x128xf32>
    %broadcast_in_dim3A_567 = vector.shape_cast %max3A_566 : vector<32x128xf32> to vector<32x1x128xf32>
    %swap3A_568 = arith.constant 35 : index
    %swap3A_569 = arith.constant 9 : index
    %swap3A_570 = arith.constant 0 : index
    %swap3A_571 = vector.load %arg14[%swap3A_568, %swap3A_569, %swap3A_570] : memref<67x32x128xf32, #tpu.memory_space<vmem>>, vector<32x1x128xf32>
    tpu.vector_store %arg14[%swap3A_568, %swap3A_569, %swap3A_570], %broadcast_in_dim3A_567 {strides = array<i32>} : memref<67x32x128xf32, #tpu.memory_space<vmem>>, vector<32x1x128xf32>,
    %get3A_572 = arith.constant 0 : index
    %get3A_573 = arith.constant 0 : index
    %get3A_574 = vector.load %arg6[%get3A_572, %get3A_573] : memref<32x64xf32, #tpu.memory_space<vmem>>, vector<32x64xf32>
    %slice3A_575 = vector.extract_strided_slice %reshape3A {offsets = [2, 2, 0, 0], sizes = [1, 1, 64, 128], strides = [1, 1, 1, 1]} : vector<8x4x64x128xf32> to vector<1x1x64x128xf32>
    %squeeze3A_576 = vector.shape_cast %slice3A_575 : vector<1x1x64x128xf32> to vector<64x128xf32>
    %dot_general3A_577 = arith.constant dense<0.000000e+00> : vector<32x128xf32>
    %dot_general3A_578 = tpu.matmul %get3A_574, %squeeze3A_576, %dot_general3A_577 {dimension_numbers = #tpu.dot_dimension_numbers<[1], [0], [0], [1], [0, 0, 1, 1], [], []>, transpose_lhs_hint = false} : vector<32x64xf32>, vector<64x128xf32>, vector<32x128xf32> -> vector<32x128xf32>
    %get3A_579 = arith.constant 0 : index
    %get3A_580 = arith.constant 0 : index
    %get3A_581 = vector.load %arg7[%get3A_579, %get3A_580] : memref<32x1xf32, #tpu.memory_space<vmem>>, vector<32x1xf32>
    %add3A_582 = vector.broadcast %get3A_581 : vector<32x1xf32> to vector<32x128xf32>
    %add3A_583 = arith.addf %dot_general3A_578, %add3A_582 : vector<32x128xf32>
    %mul3A_584 = vector.broadcast %mul3A_14 : vector<32x1xf32> to vector<32x128xf32>
    %mul3A_585 = arith.mulf %add3A_583, %mul3A_584 : vector<32x128xf32>
    %add3A_586 = vector.broadcast %sub3A_19 : vector<32x1xf32> to vector<32x128xf32>
    %add3A_587 = arith.addf %mul3A_585, %add3A_586 : vector<32x128xf32>
    %max3A_588 = arith.constant 0.000000e+00 : f32
    %max3A_589 = vector.broadcast %max3A_588 : f32 to vector<32x128xf32>
    %max3A_590 = arith.maximumf %add3A_587, %max3A_589 : vector<32x128xf32>
    %broadcast_in_dim3A_591 = vector.shape_cast %max3A_590 : vector<32x128xf32> to vector<32x1x128xf32>
    %swap3A_592 = arith.constant 35 : index
    %swap3A_593 = arith.constant 10 : index
    %swap3A_594 = arith.constant 0 : index
    %swap3A_595 = vector.load %arg14[%swap3A_592, %swap3A_593, %swap3A_594] : memref<67x32x128xf32, #tpu.memory_space<vmem>>, vector<32x1x128xf32>
    tpu.vector_store %arg14[%swap3A_592, %swap3A_593, %swap3A_594], %broadcast_in_dim3A_591 {strides = array<i32>} : memref<67x32x128xf32, #tpu.memory_space<vmem>>, vector<32x1x128xf32>,
    %get3A_596 = arith.constant 0 : index
    %get3A_597 = arith.constant 0 : index
    %get3A_598 = vector.load %arg6[%get3A_596, %get3A_597] : memref<32x64xf32, #tpu.memory_space<vmem>>, vector<32x64xf32>
    %slice3A_599 = vector.extract_strided_slice %reshape3A {offsets = [2, 3, 0, 0], sizes = [1, 1, 64, 128], strides = [1, 1, 1, 1]} : vector<8x4x64x128xf32> to vector<1x1x64x128xf32>
    %squeeze3A_600 = vector.shape_cast %slice3A_599 : vector<1x1x64x128xf32> to vector<64x128xf32>
    %dot_general3A_601 = arith.constant dense<0.000000e+00> : vector<32x128xf32>
    %dot_general3A_602 = tpu.matmul %get3A_598, %squeeze3A_600, %dot_general3A_601 {dimension_numbers = #tpu.dot_dimension_numbers<[1], [0], [0], [1], [0, 0, 1, 1], [], []>, transpose_lhs_hint = false} : vector<32x64xf32>, vector<64x128xf32>, vector<32x128xf32> -> vector<32x128xf32>
    %get3A_603 = arith.constant 0 : index
    %get3A_604 = arith.constant 0 : index
    %get3A_605 = vector.load %arg7[%get3A_603, %get3A_604] : memref<32x1xf32, #tpu.memory_space<vmem>>, vector<32x1xf32>
    %add3A_606 = vector.broadcast %get3A_605 : vector<32x1xf32> to vector<32x128xf32>
    %add3A_607 = arith.addf %dot_general3A_602, %add3A_606 : vector<32x128xf32>
    %mul3A_608 = vector.broadcast %mul3A_14 : vector<32x1xf32> to vector<32x128xf32>
    %mul3A_609 = arith.mulf %add3A_607, %mul3A_608 : vector<32x128xf32>
    %add3A_610 = vector.broadcast %sub3A_19 : vector<32x1xf32> to vector<32x128xf32>
    %add3A_611 = arith.addf %mul3A_609, %add3A_610 : vector<32x128xf32>
    %max3A_612 = arith.constant 0.000000e+00 : f32
    %max3A_613 = vector.broadcast %max3A_612 : f32 to vector<32x128xf32>
    %max3A_614 = arith.maximumf %add3A_611, %max3A_613 : vector<32x128xf32>
    %broadcast_in_dim3A_615 = vector.shape_cast %max3A_614 : vector<32x128xf32> to vector<32x1x128xf32>
    %swap3A_616 = arith.constant 35 : index
    %swap3A_617 = arith.constant 11 : index
    %swap3A_618 = arith.constant 0 : index
    %swap3A_619 = vector.load %arg14[%swap3A_616, %swap3A_617, %swap3A_618] : memref<67x32x128xf32, #tpu.memory_space<vmem>>, vector<32x1x128xf32>
    tpu.vector_store %arg14[%swap3A_616, %swap3A_617, %swap3A_618], %broadcast_in_dim3A_615 {strides = array<i32>} : memref<67x32x128xf32, #tpu.memory_space<vmem>>, vector<32x1x128xf32>,
    %get3A_620 = arith.constant 0 : index
    %get3A_621 = arith.constant 0 : index
    %get3A_622 = vector.load %arg6[%get3A_620, %get3A_621] : memref<32x64xf32, #tpu.memory_space<vmem>>, vector<32x64xf32>
    %slice3A_623 = vector.extract_strided_slice %reshape3A {offsets = [3, 0, 0, 0], sizes = [1, 1, 64, 128], strides = [1, 1, 1, 1]} : vector<8x4x64x128xf32> to vector<1x1x64x128xf32>
    %squeeze3A_624 = vector.shape_cast %slice3A_623 : vector<1x1x64x128xf32> to vector<64x128xf32>
    %dot_general3A_625 = arith.constant dense<0.000000e+00> : vector<32x128xf32>
    %dot_general3A_626 = tpu.matmul %get3A_622, %squeeze3A_624, %dot_general3A_625 {dimension_numbers = #tpu.dot_dimension_numbers<[1], [0], [0], [1], [0, 0, 1, 1], [], []>, transpose_lhs_hint = false} : vector<32x64xf32>, vector<64x128xf32>, vector<32x128xf32> -> vector<32x128xf32>
    %get3A_627 = arith.constant 0 : index
    %get3A_628 = arith.constant 0 : index
    %get3A_629 = vector.load %arg7[%get3A_627, %get3A_628] : memref<32x1xf32, #tpu.memory_space<vmem>>, vector<32x1xf32>
    %add3A_630 = vector.broadcast %get3A_629 : vector<32x1xf32> to vector<32x128xf32>
    %add3A_631 = arith.addf %dot_general3A_626, %add3A_630 : vector<32x128xf32>
    %mul3A_632 = vector.broadcast %mul3A_14 : vector<32x1xf32> to vector<32x128xf32>
    %mul3A_633 = arith.mulf %add3A_631, %mul3A_632 : vector<32x128xf32>
    %add3A_634 = vector.broadcast %sub3A_19 : vector<32x1xf32> to vector<32x128xf32>
    %add3A_635 = arith.addf %mul3A_633, %add3A_634 : vector<32x128xf32>
    %max3A_636 = arith.constant 0.000000e+00 : f32
    %max3A_637 = vector.broadcast %max3A_636 : f32 to vector<32x128xf32>
    %max3A_638 = arith.maximumf %add3A_635, %max3A_637 : vector<32x128xf32>
    %broadcast_in_dim3A_639 = vector.shape_cast %max3A_638 : vector<32x128xf32> to vector<32x1x128xf32>
    %swap3A_640 = arith.constant 35 : index
    %swap3A_641 = arith.constant 12 : index
    %swap3A_642 = arith.constant 0 : index
    %swap3A_643 = vector.load %arg14[%swap3A_640, %swap3A_641, %swap3A_642] : memref<67x32x128xf32, #tpu.memory_space<vmem>>, vector<32x1x128xf32>
    tpu.vector_store %arg14[%swap3A_640, %swap3A_641, %swap3A_642], %broadcast_in_dim3A_639 {strides = array<i32>} : memref<67x32x128xf32, #tpu.memory_space<vmem>>, vector<32x1x128xf32>,
    %get3A_644 = arith.constant 0 : index
    %get3A_645 = arith.constant 0 : index
    %get3A_646 = vector.load %arg6[%get3A_644, %get3A_645] : memref<32x64xf32, #tpu.memory_space<vmem>>, vector<32x64xf32>
    %slice3A_647 = vector.extract_strided_slice %reshape3A {offsets = [3, 1, 0, 0], sizes = [1, 1, 64, 128], strides = [1, 1, 1, 1]} : vector<8x4x64x128xf32> to vector<1x1x64x128xf32>
    %squeeze3A_648 = vector.shape_cast %slice3A_647 : vector<1x1x64x128xf32> to vector<64x128xf32>
    %dot_general3A_649 = arith.constant dense<0.000000e+00> : vector<32x128xf32>
    %dot_general3A_650 = tpu.matmul %get3A_646, %squeeze3A_648, %dot_general3A_649 {dimension_numbers = #tpu.dot_dimension_numbers<[1], [0], [0], [1], [0, 0, 1, 1], [], []>, transpose_lhs_hint = false} : vector<32x64xf32>, vector<64x128xf32>, vector<32x128xf32> -> vector<32x128xf32>
    %get3A_651 = arith.constant 0 : index
    %get3A_652 = arith.constant 0 : index
    %get3A_653 = vector.load %arg7[%get3A_651, %get3A_652] : memref<32x1xf32, #tpu.memory_space<vmem>>, vector<32x1xf32>
    %add3A_654 = vector.broadcast %get3A_653 : vector<32x1xf32> to vector<32x128xf32>
    %add3A_655 = arith.addf %dot_general3A_650, %add3A_654 : vector<32x128xf32>
    %mul3A_656 = vector.broadcast %mul3A_14 : vector<32x1xf32> to vector<32x128xf32>
    %mul3A_657 = arith.mulf %add3A_655, %mul3A_656 : vector<32x128xf32>
    %add3A_658 = vector.broadcast %sub3A_19 : vector<32x1xf32> to vector<32x128xf32>
    %add3A_659 = arith.addf %mul3A_657, %add3A_658 : vector<32x128xf32>
    %max3A_660 = arith.constant 0.000000e+00 : f32
    %max3A_661 = vector.broadcast %max3A_660 : f32 to vector<32x128xf32>
    %max3A_662 = arith.maximumf %add3A_659, %max3A_661 : vector<32x128xf32>
    %broadcast_in_dim3A_663 = vector.shape_cast %max3A_662 : vector<32x128xf32> to vector<32x1x128xf32>
    %swap3A_664 = arith.constant 35 : index
    %swap3A_665 = arith.constant 13 : index
    %swap3A_666 = arith.constant 0 : index
    %swap3A_667 = vector.load %arg14[%swap3A_664, %swap3A_665, %swap3A_666] : memref<67x32x128xf32, #tpu.memory_space<vmem>>, vector<32x1x128xf32>
    tpu.vector_store %arg14[%swap3A_664, %swap3A_665, %swap3A_666], %broadcast_in_dim3A_663 {strides = array<i32>} : memref<67x32x128xf32, #tpu.memory_space<vmem>>, vector<32x1x128xf32>,
    %get3A_668 = arith.constant 0 : index
    %get3A_669 = arith.constant 0 : index
    %get3A_670 = vector.load %arg6[%get3A_668, %get3A_669] : memref<32x64xf32, #tpu.memory_space<vmem>>, vector<32x64xf32>
    %slice3A_671 = vector.extract_strided_slice %reshape3A {offsets = [3, 2, 0, 0], sizes = [1, 1, 64, 128], strides = [1, 1, 1, 1]} : vector<8x4x64x128xf32> to vector<1x1x64x128xf32>
    %squeeze3A_672 = vector.shape_cast %slice3A_671 : vector<1x1x64x128xf32> to vector<64x128xf32>
    %dot_general3A_673 = arith.constant dense<0.000000e+00> : vector<32x128xf32>
    %dot_general3A_674 = tpu.matmul %get3A_670, %squeeze3A_672, %dot_general3A_673 {dimension_numbers = #tpu.dot_dimension_numbers<[1], [0], [0], [1], [0, 0, 1, 1], [], []>, transpose_lhs_hint = false} : vector<32x64xf32>, vector<64x128xf32>, vector<32x128xf32> -> vector<32x128xf32>
    %get3A_675 = arith.constant 0 : index
    %get3A_676 = arith.constant 0 : index
    %get3A_677 = vector.load %arg7[%get3A_675, %get3A_676] : memref<32x1xf32, #tpu.memory_space<vmem>>, vector<32x1xf32>
    %add3A_678 = vector.broadcast %get3A_677 : vector<32x1xf32> to vector<32x128xf32>
    %add3A_679 = arith.addf %dot_general3A_674, %add3A_678 : vector<32x128xf32>
    %mul3A_680 = vector.broadcast %mul3A_14 : vector<32x1xf32> to vector<32x128xf32>
    %mul3A_681 = arith.mulf %add3A_679, %mul3A_680 : vector<32x128xf32>
    %add3A_682 = vector.broadcast %sub3A_19 : vector<32x1xf32> to vector<32x128xf32>
    %add3A_683 = arith.addf %mul3A_681, %add3A_682 : vector<32x128xf32>
    %max3A_684 = arith.constant 0.000000e+00 : f32
    %max3A_685 = vector.broadcast %max3A_684 : f32 to vector<32x128xf32>
    %max3A_686 = arith.maximumf %add3A_683, %max3A_685 : vector<32x128xf32>
    %broadcast_in_dim3A_687 = vector.shape_cast %max3A_686 : vector<32x128xf32> to vector<32x1x128xf32>
    %swap3A_688 = arith.constant 35 : index
    %swap3A_689 = arith.constant 14 : index
    %swap3A_690 = arith.constant 0 : index
    %swap3A_691 = vector.load %arg14[%swap3A_688, %swap3A_689, %swap3A_690] : memref<67x32x128xf32, #tpu.memory_space<vmem>>, vector<32x1x128xf32>
    tpu.vector_store %arg14[%swap3A_688, %swap3A_689, %swap3A_690], %broadcast_in_dim3A_687 {strides = array<i32>} : memref<67x32x128xf32, #tpu.memory_space<vmem>>, vector<32x1x128xf32>,
    %get3A_692 = arith.constant 0 : index
    %get3A_693 = arith.constant 0 : index
    %get3A_694 = vector.load %arg6[%get3A_692, %get3A_693] : memref<32x64xf32, #tpu.memory_space<vmem>>, vector<32x64xf32>
    %slice3A_695 = vector.extract_strided_slice %reshape3A {offsets = [3, 3, 0, 0], sizes = [1, 1, 64, 128], strides = [1, 1, 1, 1]} : vector<8x4x64x128xf32> to vector<1x1x64x128xf32>
    %squeeze3A_696 = vector.shape_cast %slice3A_695 : vector<1x1x64x128xf32> to vector<64x128xf32>
    %dot_general3A_697 = arith.constant dense<0.000000e+00> : vector<32x128xf32>
    %dot_general3A_698 = tpu.matmul %get3A_694, %squeeze3A_696, %dot_general3A_697 {dimension_numbers = #tpu.dot_dimension_numbers<[1], [0], [0], [1], [0, 0, 1, 1], [], []>, transpose_lhs_hint = false} : vector<32x64xf32>, vector<64x128xf32>, vector<32x128xf32> -> vector<32x128xf32>
    %get3A_699 = arith.constant 0 : index
    %get3A_700 = arith.constant 0 : index
    %get3A_701 = vector.load %arg7[%get3A_699, %get3A_700] : memref<32x1xf32, #tpu.memory_space<vmem>>, vector<32x1xf32>
    %add3A_702 = vector.broadcast %get3A_701 : vector<32x1xf32> to vector<32x128xf32>
    %add3A_703 = arith.addf %dot_general3A_698, %add3A_702 : vector<32x128xf32>
    %mul3A_704 = vector.broadcast %mul3A_14 : vector<32x1xf32> to vector<32x128xf32>
    %mul3A_705 = arith.mulf %add3A_703, %mul3A_704 : vector<32x128xf32>
    %add3A_706 = vector.broadcast %sub3A_19 : vector<32x1xf32> to vector<32x128xf32>
    %add3A_707 = arith.addf %mul3A_705, %add3A_706 : vector<32x128xf32>
    %max3A_708 = arith.constant 0.000000e+00 : f32
    %max3A_709 = vector.broadcast %max3A_708 : f32 to vector<32x128xf32>
    %max3A_710 = arith.maximumf %add3A_707, %max3A_709 : vector<32x128xf32>
    %broadcast_in_dim3A_711 = vector.shape_cast %max3A_710 : vector<32x128xf32> to vector<32x1x128xf32>
    %swap3A_712 = arith.constant 35 : index
    %swap3A_713 = arith.constant 15 : index
    %swap3A_714 = arith.constant 0 : index
    %swap3A_715 = vector.load %arg14[%swap3A_712, %swap3A_713, %swap3A_714] : memref<67x32x128xf32, #tpu.memory_space<vmem>>, vector<32x1x128xf32>
    tpu.vector_store %arg14[%swap3A_712, %swap3A_713, %swap3A_714], %broadcast_in_dim3A_711 {strides = array<i32>} : memref<67x32x128xf32, #tpu.memory_space<vmem>>, vector<32x1x128xf32>,
    %get3A_716 = arith.constant 0 : index
    %get3A_717 = arith.constant 0 : index
    %get3A_718 = vector.load %arg6[%get3A_716, %get3A_717] : memref<32x64xf32, #tpu.memory_space<vmem>>, vector<32x64xf32>
    %slice3A_719 = vector.extract_strided_slice %reshape3A {offsets = [4, 0, 0, 0], sizes = [1, 1, 64, 128], strides = [1, 1, 1, 1]} : vector<8x4x64x128xf32> to vector<1x1x64x128xf32>
    %squeeze3A_720 = vector.shape_cast %slice3A_719 : vector<1x1x64x128xf32> to vector<64x128xf32>
    %dot_general3A_721 = arith.constant dense<0.000000e+00> : vector<32x128xf32>
    %dot_general3A_722 = tpu.matmul %get3A_718, %squeeze3A_720, %dot_general3A_721 {dimension_numbers = #tpu.dot_dimension_numbers<[1], [0], [0], [1], [0, 0, 1, 1], [], []>, transpose_lhs_hint = false} : vector<32x64xf32>, vector<64x128xf32>, vector<32x128xf32> -> vector<32x128xf32>
    %get3A_723 = arith.constant 0 : index
    %get3A_724 = arith.constant 0 : index
    %get3A_725 = vector.load %arg7[%get3A_723, %get3A_724] : memref<32x1xf32, #tpu.memory_space<vmem>>, vector<32x1xf32>
    %add3A_726 = vector.broadcast %get3A_725 : vector<32x1xf32> to vector<32x128xf32>
    %add3A_727 = arith.addf %dot_general3A_722, %add3A_726 : vector<32x128xf32>
    %mul3A_728 = vector.broadcast %mul3A_14 : vector<32x1xf32> to vector<32x128xf32>
    %mul3A_729 = arith.mulf %add3A_727, %mul3A_728 : vector<32x128xf32>
    %add3A_730 = vector.broadcast %sub3A_19 : vector<32x1xf32> to vector<32x128xf32>
    %add3A_731 = arith.addf %mul3A_729, %add3A_730 : vector<32x128xf32>
    %max3A_732 = arith.constant 0.000000e+00 : f32
    %max3A_733 = vector.broadcast %max3A_732 : f32 to vector<32x128xf32>
    %max3A_734 = arith.maximumf %add3A_731, %max3A_733 : vector<32x128xf32>
    %broadcast_in_dim3A_735 = vector.shape_cast %max3A_734 : vector<32x128xf32> to vector<32x1x128xf32>
    %swap3A_736 = arith.constant 35 : index
    %swap3A_737 = arith.constant 16 : index
    %swap3A_738 = arith.constant 0 : index
    %swap3A_739 = vector.load %arg14[%swap3A_736, %swap3A_737, %swap3A_738] : memref<67x32x128xf32, #tpu.memory_space<vmem>>, vector<32x1x128xf32>
    tpu.vector_store %arg14[%swap3A_736, %swap3A_737, %swap3A_738], %broadcast_in_dim3A_735 {strides = array<i32>} : memref<67x32x128xf32, #tpu.memory_space<vmem>>, vector<32x1x128xf32>,
    %get3A_740 = arith.constant 0 : index
    %get3A_741 = arith.constant 0 : index
    %get3A_742 = vector.load %arg6[%get3A_740, %get3A_741] : memref<32x64xf32, #tpu.memory_space<vmem>>, vector<32x64xf32>
    %slice3A_743 = vector.extract_strided_slice %reshape3A {offsets = [4, 1, 0, 0], sizes = [1, 1, 64, 128], strides = [1, 1, 1, 1]} : vector<8x4x64x128xf32> to vector<1x1x64x128xf32>
    %squeeze3A_744 = vector.shape_cast %slice3A_743 : vector<1x1x64x128xf32> to vector<64x128xf32>
    %dot_general3A_745 = arith.constant dense<0.000000e+00> : vector<32x128xf32>
    %dot_general3A_746 = tpu.matmul %get3A_742, %squeeze3A_744, %dot_general3A_745 {dimension_numbers = #tpu.dot_dimension_numbers<[1], [0], [0], [1], [0, 0, 1, 1], [], []>, transpose_lhs_hint = false} : vector<32x64xf32>, vector<64x128xf32>, vector<32x128xf32> -> vector<32x128xf32>
    %get3A_747 = arith.constant 0 : index
    %get3A_748 = arith.constant 0 : index
    %get3A_749 = vector.load %arg7[%get3A_747, %get3A_748] : memref<32x1xf32, #tpu.memory_space<vmem>>, vector<32x1xf32>
    %add3A_750 = vector.broadcast %get3A_749 : vector<32x1xf32> to vector<32x128xf32>
    %add3A_751 = arith.addf %dot_general3A_746, %add3A_750 : vector<32x128xf32>
    %mul3A_752 = vector.broadcast %mul3A_14 : vector<32x1xf32> to vector<32x128xf32>
    %mul3A_753 = arith.mulf %add3A_751, %mul3A_752 : vector<32x128xf32>
    %add3A_754 = vector.broadcast %sub3A_19 : vector<32x1xf32> to vector<32x128xf32>
    %add3A_755 = arith.addf %mul3A_753, %add3A_754 : vector<32x128xf32>
    %max3A_756 = arith.constant 0.000000e+00 : f32
    %max3A_757 = vector.broadcast %max3A_756 : f32 to vector<32x128xf32>
    %max3A_758 = arith.maximumf %add3A_755, %max3A_757 : vector<32x128xf32>
    %broadcast_in_dim3A_759 = vector.shape_cast %max3A_758 : vector<32x128xf32> to vector<32x1x128xf32>
    %swap3A_760 = arith.constant 35 : index
    %swap3A_761 = arith.constant 17 : index
    %swap3A_762 = arith.constant 0 : index
    %swap3A_763 = vector.load %arg14[%swap3A_760, %swap3A_761, %swap3A_762] : memref<67x32x128xf32, #tpu.memory_space<vmem>>, vector<32x1x128xf32>
    tpu.vector_store %arg14[%swap3A_760, %swap3A_761, %swap3A_762], %broadcast_in_dim3A_759 {strides = array<i32>} : memref<67x32x128xf32, #tpu.memory_space<vmem>>, vector<32x1x128xf32>,
    %get3A_764 = arith.constant 0 : index
    %get3A_765 = arith.constant 0 : index
    %get3A_766 = vector.load %arg6[%get3A_764, %get3A_765] : memref<32x64xf32, #tpu.memory_space<vmem>>, vector<32x64xf32>
    %slice3A_767 = vector.extract_strided_slice %reshape3A {offsets = [4, 2, 0, 0], sizes = [1, 1, 64, 128], strides = [1, 1, 1, 1]} : vector<8x4x64x128xf32> to vector<1x1x64x128xf32>
    %squeeze3A_768 = vector.shape_cast %slice3A_767 : vector<1x1x64x128xf32> to vector<64x128xf32>
    %dot_general3A_769 = arith.constant dense<0.000000e+00> : vector<32x128xf32>
    %dot_general3A_770 = tpu.matmul %get3A_766, %squeeze3A_768, %dot_general3A_769 {dimension_numbers = #tpu.dot_dimension_numbers<[1], [0], [0], [1], [0, 0, 1, 1], [], []>, transpose_lhs_hint = false} : vector<32x64xf32>, vector<64x128xf32>, vector<32x128xf32> -> vector<32x128xf32>
    %get3A_771 = arith.constant 0 : index
    %get3A_772 = arith.constant 0 : index
    %get3A_773 = vector.load %arg7[%get3A_771, %get3A_772] : memref<32x1xf32, #tpu.memory_space<vmem>>, vector<32x1xf32>
    %add3A_774 = vector.broadcast %get3A_773 : vector<32x1xf32> to vector<32x128xf32>
    %add3A_775 = arith.addf %dot_general3A_770, %add3A_774 : vector<32x128xf32>
    %mul3A_776 = vector.broadcast %mul3A_14 : vector<32x1xf32> to vector<32x128xf32>
    %mul3A_777 = arith.mulf %add3A_775, %mul3A_776 : vector<32x128xf32>
    %add3A_778 = vector.broadcast %sub3A_19 : vector<32x1xf32> to vector<32x128xf32>
    %add3A_779 = arith.addf %mul3A_777, %add3A_778 : vector<32x128xf32>
    %max3A_780 = arith.constant 0.000000e+00 : f32
    %max3A_781 = vector.broadcast %max3A_780 : f32 to vector<32x128xf32>
    %max3A_782 = arith.maximumf %add3A_779, %max3A_781 : vector<32x128xf32>
    %broadcast_in_dim3A_783 = vector.shape_cast %max3A_782 : vector<32x128xf32> to vector<32x1x128xf32>
    %swap3A_784 = arith.constant 35 : index
    %swap3A_785 = arith.constant 18 : index
    %swap3A_786 = arith.constant 0 : index
    %swap3A_787 = vector.load %arg14[%swap3A_784, %swap3A_785, %swap3A_786] : memref<67x32x128xf32, #tpu.memory_space<vmem>>, vector<32x1x128xf32>
    tpu.vector_store %arg14[%swap3A_784, %swap3A_785, %swap3A_786], %broadcast_in_dim3A_783 {strides = array<i32>} : memref<67x32x128xf32, #tpu.memory_space<vmem>>, vector<32x1x128xf32>,
    %get3A_788 = arith.constant 0 : index
    %get3A_789 = arith.constant 0 : index
    %get3A_790 = vector.load %arg6[%get3A_788, %get3A_789] : memref<32x64xf32, #tpu.memory_space<vmem>>, vector<32x64xf32>
    %slice3A_791 = vector.extract_strided_slice %reshape3A {offsets = [4, 3, 0, 0], sizes = [1, 1, 64, 128], strides = [1, 1, 1, 1]} : vector<8x4x64x128xf32> to vector<1x1x64x128xf32>
    %squeeze3A_792 = vector.shape_cast %slice3A_791 : vector<1x1x64x128xf32> to vector<64x128xf32>
    %dot_general3A_793 = arith.constant dense<0.000000e+00> : vector<32x128xf32>
    %dot_general3A_794 = tpu.matmul %get3A_790, %squeeze3A_792, %dot_general3A_793 {dimension_numbers = #tpu.dot_dimension_numbers<[1], [0], [0], [1], [0, 0, 1, 1], [], []>, transpose_lhs_hint = false} : vector<32x64xf32>, vector<64x128xf32>, vector<32x128xf32> -> vector<32x128xf32>
    %get3A_795 = arith.constant 0 : index
    %get3A_796 = arith.constant 0 : index
    %get3A_797 = vector.load %arg7[%get3A_795, %get3A_796] : memref<32x1xf32, #tpu.memory_space<vmem>>, vector<32x1xf32>
    %add3A_798 = vector.broadcast %get3A_797 : vector<32x1xf32> to vector<32x128xf32>
    %add3A_799 = arith.addf %dot_general3A_794, %add3A_798 : vector<32x128xf32>
    %mul3A_800 = vector.broadcast %mul3A_14 : vector<32x1xf32> to vector<32x128xf32>
    %mul3A_801 = arith.mulf %add3A_799, %mul3A_800 : vector<32x128xf32>
    %add3A_802 = vector.broadcast %sub3A_19 : vector<32x1xf32> to vector<32x128xf32>
    %add3A_803 = arith.addf %mul3A_801, %add3A_802 : vector<32x128xf32>
    %max3A_804 = arith.constant 0.000000e+00 : f32
    %max3A_805 = vector.broadcast %max3A_804 : f32 to vector<32x128xf32>
    %max3A_806 = arith.maximumf %add3A_803, %max3A_805 : vector<32x128xf32>
    %broadcast_in_dim3A_807 = vector.shape_cast %max3A_806 : vector<32x128xf32> to vector<32x1x128xf32>
    %swap3A_808 = arith.constant 35 : index
    %swap3A_809 = arith.constant 19 : index
    %swap3A_810 = arith.constant 0 : index
    %swap3A_811 = vector.load %arg14[%swap3A_808, %swap3A_809, %swap3A_810] : memref<67x32x128xf32, #tpu.memory_space<vmem>>, vector<32x1x128xf32>
    tpu.vector_store %arg14[%swap3A_808, %swap3A_809, %swap3A_810], %broadcast_in_dim3A_807 {strides = array<i32>} : memref<67x32x128xf32, #tpu.memory_space<vmem>>, vector<32x1x128xf32>,
    %get3A_812 = arith.constant 0 : index
    %get3A_813 = arith.constant 0 : index
    %get3A_814 = vector.load %arg6[%get3A_812, %get3A_813] : memref<32x64xf32, #tpu.memory_space<vmem>>, vector<32x64xf32>
    %slice3A_815 = vector.extract_strided_slice %reshape3A {offsets = [5, 0, 0, 0], sizes = [1, 1, 64, 128], strides = [1, 1, 1, 1]} : vector<8x4x64x128xf32> to vector<1x1x64x128xf32>
    %squeeze3A_816 = vector.shape_cast %slice3A_815 : vector<1x1x64x128xf32> to vector<64x128xf32>
    %dot_general3A_817 = arith.constant dense<0.000000e+00> : vector<32x128xf32>
    %dot_general3A_818 = tpu.matmul %get3A_814, %squeeze3A_816, %dot_general3A_817 {dimension_numbers = #tpu.dot_dimension_numbers<[1], [0], [0], [1], [0, 0, 1, 1], [], []>, transpose_lhs_hint = false} : vector<32x64xf32>, vector<64x128xf32>, vector<32x128xf32> -> vector<32x128xf32>
    %get3A_819 = arith.constant 0 : index
    %get3A_820 = arith.constant 0 : index
    %get3A_821 = vector.load %arg7[%get3A_819, %get3A_820] : memref<32x1xf32, #tpu.memory_space<vmem>>, vector<32x1xf32>
    %add3A_822 = vector.broadcast %get3A_821 : vector<32x1xf32> to vector<32x128xf32>
    %add3A_823 = arith.addf %dot_general3A_818, %add3A_822 : vector<32x128xf32>
    %mul3A_824 = vector.broadcast %mul3A_14 : vector<32x1xf32> to vector<32x128xf32>
    %mul3A_825 = arith.mulf %add3A_823, %mul3A_824 : vector<32x128xf32>
    %add3A_826 = vector.broadcast %sub3A_19 : vector<32x1xf32> to vector<32x128xf32>
    %add3A_827 = arith.addf %mul3A_825, %add3A_826 : vector<32x128xf32>
    %max3A_828 = arith.constant 0.000000e+00 : f32
    %max3A_829 = vector.broadcast %max3A_828 : f32 to vector<32x128xf32>
    %max3A_830 = arith.maximumf %add3A_827, %max3A_829 : vector<32x128xf32>
    %broadcast_in_dim3A_831 = vector.shape_cast %max3A_830 : vector<32x128xf32> to vector<32x1x128xf32>
    %swap3A_832 = arith.constant 35 : index
    %swap3A_833 = arith.constant 20 : index
    %swap3A_834 = arith.constant 0 : index
    %swap3A_835 = vector.load %arg14[%swap3A_832, %swap3A_833, %swap3A_834] : memref<67x32x128xf32, #tpu.memory_space<vmem>>, vector<32x1x128xf32>
    tpu.vector_store %arg14[%swap3A_832, %swap3A_833, %swap3A_834], %broadcast_in_dim3A_831 {strides = array<i32>} : memref<67x32x128xf32, #tpu.memory_space<vmem>>, vector<32x1x128xf32>,
    %get3A_836 = arith.constant 0 : index
    %get3A_837 = arith.constant 0 : index
    %get3A_838 = vector.load %arg6[%get3A_836, %get3A_837] : memref<32x64xf32, #tpu.memory_space<vmem>>, vector<32x64xf32>
    %slice3A_839 = vector.extract_strided_slice %reshape3A {offsets = [5, 1, 0, 0], sizes = [1, 1, 64, 128], strides = [1, 1, 1, 1]} : vector<8x4x64x128xf32> to vector<1x1x64x128xf32>
    %squeeze3A_840 = vector.shape_cast %slice3A_839 : vector<1x1x64x128xf32> to vector<64x128xf32>
    %dot_general3A_841 = arith.constant dense<0.000000e+00> : vector<32x128xf32>
    %dot_general3A_842 = tpu.matmul %get3A_838, %squeeze3A_840, %dot_general3A_841 {dimension_numbers = #tpu.dot_dimension_numbers<[1], [0], [0], [1], [0, 0, 1, 1], [], []>, transpose_lhs_hint = false} : vector<32x64xf32>, vector<64x128xf32>, vector<32x128xf32> -> vector<32x128xf32>
    %get3A_843 = arith.constant 0 : index
    %get3A_844 = arith.constant 0 : index
    %get3A_845 = vector.load %arg7[%get3A_843, %get3A_844] : memref<32x1xf32, #tpu.memory_space<vmem>>, vector<32x1xf32>
    %add3A_846 = vector.broadcast %get3A_845 : vector<32x1xf32> to vector<32x128xf32>
    %add3A_847 = arith.addf %dot_general3A_842, %add3A_846 : vector<32x128xf32>
    %mul3A_848 = vector.broadcast %mul3A_14 : vector<32x1xf32> to vector<32x128xf32>
    %mul3A_849 = arith.mulf %add3A_847, %mul3A_848 : vector<32x128xf32>
    %add3A_850 = vector.broadcast %sub3A_19 : vector<32x1xf32> to vector<32x128xf32>
    %add3A_851 = arith.addf %mul3A_849, %add3A_850 : vector<32x128xf32>
    %max3A_852 = arith.constant 0.000000e+00 : f32
    %max3A_853 = vector.broadcast %max3A_852 : f32 to vector<32x128xf32>
    %max3A_854 = arith.maximumf %add3A_851, %max3A_853 : vector<32x128xf32>
    %broadcast_in_dim3A_855 = vector.shape_cast %max3A_854 : vector<32x128xf32> to vector<32x1x128xf32>
    %swap3A_856 = arith.constant 35 : index
    %swap3A_857 = arith.constant 21 : index
    %swap3A_858 = arith.constant 0 : index
    %swap3A_859 = vector.load %arg14[%swap3A_856, %swap3A_857, %swap3A_858] : memref<67x32x128xf32, #tpu.memory_space<vmem>>, vector<32x1x128xf32>
    tpu.vector_store %arg14[%swap3A_856, %swap3A_857, %swap3A_858], %broadcast_in_dim3A_855 {strides = array<i32>} : memref<67x32x128xf32, #tpu.memory_space<vmem>>, vector<32x1x128xf32>,
    %get3A_860 = arith.constant 0 : index
    %get3A_861 = arith.constant 0 : index
    %get3A_862 = vector.load %arg6[%get3A_860, %get3A_861] : memref<32x64xf32, #tpu.memory_space<vmem>>, vector<32x64xf32>
    %slice3A_863 = vector.extract_strided_slice %reshape3A {offsets = [5, 2, 0, 0], sizes = [1, 1, 64, 128], strides = [1, 1, 1, 1]} : vector<8x4x64x128xf32> to vector<1x1x64x128xf32>
    %squeeze3A_864 = vector.shape_cast %slice3A_863 : vector<1x1x64x128xf32> to vector<64x128xf32>
    %dot_general3A_865 = arith.constant dense<0.000000e+00> : vector<32x128xf32>
    %dot_general3A_866 = tpu.matmul %get3A_862, %squeeze3A_864, %dot_general3A_865 {dimension_numbers = #tpu.dot_dimension_numbers<[1], [0], [0], [1], [0, 0, 1, 1], [], []>, transpose_lhs_hint = false} : vector<32x64xf32>, vector<64x128xf32>, vector<32x128xf32> -> vector<32x128xf32>
    %get3A_867 = arith.constant 0 : index
    %get3A_868 = arith.constant 0 : index
    %get3A_869 = vector.load %arg7[%get3A_867, %get3A_868] : memref<32x1xf32, #tpu.memory_space<vmem>>, vector<32x1xf32>
    %add3A_870 = vector.broadcast %get3A_869 : vector<32x1xf32> to vector<32x128xf32>
    %add3A_871 = arith.addf %dot_general3A_866, %add3A_870 : vector<32x128xf32>
    %mul3A_872 = vector.broadcast %mul3A_14 : vector<32x1xf32> to vector<32x128xf32>
    %mul3A_873 = arith.mulf %add3A_871, %mul3A_872 : vector<32x128xf32>
    %add3A_874 = vector.broadcast %sub3A_19 : vector<32x1xf32> to vector<32x128xf32>
    %add3A_875 = arith.addf %mul3A_873, %add3A_874 : vector<32x128xf32>
    %max3A_876 = arith.constant 0.000000e+00 : f32
    %max3A_877 = vector.broadcast %max3A_876 : f32 to vector<32x128xf32>
    %max3A_878 = arith.maximumf %add3A_875, %max3A_877 : vector<32x128xf32>
    %broadcast_in_dim3A_879 = vector.shape_cast %max3A_878 : vector<32x128xf32> to vector<32x1x128xf32>
    %swap3A_880 = arith.constant 35 : index
    %swap3A_881 = arith.constant 22 : index
    %swap3A_882 = arith.constant 0 : index
    %swap3A_883 = vector.load %arg14[%swap3A_880, %swap3A_881, %swap3A_882] : memref<67x32x128xf32, #tpu.memory_space<vmem>>, vector<32x1x128xf32>
    tpu.vector_store %arg14[%swap3A_880, %swap3A_881, %swap3A_882], %broadcast_in_dim3A_879 {strides = array<i32>} : memref<67x32x128xf32, #tpu.memory_space<vmem>>, vector<32x1x128xf32>,
    %get3A_884 = arith.constant 0 : index
    %get3A_885 = arith.constant 0 : index
    %get3A_886 = vector.load %arg6[%get3A_884, %get3A_885] : memref<32x64xf32, #tpu.memory_space<vmem>>, vector<32x64xf32>
    %slice3A_887 = vector.extract_strided_slice %reshape3A {offsets = [5, 3, 0, 0], sizes = [1, 1, 64, 128], strides = [1, 1, 1, 1]} : vector<8x4x64x128xf32> to vector<1x1x64x128xf32>
    %squeeze3A_888 = vector.shape_cast %slice3A_887 : vector<1x1x64x128xf32> to vector<64x128xf32>
    %dot_general3A_889 = arith.constant dense<0.000000e+00> : vector<32x128xf32>
    %dot_general3A_890 = tpu.matmul %get3A_886, %squeeze3A_888, %dot_general3A_889 {dimension_numbers = #tpu.dot_dimension_numbers<[1], [0], [0], [1], [0, 0, 1, 1], [], []>, transpose_lhs_hint = false} : vector<32x64xf32>, vector<64x128xf32>, vector<32x128xf32> -> vector<32x128xf32>
    %get3A_891 = arith.constant 0 : index
    %get3A_892 = arith.constant 0 : index
    %get3A_893 = vector.load %arg7[%get3A_891, %get3A_892] : memref<32x1xf32, #tpu.memory_space<vmem>>, vector<32x1xf32>
    %add3A_894 = vector.broadcast %get3A_893 : vector<32x1xf32> to vector<32x128xf32>
    %add3A_895 = arith.addf %dot_general3A_890, %add3A_894 : vector<32x128xf32>
    %mul3A_896 = vector.broadcast %mul3A_14 : vector<32x1xf32> to vector<32x128xf32>
    %mul3A_897 = arith.mulf %add3A_895, %mul3A_896 : vector<32x128xf32>
    %add3A_898 = vector.broadcast %sub3A_19 : vector<32x1xf32> to vector<32x128xf32>
    %add3A_899 = arith.addf %mul3A_897, %add3A_898 : vector<32x128xf32>
    %max3A_900 = arith.constant 0.000000e+00 : f32
    %max3A_901 = vector.broadcast %max3A_900 : f32 to vector<32x128xf32>
    %max3A_902 = arith.maximumf %add3A_899, %max3A_901 : vector<32x128xf32>
    %broadcast_in_dim3A_903 = vector.shape_cast %max3A_902 : vector<32x128xf32> to vector<32x1x128xf32>
    %swap3A_904 = arith.constant 35 : index
    %swap3A_905 = arith.constant 23 : index
    %swap3A_906 = arith.constant 0 : index
    %swap3A_907 = vector.load %arg14[%swap3A_904, %swap3A_905, %swap3A_906] : memref<67x32x128xf32, #tpu.memory_space<vmem>>, vector<32x1x128xf32>
    tpu.vector_store %arg14[%swap3A_904, %swap3A_905, %swap3A_906], %broadcast_in_dim3A_903 {strides = array<i32>} : memref<67x32x128xf32, #tpu.memory_space<vmem>>, vector<32x1x128xf32>,
    %get3A_908 = arith.constant 0 : index
    %get3A_909 = arith.constant 0 : index
    %get3A_910 = vector.load %arg6[%get3A_908, %get3A_909] : memref<32x64xf32, #tpu.memory_space<vmem>>, vector<32x64xf32>
    %slice3A_911 = vector.extract_strided_slice %reshape3A {offsets = [6, 0, 0, 0], sizes = [1, 1, 64, 128], strides = [1, 1, 1, 1]} : vector<8x4x64x128xf32> to vector<1x1x64x128xf32>
    %squeeze3A_912 = vector.shape_cast %slice3A_911 : vector<1x1x64x128xf32> to vector<64x128xf32>
    %dot_general3A_913 = arith.constant dense<0.000000e+00> : vector<32x128xf32>
    %dot_general3A_914 = tpu.matmul %get3A_910, %squeeze3A_912, %dot_general3A_913 {dimension_numbers = #tpu.dot_dimension_numbers<[1], [0], [0], [1], [0, 0, 1, 1], [], []>, transpose_lhs_hint = false} : vector<32x64xf32>, vector<64x128xf32>, vector<32x128xf32> -> vector<32x128xf32>
    %get3A_915 = arith.constant 0 : index
    %get3A_916 = arith.constant 0 : index
    %get3A_917 = vector.load %arg7[%get3A_915, %get3A_916] : memref<32x1xf32, #tpu.memory_space<vmem>>, vector<32x1xf32>
    %add3A_918 = vector.broadcast %get3A_917 : vector<32x1xf32> to vector<32x128xf32>
    %add3A_919 = arith.addf %dot_general3A_914, %add3A_918 : vector<32x128xf32>
    %mul3A_920 = vector.broadcast %mul3A_14 : vector<32x1xf32> to vector<32x128xf32>
    %mul3A_921 = arith.mulf %add3A_919, %mul3A_920 : vector<32x128xf32>
    %add3A_922 = vector.broadcast %sub3A_19 : vector<32x1xf32> to vector<32x128xf32>
    %add3A_923 = arith.addf %mul3A_921, %add3A_922 : vector<32x128xf32>
    %max3A_924 = arith.constant 0.000000e+00 : f32
    %max3A_925 = vector.broadcast %max3A_924 : f32 to vector<32x128xf32>
    %max3A_926 = arith.maximumf %add3A_923, %max3A_925 : vector<32x128xf32>
    %broadcast_in_dim3A_927 = vector.shape_cast %max3A_926 : vector<32x128xf32> to vector<32x1x128xf32>
    %swap3A_928 = arith.constant 35 : index
    %swap3A_929 = arith.constant 24 : index
    %swap3A_930 = arith.constant 0 : index
    %swap3A_931 = vector.load %arg14[%swap3A_928, %swap3A_929, %swap3A_930] : memref<67x32x128xf32, #tpu.memory_space<vmem>>, vector<32x1x128xf32>
    tpu.vector_store %arg14[%swap3A_928, %swap3A_929, %swap3A_930], %broadcast_in_dim3A_927 {strides = array<i32>} : memref<67x32x128xf32, #tpu.memory_space<vmem>>, vector<32x1x128xf32>,
    %get3A_932 = arith.constant 0 : index
    %get3A_933 = arith.constant 0 : index
    %get3A_934 = vector.load %arg6[%get3A_932, %get3A_933] : memref<32x64xf32, #tpu.memory_space<vmem>>, vector<32x64xf32>
    %slice3A_935 = vector.extract_strided_slice %reshape3A {offsets = [6, 1, 0, 0], sizes = [1, 1, 64, 128], strides = [1, 1, 1, 1]} : vector<8x4x64x128xf32> to vector<1x1x64x128xf32>
    %squeeze3A_936 = vector.shape_cast %slice3A_935 : vector<1x1x64x128xf32> to vector<64x128xf32>
    %dot_general3A_937 = arith.constant dense<0.000000e+00> : vector<32x128xf32>
    %dot_general3A_938 = tpu.matmul %get3A_934, %squeeze3A_936, %dot_general3A_937 {dimension_numbers = #tpu.dot_dimension_numbers<[1], [0], [0], [1], [0, 0, 1, 1], [], []>, transpose_lhs_hint = false} : vector<32x64xf32>, vector<64x128xf32>, vector<32x128xf32> -> vector<32x128xf32>
    %get3A_939 = arith.constant 0 : index
    %get3A_940 = arith.constant 0 : index
    %get3A_941 = vector.load %arg7[%get3A_939, %get3A_940] : memref<32x1xf32, #tpu.memory_space<vmem>>, vector<32x1xf32>
    %add3A_942 = vector.broadcast %get3A_941 : vector<32x1xf32> to vector<32x128xf32>
    %add3A_943 = arith.addf %dot_general3A_938, %add3A_942 : vector<32x128xf32>
    %mul3A_944 = vector.broadcast %mul3A_14 : vector<32x1xf32> to vector<32x128xf32>
    %mul3A_945 = arith.mulf %add3A_943, %mul3A_944 : vector<32x128xf32>
    %add3A_946 = vector.broadcast %sub3A_19 : vector<32x1xf32> to vector<32x128xf32>
    %add3A_947 = arith.addf %mul3A_945, %add3A_946 : vector<32x128xf32>
    %max3A_948 = arith.constant 0.000000e+00 : f32
    %max3A_949 = vector.broadcast %max3A_948 : f32 to vector<32x128xf32>
    %max3A_950 = arith.maximumf %add3A_947, %max3A_949 : vector<32x128xf32>
    %broadcast_in_dim3A_951 = vector.shape_cast %max3A_950 : vector<32x128xf32> to vector<32x1x128xf32>
    %swap3A_952 = arith.constant 35 : index
    %swap3A_953 = arith.constant 25 : index
    %swap3A_954 = arith.constant 0 : index
    %swap3A_955 = vector.load %arg14[%swap3A_952, %swap3A_953, %swap3A_954] : memref<67x32x128xf32, #tpu.memory_space<vmem>>, vector<32x1x128xf32>
    tpu.vector_store %arg14[%swap3A_952, %swap3A_953, %swap3A_954], %broadcast_in_dim3A_951 {strides = array<i32>} : memref<67x32x128xf32, #tpu.memory_space<vmem>>, vector<32x1x128xf32>,
    %get3A_956 = arith.constant 0 : index
    %get3A_957 = arith.constant 0 : index
    %get3A_958 = vector.load %arg6[%get3A_956, %get3A_957] : memref<32x64xf32, #tpu.memory_space<vmem>>, vector<32x64xf32>
    %slice3A_959 = vector.extract_strided_slice %reshape3A {offsets = [6, 2, 0, 0], sizes = [1, 1, 64, 128], strides = [1, 1, 1, 1]} : vector<8x4x64x128xf32> to vector<1x1x64x128xf32>
    %squeeze3A_960 = vector.shape_cast %slice3A_959 : vector<1x1x64x128xf32> to vector<64x128xf32>
    %dot_general3A_961 = arith.constant dense<0.000000e+00> : vector<32x128xf32>
    %dot_general3A_962 = tpu.matmul %get3A_958, %squeeze3A_960, %dot_general3A_961 {dimension_numbers = #tpu.dot_dimension_numbers<[1], [0], [0], [1], [0, 0, 1, 1], [], []>, transpose_lhs_hint = false} : vector<32x64xf32>, vector<64x128xf32>, vector<32x128xf32> -> vector<32x128xf32>
    %get3A_963 = arith.constant 0 : index
    %get3A_964 = arith.constant 0 : index
    %get3A_965 = vector.load %arg7[%get3A_963, %get3A_964] : memref<32x1xf32, #tpu.memory_space<vmem>>, vector<32x1xf32>
    %add3A_966 = vector.broadcast %get3A_965 : vector<32x1xf32> to vector<32x128xf32>
    %add3A_967 = arith.addf %dot_general3A_962, %add3A_966 : vector<32x128xf32>
    %mul3A_968 = vector.broadcast %mul3A_14 : vector<32x1xf32> to vector<32x128xf32>
    %mul3A_969 = arith.mulf %add3A_967, %mul3A_968 : vector<32x128xf32>
    %add3A_970 = vector.broadcast %sub3A_19 : vector<32x1xf32> to vector<32x128xf32>
    %add3A_971 = arith.addf %mul3A_969, %add3A_970 : vector<32x128xf32>
    %max3A_972 = arith.constant 0.000000e+00 : f32
    %max3A_973 = vector.broadcast %max3A_972 : f32 to vector<32x128xf32>
    %max3A_974 = arith.maximumf %add3A_971, %max3A_973 : vector<32x128xf32>
    %broadcast_in_dim3A_975 = vector.shape_cast %max3A_974 : vector<32x128xf32> to vector<32x1x128xf32>
    %swap3A_976 = arith.constant 35 : index
    %swap3A_977 = arith.constant 26 : index
    %swap3A_978 = arith.constant 0 : index
    %swap3A_979 = vector.load %arg14[%swap3A_976, %swap3A_977, %swap3A_978] : memref<67x32x128xf32, #tpu.memory_space<vmem>>, vector<32x1x128xf32>
    tpu.vector_store %arg14[%swap3A_976, %swap3A_977, %swap3A_978], %broadcast_in_dim3A_975 {strides = array<i32>} : memref<67x32x128xf32, #tpu.memory_space<vmem>>, vector<32x1x128xf32>,
    %get3A_980 = arith.constant 0 : index
    %get3A_981 = arith.constant 0 : index
    %get3A_982 = vector.load %arg6[%get3A_980, %get3A_981] : memref<32x64xf32, #tpu.memory_space<vmem>>, vector<32x64xf32>
    %slice3A_983 = vector.extract_strided_slice %reshape3A {offsets = [6, 3, 0, 0], sizes = [1, 1, 64, 128], strides = [1, 1, 1, 1]} : vector<8x4x64x128xf32> to vector<1x1x64x128xf32>
    %squeeze3A_984 = vector.shape_cast %slice3A_983 : vector<1x1x64x128xf32> to vector<64x128xf32>
    %dot_general3A_985 = arith.constant dense<0.000000e+00> : vector<32x128xf32>
    %dot_general3A_986 = tpu.matmul %get3A_982, %squeeze3A_984, %dot_general3A_985 {dimension_numbers = #tpu.dot_dimension_numbers<[1], [0], [0], [1], [0, 0, 1, 1], [], []>, transpose_lhs_hint = false} : vector<32x64xf32>, vector<64x128xf32>, vector<32x128xf32> -> vector<32x128xf32>
    %get3A_987 = arith.constant 0 : index
    %get3A_988 = arith.constant 0 : index
    %get3A_989 = vector.load %arg7[%get3A_987, %get3A_988] : memref<32x1xf32, #tpu.memory_space<vmem>>, vector<32x1xf32>
    %add3A_990 = vector.broadcast %get3A_989 : vector<32x1xf32> to vector<32x128xf32>
    %add3A_991 = arith.addf %dot_general3A_986, %add3A_990 : vector<32x128xf32>
    %mul3A_992 = vector.broadcast %mul3A_14 : vector<32x1xf32> to vector<32x128xf32>
    %mul3A_993 = arith.mulf %add3A_991, %mul3A_992 : vector<32x128xf32>
    %add3A_994 = vector.broadcast %sub3A_19 : vector<32x1xf32> to vector<32x128xf32>
    %add3A_995 = arith.addf %mul3A_993, %add3A_994 : vector<32x128xf32>
    %max3A_996 = arith.constant 0.000000e+00 : f32
    %max3A_997 = vector.broadcast %max3A_996 : f32 to vector<32x128xf32>
    %max3A_998 = arith.maximumf %add3A_995, %max3A_997 : vector<32x128xf32>
    %broadcast_in_dim3A_999 = vector.shape_cast %max3A_998 : vector<32x128xf32> to vector<32x1x128xf32>
    %swap3A_1000 = arith.constant 35 : index
    %swap3A_1001 = arith.constant 27 : index
    %swap3A_1002 = arith.constant 0 : index
    %swap3A_1003 = vector.load %arg14[%swap3A_1000, %swap3A_1001, %swap3A_1002] : memref<67x32x128xf32, #tpu.memory_space<vmem>>, vector<32x1x128xf32>
    tpu.vector_store %arg14[%swap3A_1000, %swap3A_1001, %swap3A_1002], %broadcast_in_dim3A_999 {strides = array<i32>} : memref<67x32x128xf32, #tpu.memory_space<vmem>>, vector<32x1x128xf32>,
    %get3A_1004 = arith.constant 0 : index
    %get3A_1005 = arith.constant 0 : index
    %get3A_1006 = vector.load %arg6[%get3A_1004, %get3A_1005] : memref<32x64xf32, #tpu.memory_space<vmem>>, vector<32x64xf32>
    %slice3A_1007 = vector.extract_strided_slice %reshape3A {offsets = [7, 0, 0, 0], sizes = [1, 1, 64, 128], strides = [1, 1, 1, 1]} : vector<8x4x64x128xf32> to vector<1x1x64x128xf32>
    %squeeze3A_1008 = vector.shape_cast %slice3A_1007 : vector<1x1x64x128xf32> to vector<64x128xf32>
    %dot_general3A_1009 = arith.constant dense<0.000000e+00> : vector<32x128xf32>
    %dot_general3A_1010 = tpu.matmul %get3A_1006, %squeeze3A_1008, %dot_general3A_1009 {dimension_numbers = #tpu.dot_dimension_numbers<[1], [0], [0], [1], [0, 0, 1, 1], [], []>, transpose_lhs_hint = false} : vector<32x64xf32>, vector<64x128xf32>, vector<32x128xf32> -> vector<32x128xf32>
    %get3A_1011 = arith.constant 0 : index
    %get3A_1012 = arith.constant 0 : index
    %get3A_1013 = vector.load %arg7[%get3A_1011, %get3A_1012] : memref<32x1xf32, #tpu.memory_space<vmem>>, vector<32x1xf32>
    %add3A_1014 = vector.broadcast %get3A_1013 : vector<32x1xf32> to vector<32x128xf32>
    %add3A_1015 = arith.addf %dot_general3A_1010, %add3A_1014 : vector<32x128xf32>
    %mul3A_1016 = vector.broadcast %mul3A_14 : vector<32x1xf32> to vector<32x128xf32>
    %mul3A_1017 = arith.mulf %add3A_1015, %mul3A_1016 : vector<32x128xf32>
    %add3A_1018 = vector.broadcast %sub3A_19 : vector<32x1xf32> to vector<32x128xf32>
    %add3A_1019 = arith.addf %mul3A_1017, %add3A_1018 : vector<32x128xf32>
    %max3A_1020 = arith.constant 0.000000e+00 : f32
    %max3A_1021 = vector.broadcast %max3A_1020 : f32 to vector<32x128xf32>
    %max3A_1022 = arith.maximumf %add3A_1019, %max3A_1021 : vector<32x128xf32>
    %broadcast_in_dim3A_1023 = vector.shape_cast %max3A_1022 : vector<32x128xf32> to vector<32x1x128xf32>
    %swap3A_1024 = arith.constant 35 : index
    %swap3A_1025 = arith.constant 28 : index
    %swap3A_1026 = arith.constant 0 : index
    %swap3A_1027 = vector.load %arg14[%swap3A_1024, %swap3A_1025, %swap3A_1026] : memref<67x32x128xf32, #tpu.memory_space<vmem>>, vector<32x1x128xf32>
    tpu.vector_store %arg14[%swap3A_1024, %swap3A_1025, %swap3A_1026], %broadcast_in_dim3A_1023 {strides = array<i32>} : memref<67x32x128xf32, #tpu.memory_space<vmem>>, vector<32x1x128xf32>,
    %get3A_1028 = arith.constant 0 : index
    %get3A_1029 = arith.constant 0 : index
    %get3A_1030 = vector.load %arg6[%get3A_1028, %get3A_1029] : memref<32x64xf32, #tpu.memory_space<vmem>>, vector<32x64xf32>
    %slice3A_1031 = vector.extract_strided_slice %reshape3A {offsets = [7, 1, 0, 0], sizes = [1, 1, 64, 128], strides = [1, 1, 1, 1]} : vector<8x4x64x128xf32> to vector<1x1x64x128xf32>
    %squeeze3A_1032 = vector.shape_cast %slice3A_1031 : vector<1x1x64x128xf32> to vector<64x128xf32>
    %dot_general3A_1033 = arith.constant dense<0.000000e+00> : vector<32x128xf32>
    %dot_general3A_1034 = tpu.matmul %get3A_1030, %squeeze3A_1032, %dot_general3A_1033 {dimension_numbers = #tpu.dot_dimension_numbers<[1], [0], [0], [1], [0, 0, 1, 1], [], []>, transpose_lhs_hint = false} : vector<32x64xf32>, vector<64x128xf32>, vector<32x128xf32> -> vector<32x128xf32>
    %get3A_1035 = arith.constant 0 : index
    %get3A_1036 = arith.constant 0 : index
    %get3A_1037 = vector.load %arg7[%get3A_1035, %get3A_1036] : memref<32x1xf32, #tpu.memory_space<vmem>>, vector<32x1xf32>
    %add3A_1038 = vector.broadcast %get3A_1037 : vector<32x1xf32> to vector<32x128xf32>
    %add3A_1039 = arith.addf %dot_general3A_1034, %add3A_1038 : vector<32x128xf32>
    %mul3A_1040 = vector.broadcast %mul3A_14 : vector<32x1xf32> to vector<32x128xf32>
    %mul3A_1041 = arith.mulf %add3A_1039, %mul3A_1040 : vector<32x128xf32>
    %add3A_1042 = vector.broadcast %sub3A_19 : vector<32x1xf32> to vector<32x128xf32>
    %add3A_1043 = arith.addf %mul3A_1041, %add3A_1042 : vector<32x128xf32>
    %max3A_1044 = arith.constant 0.000000e+00 : f32
    %max3A_1045 = vector.broadcast %max3A_1044 : f32 to vector<32x128xf32>
    %max3A_1046 = arith.maximumf %add3A_1043, %max3A_1045 : vector<32x128xf32>
    %broadcast_in_dim3A_1047 = vector.shape_cast %max3A_1046 : vector<32x128xf32> to vector<32x1x128xf32>
    %swap3A_1048 = arith.constant 35 : index
    %swap3A_1049 = arith.constant 29 : index
    %swap3A_1050 = arith.constant 0 : index
    %swap3A_1051 = vector.load %arg14[%swap3A_1048, %swap3A_1049, %swap3A_1050] : memref<67x32x128xf32, #tpu.memory_space<vmem>>, vector<32x1x128xf32>
    tpu.vector_store %arg14[%swap3A_1048, %swap3A_1049, %swap3A_1050], %broadcast_in_dim3A_1047 {strides = array<i32>} : memref<67x32x128xf32, #tpu.memory_space<vmem>>, vector<32x1x128xf32>,
    %get3A_1052 = arith.constant 0 : index
    %get3A_1053 = arith.constant 0 : index
    %get3A_1054 = vector.load %arg6[%get3A_1052, %get3A_1053] : memref<32x64xf32, #tpu.memory_space<vmem>>, vector<32x64xf32>
    %slice3A_1055 = vector.extract_strided_slice %reshape3A {offsets = [7, 2, 0, 0], sizes = [1, 1, 64, 128], strides = [1, 1, 1, 1]} : vector<8x4x64x128xf32> to vector<1x1x64x128xf32>
    %squeeze3A_1056 = vector.shape_cast %slice3A_1055 : vector<1x1x64x128xf32> to vector<64x128xf32>
    %dot_general3A_1057 = arith.constant dense<0.000000e+00> : vector<32x128xf32>
    %dot_general3A_1058 = tpu.matmul %get3A_1054, %squeeze3A_1056, %dot_general3A_1057 {dimension_numbers = #tpu.dot_dimension_numbers<[1], [0], [0], [1], [0, 0, 1, 1], [], []>, transpose_lhs_hint = false} : vector<32x64xf32>, vector<64x128xf32>, vector<32x128xf32> -> vector<32x128xf32>
    %get3A_1059 = arith.constant 0 : index
    %get3A_1060 = arith.constant 0 : index
    %get3A_1061 = vector.load %arg7[%get3A_1059, %get3A_1060] : memref<32x1xf32, #tpu.memory_space<vmem>>, vector<32x1xf32>
    %add3A_1062 = vector.broadcast %get3A_1061 : vector<32x1xf32> to vector<32x128xf32>
    %add3A_1063 = arith.addf %dot_general3A_1058, %add3A_1062 : vector<32x128xf32>
    %mul3A_1064 = vector.broadcast %mul3A_14 : vector<32x1xf32> to vector<32x128xf32>
    %mul3A_1065 = arith.mulf %add3A_1063, %mul3A_1064 : vector<32x128xf32>
    %add3A_1066 = vector.broadcast %sub3A_19 : vector<32x1xf32> to vector<32x128xf32>
    %add3A_1067 = arith.addf %mul3A_1065, %add3A_1066 : vector<32x128xf32>
    %max3A_1068 = arith.constant 0.000000e+00 : f32
    %max3A_1069 = vector.broadcast %max3A_1068 : f32 to vector<32x128xf32>
    %max3A_1070 = arith.maximumf %add3A_1067, %max3A_1069 : vector<32x128xf32>
    %broadcast_in_dim3A_1071 = vector.shape_cast %max3A_1070 : vector<32x128xf32> to vector<32x1x128xf32>
    %swap3A_1072 = arith.constant 35 : index
    %swap3A_1073 = arith.constant 30 : index
    %swap3A_1074 = arith.constant 0 : index
    %swap3A_1075 = vector.load %arg14[%swap3A_1072, %swap3A_1073, %swap3A_1074] : memref<67x32x128xf32, #tpu.memory_space<vmem>>, vector<32x1x128xf32>
    tpu.vector_store %arg14[%swap3A_1072, %swap3A_1073, %swap3A_1074], %broadcast_in_dim3A_1071 {strides = array<i32>} : memref<67x32x128xf32, #tpu.memory_space<vmem>>, vector<32x1x128xf32>,
    %get3A_1076 = arith.constant 0 : index
    %get3A_1077 = arith.constant 0 : index
    %get3A_1078 = vector.load %arg6[%get3A_1076, %get3A_1077] : memref<32x64xf32, #tpu.memory_space<vmem>>, vector<32x64xf32>
    %slice3A_1079 = vector.extract_strided_slice %reshape3A {offsets = [7, 3, 0, 0], sizes = [1, 1, 64, 128], strides = [1, 1, 1, 1]} : vector<8x4x64x128xf32> to vector<1x1x64x128xf32>
    %squeeze3A_1080 = vector.shape_cast %slice3A_1079 : vector<1x1x64x128xf32> to vector<64x128xf32>
    %dot_general3A_1081 = arith.constant dense<0.000000e+00> : vector<32x128xf32>
    %dot_general3A_1082 = tpu.matmul %get3A_1078, %squeeze3A_1080, %dot_general3A_1081 {dimension_numbers = #tpu.dot_dimension_numbers<[1], [0], [0], [1], [0, 0, 1, 1], [], []>, transpose_lhs_hint = false} : vector<32x64xf32>, vector<64x128xf32>, vector<32x128xf32> -> vector<32x128xf32>
    %get3A_1083 = arith.constant 0 : index
    %get3A_1084 = arith.constant 0 : index
    %get3A_1085 = vector.load %arg7[%get3A_1083, %get3A_1084] : memref<32x1xf32, #tpu.memory_space<vmem>>, vector<32x1xf32>
    %add3A_1086 = vector.broadcast %get3A_1085 : vector<32x1xf32> to vector<32x128xf32>
    %add3A_1087 = arith.addf %dot_general3A_1082, %add3A_1086 : vector<32x128xf32>
    %mul3A_1088 = vector.broadcast %mul3A_14 : vector<32x1xf32> to vector<32x128xf32>
    %mul3A_1089 = arith.mulf %add3A_1087, %mul3A_1088 : vector<32x128xf32>
    %add3A_1090 = vector.broadcast %sub3A_19 : vector<32x1xf32> to vector<32x128xf32>
    %add3A_1091 = arith.addf %mul3A_1089, %add3A_1090 : vector<32x128xf32>
    %max3A_1092 = arith.constant 0.000000e+00 : f32
    %max3A_1093 = vector.broadcast %max3A_1092 : f32 to vector<32x128xf32>
    %max3A_1094 = arith.maximumf %add3A_1091, %max3A_1093 : vector<32x128xf32>
    %broadcast_in_dim3A_1095 = vector.shape_cast %max3A_1094 : vector<32x128xf32> to vector<32x1x128xf32>
    %swap3A_1096 = arith.constant 35 : index
    %swap3A_1097 = arith.constant 31 : index
    %swap3A_1098 = arith.constant 0 : index
    %swap3A_1099 = vector.load %arg14[%swap3A_1096, %swap3A_1097, %swap3A_1098] : memref<67x32x128xf32, #tpu.memory_space<vmem>>, vector<32x1x128xf32>
    tpu.vector_store %arg14[%swap3A_1096, %swap3A_1097, %swap3A_1098], %broadcast_in_dim3A_1095 {strides = array<i32>} : memref<67x32x128xf32, #tpu.memory_space<vmem>>, vector<32x1x128xf32>,
    return
  }
  func.func @transform_0(%arg0: i32) -> (i32, i32) {
    %c0_i32 = arith.constant 0 : i32
    %c0_i32_0 = arith.constant 0 : i32
    %c0_i32_1 = arith.constant 0 : i32
    return %c0_i32, %c0_i32_0 : i32, i32
  }
  func.func @transform_1(%arg0: i32) -> (i32, i32) {
    %c0_i32 = arith.constant 0 : i32
    %c0_i32_0 = arith.constant 0 : i32
    %c0_i32_1 = arith.constant 0 : i32
    return %c0_i32, %c0_i32_0 : i32, i32
  }
  func.func @transform_2(%arg0: i32) -> (i32, i32) {
    %c0_i32 = arith.constant 0 : i32
    %c0_i32_0 = arith.constant 0 : i32
    return %arg0, %c0_i32 : i32, i32
  }
  func.func @transform_3(%arg0: i32) -> (i32, i32, i32) {
    %c0_i32 = arith.constant 0 : i32
    %c0_i32_0 = arith.constant 0 : i32
    %c0_i32_1 = arith.constant 0 : i32
    return %c0_i32, %c0_i32_0, %arg0 : i32, i32, i32
  }
  func.func @transform_4(%arg0: i32) -> (i32, i32, i32) {
    %c0_i32 = arith.constant 0 : i32
    %c0_i32_0 = arith.constant 0 : i32
    %c0_i32_1 = arith.constant 0 : i32
    return %c0_i32, %arg0, %c0_i32_0 : i32, i32, i32
  }
  func.func @transform_5(%arg0: i32) -> (i32, i32) {
    %c0_i32 = arith.constant 0 : i32
    %c0_i32_0 = arith.constant 0 : i32
    %c0_i32_1 = arith.constant 0 : i32
    return %c0_i32, %c0_i32_0 : i32, i32
  }
  func.func @transform_6(%arg0: i32) -> (i32, i32) {
    %c0_i32 = arith.constant 0 : i32
    %c0_i32_0 = arith.constant 0 : i32
    %c0_i32_1 = arith.constant 0 : i32
    return %c0_i32, %c0_i32_0 : i32, i32
  }
  func.func @transform_7(%arg0: i32) -> (i32, i32) {
    %c0_i32 = arith.constant 0 : i32
    %c0_i32_0 = arith.constant 0 : i32
    %c0_i32_1 = arith.constant 0 : i32
    return %c0_i32, %c0_i32_0 : i32, i32
  }
  func.func @transform_8(%arg0: i32) -> (i32, i32) {
    %c0_i32 = arith.constant 0 : i32
    %c0_i32_0 = arith.constant 0 : i32
    %c0_i32_1 = arith.constant 0 : i32
    return %c0_i32, %c0_i32_0 : i32, i32
  }
  func.func @transform_9(%arg0: i32) -> (i32, i32) {
    %c0_i32 = arith.constant 0 : i32
    %c0_i32_0 = arith.constant 0 : i32
    %c0_i32_1 = arith.constant 0 : i32
    return %c0_i32, %c0_i32_0 : i32, i32
  }
  func.func @transform_10(%arg0: i32) -> (i32, i32) {
    %c0_i32 = arith.constant 0 : i32
    %c0_i32_0 = arith.constant 0 : i32
    %c0_i32_1 = arith.constant 0 : i32
    return %c0_i32, %c0_i32_0 : i32, i32
  }
  func.func @transform_11(%arg0: i32) -> (i32, i32) {
    %c0_i32 = arith.constant 0 : i32
    %c0_i32_0 = arith.constant 0 : i32
    %c0_i32_1 = arith.constant 0 : i32
    return %c0_i32, %c0_i32_0 : i32, i32
  }
  func.func @transform_12(%arg0: i32) -> (i32, i32) {
    %c0_i32 = arith.constant 0 : i32
    %c0_i32_0 = arith.constant 0 : i32
    %c0_i32_1 = arith.constant 0 : i32
    return %c0_i32, %c0_i32_0 : i32, i32
  }
  func.func @transform_13(%arg0: i32) -> (i32, i32, i32) {
    %c0_i32 = arith.constant 0 : i32
    %c0_i32_0 = arith.constant 0 : i32
    %c0_i32_1 = arith.constant 0 : i32
    return %c0_i32, %arg0, %c0_i32_0 : i32, i32, i32
  }
}

module attributes {stable_mosaic.version = 14 : i64} {
  func.func @body(%arg0: i32, %arg1: memref<2048x128xf32, #tpu.memory_space<vmem>>, %arg2: memref<4x32x1024xf32, #tpu.memory_space<vmem>>, %arg3: memref<32x64xf32, #tpu.memory_space<vmem>>, %arg4: memref<32x1xf32, #tpu.memory_space<vmem>>, %arg5: memref<32x32xf32, #tpu.memory_space<vmem>>, %arg6: memref<32x1xf32, #tpu.memory_space<vmem>>, %arg7: memref<32x2xf32, #tpu.memory_space<vmem>>, %arg8: memref<32x2xf32, #tpu.memory_space<vmem>>) attributes {dimension_semantics = [#tpu.dimension_semantics<arbitrary>], iteration_bounds = array<i64: 32>, scalar_prefetch = 0 : i64, scratch_operands = 0 : i64, tpu.core_type = #tpu.core_type<tc>, window_params = [{transform_indices = @transform_0, window_bounds = array<i64: 2048, 128>}, {transform_indices = @transform_1, window_bounds = array<i64: 4, 32, 1024>}, {pipeline_mode = #tpu.pipeline_mode<synchronous>, transform_indices = @transform_2, window_bounds = array<i64: 32, 64>}, {pipeline_mode = #tpu.pipeline_mode<synchronous>, transform_indices = @transform_3, window_bounds = array<i64: 32, 1>}, {pipeline_mode = #tpu.pipeline_mode<synchronous>, transform_indices = @transform_4, window_bounds = array<i64: 32, 32>}, {pipeline_mode = #tpu.pipeline_mode<synchronous>, transform_indices = @transform_5, window_bounds = array<i64: 32, 1>}, {pipeline_mode = #tpu.pipeline_mode<synchronous>, transform_indices = @transform_6, window_bounds = array<i64: 32, 2>}, {pipeline_mode = #tpu.pipeline_mode<synchronous>, transform_indices = @transform_7, window_bounds = array<i64: 32, 2>}]} {
    %eq3A = arith.constant 0 : i32
    %eq3A_0 = arith.cmpi eq, %arg0, %eq3A : i32
    %get3A = arith.constant 0 : index
    %get3A_1 = arith.constant 0 : index
    %get3A_2 = vector.load %arg1[%get3A, %get3A_1] : memref<2048x128xf32, #tpu.memory_space<vmem>>, vector<2048x128xf32>
    %reshape3A = vector.shape_cast %get3A_2 : vector<2048x128xf32> to vector<8x4x64x128xf32>
    %broadcast_in_dim3A = arith.constant 0.000000e+00 : f32
    %broadcast_in_dim3A_3 = vector.broadcast %broadcast_in_dim3A : f32 to vector<32x1xf32>
    %broadcast_in_dim3A_4 = arith.constant 0.000000e+00 : f32
    %broadcast_in_dim3A_5 = vector.broadcast %broadcast_in_dim3A_4 : f32 to vector<32x1xf32>
    %get3A_6 = arith.constant 0 : index
    %get3A_7 = arith.constant 0 : index
    %get3A_8 = vector.load %arg3[%get3A_6, %get3A_7] : memref<32x64xf32, #tpu.memory_space<vmem>>, vector<32x64xf32>
    %slice3A = vector.extract_strided_slice %reshape3A {offsets = [0, 0, 0, 0], sizes = [1, 1, 64, 128], strides = [1, 1, 1, 1]} : vector<8x4x64x128xf32> to vector<1x1x64x128xf32>
    %squeeze3A = vector.shape_cast %slice3A : vector<1x1x64x128xf32> to vector<64x128xf32>
    %dot_general3A = arith.constant dense<0.000000e+00> : vector<32x128xf32>
    %dot_general3A_9 = tpu.matmul %get3A_8, %squeeze3A, %dot_general3A {dimension_numbers = #tpu.dot_dimension_numbers<[1], [0], [0], [1], [0, 0, 1, 1], [], []>, transpose_lhs_hint = false} : vector<32x64xf32>, vector<64x128xf32>, vector<32x128xf32> -> vector<32x128xf32>
    %get3A_10 = arith.constant 0 : index
    %get3A_11 = arith.constant 0 : index
    %get3A_12 = vector.load %arg4[%get3A_10, %get3A_11] : memref<32x1xf32, #tpu.memory_space<vmem>>, vector<32x1xf32>
    %add3A = vector.broadcast %get3A_12 : vector<32x1xf32> to vector<32x128xf32>
    %add3A_13 = arith.addf %dot_general3A_9, %add3A : vector<32x128xf32>
    %reduce_sum3A = arith.constant dense<0.000000e+00> : vector<32xf32>
    %reduce_sum3A_14 = vector.multi_reduction <add>, %add3A_13, %reduce_sum3A [1] : vector<32x128xf32> to vector<32xf32>
    %broadcast_in_dim3A_15 = vector.shape_cast %reduce_sum3A_14 : vector<32xf32> to vector<32x1xf32>
    %add3A_16 = arith.addf %broadcast_in_dim3A_3, %broadcast_in_dim3A_15 : vector<32x1xf32>
    %mul3A = arith.mulf %add3A_13, %add3A_13 : vector<32x128xf32>
    %reduce_sum3A_17 = arith.constant dense<0.000000e+00> : vector<32xf32>
    %reduce_sum3A_18 = vector.multi_reduction <add>, %mul3A, %reduce_sum3A_17 [1] : vector<32x128xf32> to vector<32xf32>
    %broadcast_in_dim3A_19 = vector.shape_cast %reduce_sum3A_18 : vector<32xf32> to vector<32x1xf32>
    %add3A_20 = arith.addf %broadcast_in_dim3A_5, %broadcast_in_dim3A_19 : vector<32x1xf32>
    %get3A_21 = arith.constant 0 : index
    %get3A_22 = arith.constant 0 : index
    %get3A_23 = vector.load %arg3[%get3A_21, %get3A_22] : memref<32x64xf32, #tpu.memory_space<vmem>>, vector<32x64xf32>
    %slice3A_24 = vector.extract_strided_slice %reshape3A {offsets = [0, 1, 0, 0], sizes = [1, 1, 64, 128], strides = [1, 1, 1, 1]} : vector<8x4x64x128xf32> to vector<1x1x64x128xf32>
    %squeeze3A_25 = vector.shape_cast %slice3A_24 : vector<1x1x64x128xf32> to vector<64x128xf32>
    %dot_general3A_26 = arith.constant dense<0.000000e+00> : vector<32x128xf32>
    %dot_general3A_27 = tpu.matmul %get3A_23, %squeeze3A_25, %dot_general3A_26 {dimension_numbers = #tpu.dot_dimension_numbers<[1], [0], [0], [1], [0, 0, 1, 1], [], []>, transpose_lhs_hint = false} : vector<32x64xf32>, vector<64x128xf32>, vector<32x128xf32> -> vector<32x128xf32>
    %get3A_28 = arith.constant 0 : index
    %get3A_29 = arith.constant 0 : index
    %get3A_30 = vector.load %arg4[%get3A_28, %get3A_29] : memref<32x1xf32, #tpu.memory_space<vmem>>, vector<32x1xf32>
    %add3A_31 = vector.broadcast %get3A_30 : vector<32x1xf32> to vector<32x128xf32>
    %add3A_32 = arith.addf %dot_general3A_27, %add3A_31 : vector<32x128xf32>
    %reduce_sum3A_33 = arith.constant dense<0.000000e+00> : vector<32xf32>
    %reduce_sum3A_34 = vector.multi_reduction <add>, %add3A_32, %reduce_sum3A_33 [1] : vector<32x128xf32> to vector<32xf32>
    %broadcast_in_dim3A_35 = vector.shape_cast %reduce_sum3A_34 : vector<32xf32> to vector<32x1xf32>
    %add3A_36 = arith.addf %add3A_16, %broadcast_in_dim3A_35 : vector<32x1xf32>
    %mul3A_37 = arith.mulf %add3A_32, %add3A_32 : vector<32x128xf32>
    %reduce_sum3A_38 = arith.constant dense<0.000000e+00> : vector<32xf32>
    %reduce_sum3A_39 = vector.multi_reduction <add>, %mul3A_37, %reduce_sum3A_38 [1] : vector<32x128xf32> to vector<32xf32>
    %broadcast_in_dim3A_40 = vector.shape_cast %reduce_sum3A_39 : vector<32xf32> to vector<32x1xf32>
    %add3A_41 = arith.addf %add3A_20, %broadcast_in_dim3A_40 : vector<32x1xf32>
    %get3A_42 = arith.constant 0 : index
    %get3A_43 = arith.constant 0 : index
    %get3A_44 = vector.load %arg3[%get3A_42, %get3A_43] : memref<32x64xf32, #tpu.memory_space<vmem>>, vector<32x64xf32>
    %slice3A_45 = vector.extract_strided_slice %reshape3A {offsets = [0, 2, 0, 0], sizes = [1, 1, 64, 128], strides = [1, 1, 1, 1]} : vector<8x4x64x128xf32> to vector<1x1x64x128xf32>
    %squeeze3A_46 = vector.shape_cast %slice3A_45 : vector<1x1x64x128xf32> to vector<64x128xf32>
    %dot_general3A_47 = arith.constant dense<0.000000e+00> : vector<32x128xf32>
    %dot_general3A_48 = tpu.matmul %get3A_44, %squeeze3A_46, %dot_general3A_47 {dimension_numbers = #tpu.dot_dimension_numbers<[1], [0], [0], [1], [0, 0, 1, 1], [], []>, transpose_lhs_hint = false} : vector<32x64xf32>, vector<64x128xf32>, vector<32x128xf32> -> vector<32x128xf32>
    %get3A_49 = arith.constant 0 : index
    %get3A_50 = arith.constant 0 : index
    %get3A_51 = vector.load %arg4[%get3A_49, %get3A_50] : memref<32x1xf32, #tpu.memory_space<vmem>>, vector<32x1xf32>
    %add3A_52 = vector.broadcast %get3A_51 : vector<32x1xf32> to vector<32x128xf32>
    %add3A_53 = arith.addf %dot_general3A_48, %add3A_52 : vector<32x128xf32>
    %reduce_sum3A_54 = arith.constant dense<0.000000e+00> : vector<32xf32>
    %reduce_sum3A_55 = vector.multi_reduction <add>, %add3A_53, %reduce_sum3A_54 [1] : vector<32x128xf32> to vector<32xf32>
    %broadcast_in_dim3A_56 = vector.shape_cast %reduce_sum3A_55 : vector<32xf32> to vector<32x1xf32>
    %add3A_57 = arith.addf %add3A_36, %broadcast_in_dim3A_56 : vector<32x1xf32>
    %mul3A_58 = arith.mulf %add3A_53, %add3A_53 : vector<32x128xf32>
    %reduce_sum3A_59 = arith.constant dense<0.000000e+00> : vector<32xf32>
    %reduce_sum3A_60 = vector.multi_reduction <add>, %mul3A_58, %reduce_sum3A_59 [1] : vector<32x128xf32> to vector<32xf32>
    %broadcast_in_dim3A_61 = vector.shape_cast %reduce_sum3A_60 : vector<32xf32> to vector<32x1xf32>
    %add3A_62 = arith.addf %add3A_41, %broadcast_in_dim3A_61 : vector<32x1xf32>
    %get3A_63 = arith.constant 0 : index
    %get3A_64 = arith.constant 0 : index
    %get3A_65 = vector.load %arg3[%get3A_63, %get3A_64] : memref<32x64xf32, #tpu.memory_space<vmem>>, vector<32x64xf32>
    %slice3A_66 = vector.extract_strided_slice %reshape3A {offsets = [0, 3, 0, 0], sizes = [1, 1, 64, 128], strides = [1, 1, 1, 1]} : vector<8x4x64x128xf32> to vector<1x1x64x128xf32>
    %squeeze3A_67 = vector.shape_cast %slice3A_66 : vector<1x1x64x128xf32> to vector<64x128xf32>
    %dot_general3A_68 = arith.constant dense<0.000000e+00> : vector<32x128xf32>
    %dot_general3A_69 = tpu.matmul %get3A_65, %squeeze3A_67, %dot_general3A_68 {dimension_numbers = #tpu.dot_dimension_numbers<[1], [0], [0], [1], [0, 0, 1, 1], [], []>, transpose_lhs_hint = false} : vector<32x64xf32>, vector<64x128xf32>, vector<32x128xf32> -> vector<32x128xf32>
    %get3A_70 = arith.constant 0 : index
    %get3A_71 = arith.constant 0 : index
    %get3A_72 = vector.load %arg4[%get3A_70, %get3A_71] : memref<32x1xf32, #tpu.memory_space<vmem>>, vector<32x1xf32>
    %add3A_73 = vector.broadcast %get3A_72 : vector<32x1xf32> to vector<32x128xf32>
    %add3A_74 = arith.addf %dot_general3A_69, %add3A_73 : vector<32x128xf32>
    %reduce_sum3A_75 = arith.constant dense<0.000000e+00> : vector<32xf32>
    %reduce_sum3A_76 = vector.multi_reduction <add>, %add3A_74, %reduce_sum3A_75 [1] : vector<32x128xf32> to vector<32xf32>
    %broadcast_in_dim3A_77 = vector.shape_cast %reduce_sum3A_76 : vector<32xf32> to vector<32x1xf32>
    %add3A_78 = arith.addf %add3A_57, %broadcast_in_dim3A_77 : vector<32x1xf32>
    %mul3A_79 = arith.mulf %add3A_74, %add3A_74 : vector<32x128xf32>
    %reduce_sum3A_80 = arith.constant dense<0.000000e+00> : vector<32xf32>
    %reduce_sum3A_81 = vector.multi_reduction <add>, %mul3A_79, %reduce_sum3A_80 [1] : vector<32x128xf32> to vector<32xf32>
    %broadcast_in_dim3A_82 = vector.shape_cast %reduce_sum3A_81 : vector<32xf32> to vector<32x1xf32>
    %add3A_83 = arith.addf %add3A_62, %broadcast_in_dim3A_82 : vector<32x1xf32>
    %get3A_84 = arith.constant 0 : index
    %get3A_85 = arith.constant 0 : index
    %get3A_86 = vector.load %arg3[%get3A_84, %get3A_85] : memref<32x64xf32, #tpu.memory_space<vmem>>, vector<32x64xf32>
    %slice3A_87 = vector.extract_strided_slice %reshape3A {offsets = [1, 0, 0, 0], sizes = [1, 1, 64, 128], strides = [1, 1, 1, 1]} : vector<8x4x64x128xf32> to vector<1x1x64x128xf32>
    %squeeze3A_88 = vector.shape_cast %slice3A_87 : vector<1x1x64x128xf32> to vector<64x128xf32>
    %dot_general3A_89 = arith.constant dense<0.000000e+00> : vector<32x128xf32>
    %dot_general3A_90 = tpu.matmul %get3A_86, %squeeze3A_88, %dot_general3A_89 {dimension_numbers = #tpu.dot_dimension_numbers<[1], [0], [0], [1], [0, 0, 1, 1], [], []>, transpose_lhs_hint = false} : vector<32x64xf32>, vector<64x128xf32>, vector<32x128xf32> -> vector<32x128xf32>
    %get3A_91 = arith.constant 0 : index
    %get3A_92 = arith.constant 0 : index
    %get3A_93 = vector.load %arg4[%get3A_91, %get3A_92] : memref<32x1xf32, #tpu.memory_space<vmem>>, vector<32x1xf32>
    %add3A_94 = vector.broadcast %get3A_93 : vector<32x1xf32> to vector<32x128xf32>
    %add3A_95 = arith.addf %dot_general3A_90, %add3A_94 : vector<32x128xf32>
    %reduce_sum3A_96 = arith.constant dense<0.000000e+00> : vector<32xf32>
    %reduce_sum3A_97 = vector.multi_reduction <add>, %add3A_95, %reduce_sum3A_96 [1] : vector<32x128xf32> to vector<32xf32>
    %broadcast_in_dim3A_98 = vector.shape_cast %reduce_sum3A_97 : vector<32xf32> to vector<32x1xf32>
    %add3A_99 = arith.addf %add3A_78, %broadcast_in_dim3A_98 : vector<32x1xf32>
    %mul3A_100 = arith.mulf %add3A_95, %add3A_95 : vector<32x128xf32>
    %reduce_sum3A_101 = arith.constant dense<0.000000e+00> : vector<32xf32>
    %reduce_sum3A_102 = vector.multi_reduction <add>, %mul3A_100, %reduce_sum3A_101 [1] : vector<32x128xf32> to vector<32xf32>
    %broadcast_in_dim3A_103 = vector.shape_cast %reduce_sum3A_102 : vector<32xf32> to vector<32x1xf32>
    %add3A_104 = arith.addf %add3A_83, %broadcast_in_dim3A_103 : vector<32x1xf32>
    %get3A_105 = arith.constant 0 : index
    %get3A_106 = arith.constant 0 : index
    %get3A_107 = vector.load %arg3[%get3A_105, %get3A_106] : memref<32x64xf32, #tpu.memory_space<vmem>>, vector<32x64xf32>
    %slice3A_108 = vector.extract_strided_slice %reshape3A {offsets = [1, 1, 0, 0], sizes = [1, 1, 64, 128], strides = [1, 1, 1, 1]} : vector<8x4x64x128xf32> to vector<1x1x64x128xf32>
    %squeeze3A_109 = vector.shape_cast %slice3A_108 : vector<1x1x64x128xf32> to vector<64x128xf32>
    %dot_general3A_110 = arith.constant dense<0.000000e+00> : vector<32x128xf32>
    %dot_general3A_111 = tpu.matmul %get3A_107, %squeeze3A_109, %dot_general3A_110 {dimension_numbers = #tpu.dot_dimension_numbers<[1], [0], [0], [1], [0, 0, 1, 1], [], []>, transpose_lhs_hint = false} : vector<32x64xf32>, vector<64x128xf32>, vector<32x128xf32> -> vector<32x128xf32>
    %get3A_112 = arith.constant 0 : index
    %get3A_113 = arith.constant 0 : index
    %get3A_114 = vector.load %arg4[%get3A_112, %get3A_113] : memref<32x1xf32, #tpu.memory_space<vmem>>, vector<32x1xf32>
    %add3A_115 = vector.broadcast %get3A_114 : vector<32x1xf32> to vector<32x128xf32>
    %add3A_116 = arith.addf %dot_general3A_111, %add3A_115 : vector<32x128xf32>
    %reduce_sum3A_117 = arith.constant dense<0.000000e+00> : vector<32xf32>
    %reduce_sum3A_118 = vector.multi_reduction <add>, %add3A_116, %reduce_sum3A_117 [1] : vector<32x128xf32> to vector<32xf32>
    %broadcast_in_dim3A_119 = vector.shape_cast %reduce_sum3A_118 : vector<32xf32> to vector<32x1xf32>
    %add3A_120 = arith.addf %add3A_99, %broadcast_in_dim3A_119 : vector<32x1xf32>
    %mul3A_121 = arith.mulf %add3A_116, %add3A_116 : vector<32x128xf32>
    %reduce_sum3A_122 = arith.constant dense<0.000000e+00> : vector<32xf32>
    %reduce_sum3A_123 = vector.multi_reduction <add>, %mul3A_121, %reduce_sum3A_122 [1] : vector<32x128xf32> to vector<32xf32>
    %broadcast_in_dim3A_124 = vector.shape_cast %reduce_sum3A_123 : vector<32xf32> to vector<32x1xf32>
    %add3A_125 = arith.addf %add3A_104, %broadcast_in_dim3A_124 : vector<32x1xf32>
    %get3A_126 = arith.constant 0 : index
    %get3A_127 = arith.constant 0 : index
    %get3A_128 = vector.load %arg3[%get3A_126, %get3A_127] : memref<32x64xf32, #tpu.memory_space<vmem>>, vector<32x64xf32>
    %slice3A_129 = vector.extract_strided_slice %reshape3A {offsets = [1, 2, 0, 0], sizes = [1, 1, 64, 128], strides = [1, 1, 1, 1]} : vector<8x4x64x128xf32> to vector<1x1x64x128xf32>
    %squeeze3A_130 = vector.shape_cast %slice3A_129 : vector<1x1x64x128xf32> to vector<64x128xf32>
    %dot_general3A_131 = arith.constant dense<0.000000e+00> : vector<32x128xf32>
    %dot_general3A_132 = tpu.matmul %get3A_128, %squeeze3A_130, %dot_general3A_131 {dimension_numbers = #tpu.dot_dimension_numbers<[1], [0], [0], [1], [0, 0, 1, 1], [], []>, transpose_lhs_hint = false} : vector<32x64xf32>, vector<64x128xf32>, vector<32x128xf32> -> vector<32x128xf32>
    %get3A_133 = arith.constant 0 : index
    %get3A_134 = arith.constant 0 : index
    %get3A_135 = vector.load %arg4[%get3A_133, %get3A_134] : memref<32x1xf32, #tpu.memory_space<vmem>>, vector<32x1xf32>
    %add3A_136 = vector.broadcast %get3A_135 : vector<32x1xf32> to vector<32x128xf32>
    %add3A_137 = arith.addf %dot_general3A_132, %add3A_136 : vector<32x128xf32>
    %reduce_sum3A_138 = arith.constant dense<0.000000e+00> : vector<32xf32>
    %reduce_sum3A_139 = vector.multi_reduction <add>, %add3A_137, %reduce_sum3A_138 [1] : vector<32x128xf32> to vector<32xf32>
    %broadcast_in_dim3A_140 = vector.shape_cast %reduce_sum3A_139 : vector<32xf32> to vector<32x1xf32>
    %add3A_141 = arith.addf %add3A_120, %broadcast_in_dim3A_140 : vector<32x1xf32>
    %mul3A_142 = arith.mulf %add3A_137, %add3A_137 : vector<32x128xf32>
    %reduce_sum3A_143 = arith.constant dense<0.000000e+00> : vector<32xf32>
    %reduce_sum3A_144 = vector.multi_reduction <add>, %mul3A_142, %reduce_sum3A_143 [1] : vector<32x128xf32> to vector<32xf32>
    %broadcast_in_dim3A_145 = vector.shape_cast %reduce_sum3A_144 : vector<32xf32> to vector<32x1xf32>
    %add3A_146 = arith.addf %add3A_125, %broadcast_in_dim3A_145 : vector<32x1xf32>
    %get3A_147 = arith.constant 0 : index
    %get3A_148 = arith.constant 0 : index
    %get3A_149 = vector.load %arg3[%get3A_147, %get3A_148] : memref<32x64xf32, #tpu.memory_space<vmem>>, vector<32x64xf32>
    %slice3A_150 = vector.extract_strided_slice %reshape3A {offsets = [1, 3, 0, 0], sizes = [1, 1, 64, 128], strides = [1, 1, 1, 1]} : vector<8x4x64x128xf32> to vector<1x1x64x128xf32>
    %squeeze3A_151 = vector.shape_cast %slice3A_150 : vector<1x1x64x128xf32> to vector<64x128xf32>
    %dot_general3A_152 = arith.constant dense<0.000000e+00> : vector<32x128xf32>
    %dot_general3A_153 = tpu.matmul %get3A_149, %squeeze3A_151, %dot_general3A_152 {dimension_numbers = #tpu.dot_dimension_numbers<[1], [0], [0], [1], [0, 0, 1, 1], [], []>, transpose_lhs_hint = false} : vector<32x64xf32>, vector<64x128xf32>, vector<32x128xf32> -> vector<32x128xf32>
    %get3A_154 = arith.constant 0 : index
    %get3A_155 = arith.constant 0 : index
    %get3A_156 = vector.load %arg4[%get3A_154, %get3A_155] : memref<32x1xf32, #tpu.memory_space<vmem>>, vector<32x1xf32>
    %add3A_157 = vector.broadcast %get3A_156 : vector<32x1xf32> to vector<32x128xf32>
    %add3A_158 = arith.addf %dot_general3A_153, %add3A_157 : vector<32x128xf32>
    %reduce_sum3A_159 = arith.constant dense<0.000000e+00> : vector<32xf32>
    %reduce_sum3A_160 = vector.multi_reduction <add>, %add3A_158, %reduce_sum3A_159 [1] : vector<32x128xf32> to vector<32xf32>
    %broadcast_in_dim3A_161 = vector.shape_cast %reduce_sum3A_160 : vector<32xf32> to vector<32x1xf32>
    %add3A_162 = arith.addf %add3A_141, %broadcast_in_dim3A_161 : vector<32x1xf32>
    %mul3A_163 = arith.mulf %add3A_158, %add3A_158 : vector<32x128xf32>
    %reduce_sum3A_164 = arith.constant dense<0.000000e+00> : vector<32xf32>
    %reduce_sum3A_165 = vector.multi_reduction <add>, %mul3A_163, %reduce_sum3A_164 [1] : vector<32x128xf32> to vector<32xf32>
    %broadcast_in_dim3A_166 = vector.shape_cast %reduce_sum3A_165 : vector<32xf32> to vector<32x1xf32>
    %add3A_167 = arith.addf %add3A_146, %broadcast_in_dim3A_166 : vector<32x1xf32>
    %get3A_168 = arith.constant 0 : index
    %get3A_169 = arith.constant 0 : index
    %get3A_170 = vector.load %arg3[%get3A_168, %get3A_169] : memref<32x64xf32, #tpu.memory_space<vmem>>, vector<32x64xf32>
    %slice3A_171 = vector.extract_strided_slice %reshape3A {offsets = [2, 0, 0, 0], sizes = [1, 1, 64, 128], strides = [1, 1, 1, 1]} : vector<8x4x64x128xf32> to vector<1x1x64x128xf32>
    %squeeze3A_172 = vector.shape_cast %slice3A_171 : vector<1x1x64x128xf32> to vector<64x128xf32>
    %dot_general3A_173 = arith.constant dense<0.000000e+00> : vector<32x128xf32>
    %dot_general3A_174 = tpu.matmul %get3A_170, %squeeze3A_172, %dot_general3A_173 {dimension_numbers = #tpu.dot_dimension_numbers<[1], [0], [0], [1], [0, 0, 1, 1], [], []>, transpose_lhs_hint = false} : vector<32x64xf32>, vector<64x128xf32>, vector<32x128xf32> -> vector<32x128xf32>
    %get3A_175 = arith.constant 0 : index
    %get3A_176 = arith.constant 0 : index
    %get3A_177 = vector.load %arg4[%get3A_175, %get3A_176] : memref<32x1xf32, #tpu.memory_space<vmem>>, vector<32x1xf32>
    %add3A_178 = vector.broadcast %get3A_177 : vector<32x1xf32> to vector<32x128xf32>
    %add3A_179 = arith.addf %dot_general3A_174, %add3A_178 : vector<32x128xf32>
    %reduce_sum3A_180 = arith.constant dense<0.000000e+00> : vector<32xf32>
    %reduce_sum3A_181 = vector.multi_reduction <add>, %add3A_179, %reduce_sum3A_180 [1] : vector<32x128xf32> to vector<32xf32>
    %broadcast_in_dim3A_182 = vector.shape_cast %reduce_sum3A_181 : vector<32xf32> to vector<32x1xf32>
    %add3A_183 = arith.addf %add3A_162, %broadcast_in_dim3A_182 : vector<32x1xf32>
    %mul3A_184 = arith.mulf %add3A_179, %add3A_179 : vector<32x128xf32>
    %reduce_sum3A_185 = arith.constant dense<0.000000e+00> : vector<32xf32>
    %reduce_sum3A_186 = vector.multi_reduction <add>, %mul3A_184, %reduce_sum3A_185 [1] : vector<32x128xf32> to vector<32xf32>
    %broadcast_in_dim3A_187 = vector.shape_cast %reduce_sum3A_186 : vector<32xf32> to vector<32x1xf32>
    %add3A_188 = arith.addf %add3A_167, %broadcast_in_dim3A_187 : vector<32x1xf32>
    %get3A_189 = arith.constant 0 : index
    %get3A_190 = arith.constant 0 : index
    %get3A_191 = vector.load %arg3[%get3A_189, %get3A_190] : memref<32x64xf32, #tpu.memory_space<vmem>>, vector<32x64xf32>
    %slice3A_192 = vector.extract_strided_slice %reshape3A {offsets = [2, 1, 0, 0], sizes = [1, 1, 64, 128], strides = [1, 1, 1, 1]} : vector<8x4x64x128xf32> to vector<1x1x64x128xf32>
    %squeeze3A_193 = vector.shape_cast %slice3A_192 : vector<1x1x64x128xf32> to vector<64x128xf32>
    %dot_general3A_194 = arith.constant dense<0.000000e+00> : vector<32x128xf32>
    %dot_general3A_195 = tpu.matmul %get3A_191, %squeeze3A_193, %dot_general3A_194 {dimension_numbers = #tpu.dot_dimension_numbers<[1], [0], [0], [1], [0, 0, 1, 1], [], []>, transpose_lhs_hint = false} : vector<32x64xf32>, vector<64x128xf32>, vector<32x128xf32> -> vector<32x128xf32>
    %get3A_196 = arith.constant 0 : index
    %get3A_197 = arith.constant 0 : index
    %get3A_198 = vector.load %arg4[%get3A_196, %get3A_197] : memref<32x1xf32, #tpu.memory_space<vmem>>, vector<32x1xf32>
    %add3A_199 = vector.broadcast %get3A_198 : vector<32x1xf32> to vector<32x128xf32>
    %add3A_200 = arith.addf %dot_general3A_195, %add3A_199 : vector<32x128xf32>
    %reduce_sum3A_201 = arith.constant dense<0.000000e+00> : vector<32xf32>
    %reduce_sum3A_202 = vector.multi_reduction <add>, %add3A_200, %reduce_sum3A_201 [1] : vector<32x128xf32> to vector<32xf32>
    %broadcast_in_dim3A_203 = vector.shape_cast %reduce_sum3A_202 : vector<32xf32> to vector<32x1xf32>
    %add3A_204 = arith.addf %add3A_183, %broadcast_in_dim3A_203 : vector<32x1xf32>
    %mul3A_205 = arith.mulf %add3A_200, %add3A_200 : vector<32x128xf32>
    %reduce_sum3A_206 = arith.constant dense<0.000000e+00> : vector<32xf32>
    %reduce_sum3A_207 = vector.multi_reduction <add>, %mul3A_205, %reduce_sum3A_206 [1] : vector<32x128xf32> to vector<32xf32>
    %broadcast_in_dim3A_208 = vector.shape_cast %reduce_sum3A_207 : vector<32xf32> to vector<32x1xf32>
    %add3A_209 = arith.addf %add3A_188, %broadcast_in_dim3A_208 : vector<32x1xf32>
    %get3A_210 = arith.constant 0 : index
    %get3A_211 = arith.constant 0 : index
    %get3A_212 = vector.load %arg3[%get3A_210, %get3A_211] : memref<32x64xf32, #tpu.memory_space<vmem>>, vector<32x64xf32>
    %slice3A_213 = vector.extract_strided_slice %reshape3A {offsets = [2, 2, 0, 0], sizes = [1, 1, 64, 128], strides = [1, 1, 1, 1]} : vector<8x4x64x128xf32> to vector<1x1x64x128xf32>
    %squeeze3A_214 = vector.shape_cast %slice3A_213 : vector<1x1x64x128xf32> to vector<64x128xf32>
    %dot_general3A_215 = arith.constant dense<0.000000e+00> : vector<32x128xf32>
    %dot_general3A_216 = tpu.matmul %get3A_212, %squeeze3A_214, %dot_general3A_215 {dimension_numbers = #tpu.dot_dimension_numbers<[1], [0], [0], [1], [0, 0, 1, 1], [], []>, transpose_lhs_hint = false} : vector<32x64xf32>, vector<64x128xf32>, vector<32x128xf32> -> vector<32x128xf32>
    %get3A_217 = arith.constant 0 : index
    %get3A_218 = arith.constant 0 : index
    %get3A_219 = vector.load %arg4[%get3A_217, %get3A_218] : memref<32x1xf32, #tpu.memory_space<vmem>>, vector<32x1xf32>
    %add3A_220 = vector.broadcast %get3A_219 : vector<32x1xf32> to vector<32x128xf32>
    %add3A_221 = arith.addf %dot_general3A_216, %add3A_220 : vector<32x128xf32>
    %reduce_sum3A_222 = arith.constant dense<0.000000e+00> : vector<32xf32>
    %reduce_sum3A_223 = vector.multi_reduction <add>, %add3A_221, %reduce_sum3A_222 [1] : vector<32x128xf32> to vector<32xf32>
    %broadcast_in_dim3A_224 = vector.shape_cast %reduce_sum3A_223 : vector<32xf32> to vector<32x1xf32>
    %add3A_225 = arith.addf %add3A_204, %broadcast_in_dim3A_224 : vector<32x1xf32>
    %mul3A_226 = arith.mulf %add3A_221, %add3A_221 : vector<32x128xf32>
    %reduce_sum3A_227 = arith.constant dense<0.000000e+00> : vector<32xf32>
    %reduce_sum3A_228 = vector.multi_reduction <add>, %mul3A_226, %reduce_sum3A_227 [1] : vector<32x128xf32> to vector<32xf32>
    %broadcast_in_dim3A_229 = vector.shape_cast %reduce_sum3A_228 : vector<32xf32> to vector<32x1xf32>
    %add3A_230 = arith.addf %add3A_209, %broadcast_in_dim3A_229 : vector<32x1xf32>
    %get3A_231 = arith.constant 0 : index
    %get3A_232 = arith.constant 0 : index
    %get3A_233 = vector.load %arg3[%get3A_231, %get3A_232] : memref<32x64xf32, #tpu.memory_space<vmem>>, vector<32x64xf32>
    %slice3A_234 = vector.extract_strided_slice %reshape3A {offsets = [2, 3, 0, 0], sizes = [1, 1, 64, 128], strides = [1, 1, 1, 1]} : vector<8x4x64x128xf32> to vector<1x1x64x128xf32>
    %squeeze3A_235 = vector.shape_cast %slice3A_234 : vector<1x1x64x128xf32> to vector<64x128xf32>
    %dot_general3A_236 = arith.constant dense<0.000000e+00> : vector<32x128xf32>
    %dot_general3A_237 = tpu.matmul %get3A_233, %squeeze3A_235, %dot_general3A_236 {dimension_numbers = #tpu.dot_dimension_numbers<[1], [0], [0], [1], [0, 0, 1, 1], [], []>, transpose_lhs_hint = false} : vector<32x64xf32>, vector<64x128xf32>, vector<32x128xf32> -> vector<32x128xf32>
    %get3A_238 = arith.constant 0 : index
    %get3A_239 = arith.constant 0 : index
    %get3A_240 = vector.load %arg4[%get3A_238, %get3A_239] : memref<32x1xf32, #tpu.memory_space<vmem>>, vector<32x1xf32>
    %add3A_241 = vector.broadcast %get3A_240 : vector<32x1xf32> to vector<32x128xf32>
    %add3A_242 = arith.addf %dot_general3A_237, %add3A_241 : vector<32x128xf32>
    %reduce_sum3A_243 = arith.constant dense<0.000000e+00> : vector<32xf32>
    %reduce_sum3A_244 = vector.multi_reduction <add>, %add3A_242, %reduce_sum3A_243 [1] : vector<32x128xf32> to vector<32xf32>
    %broadcast_in_dim3A_245 = vector.shape_cast %reduce_sum3A_244 : vector<32xf32> to vector<32x1xf32>
    %add3A_246 = arith.addf %add3A_225, %broadcast_in_dim3A_245 : vector<32x1xf32>
    %mul3A_247 = arith.mulf %add3A_242, %add3A_242 : vector<32x128xf32>
    %reduce_sum3A_248 = arith.constant dense<0.000000e+00> : vector<32xf32>
    %reduce_sum3A_249 = vector.multi_reduction <add>, %mul3A_247, %reduce_sum3A_248 [1] : vector<32x128xf32> to vector<32xf32>
    %broadcast_in_dim3A_250 = vector.shape_cast %reduce_sum3A_249 : vector<32xf32> to vector<32x1xf32>
    %add3A_251 = arith.addf %add3A_230, %broadcast_in_dim3A_250 : vector<32x1xf32>
    %get3A_252 = arith.constant 0 : index
    %get3A_253 = arith.constant 0 : index
    %get3A_254 = vector.load %arg3[%get3A_252, %get3A_253] : memref<32x64xf32, #tpu.memory_space<vmem>>, vector<32x64xf32>
    %slice3A_255 = vector.extract_strided_slice %reshape3A {offsets = [3, 0, 0, 0], sizes = [1, 1, 64, 128], strides = [1, 1, 1, 1]} : vector<8x4x64x128xf32> to vector<1x1x64x128xf32>
    %squeeze3A_256 = vector.shape_cast %slice3A_255 : vector<1x1x64x128xf32> to vector<64x128xf32>
    %dot_general3A_257 = arith.constant dense<0.000000e+00> : vector<32x128xf32>
    %dot_general3A_258 = tpu.matmul %get3A_254, %squeeze3A_256, %dot_general3A_257 {dimension_numbers = #tpu.dot_dimension_numbers<[1], [0], [0], [1], [0, 0, 1, 1], [], []>, transpose_lhs_hint = false} : vector<32x64xf32>, vector<64x128xf32>, vector<32x128xf32> -> vector<32x128xf32>
    %get3A_259 = arith.constant 0 : index
    %get3A_260 = arith.constant 0 : index
    %get3A_261 = vector.load %arg4[%get3A_259, %get3A_260] : memref<32x1xf32, #tpu.memory_space<vmem>>, vector<32x1xf32>
    %add3A_262 = vector.broadcast %get3A_261 : vector<32x1xf32> to vector<32x128xf32>
    %add3A_263 = arith.addf %dot_general3A_258, %add3A_262 : vector<32x128xf32>
    %reduce_sum3A_264 = arith.constant dense<0.000000e+00> : vector<32xf32>
    %reduce_sum3A_265 = vector.multi_reduction <add>, %add3A_263, %reduce_sum3A_264 [1] : vector<32x128xf32> to vector<32xf32>
    %broadcast_in_dim3A_266 = vector.shape_cast %reduce_sum3A_265 : vector<32xf32> to vector<32x1xf32>
    %add3A_267 = arith.addf %add3A_246, %broadcast_in_dim3A_266 : vector<32x1xf32>
    %mul3A_268 = arith.mulf %add3A_263, %add3A_263 : vector<32x128xf32>
    %reduce_sum3A_269 = arith.constant dense<0.000000e+00> : vector<32xf32>
    %reduce_sum3A_270 = vector.multi_reduction <add>, %mul3A_268, %reduce_sum3A_269 [1] : vector<32x128xf32> to vector<32xf32>
    %broadcast_in_dim3A_271 = vector.shape_cast %reduce_sum3A_270 : vector<32xf32> to vector<32x1xf32>
    %add3A_272 = arith.addf %add3A_251, %broadcast_in_dim3A_271 : vector<32x1xf32>
    %get3A_273 = arith.constant 0 : index
    %get3A_274 = arith.constant 0 : index
    %get3A_275 = vector.load %arg3[%get3A_273, %get3A_274] : memref<32x64xf32, #tpu.memory_space<vmem>>, vector<32x64xf32>
    %slice3A_276 = vector.extract_strided_slice %reshape3A {offsets = [3, 1, 0, 0], sizes = [1, 1, 64, 128], strides = [1, 1, 1, 1]} : vector<8x4x64x128xf32> to vector<1x1x64x128xf32>
    %squeeze3A_277 = vector.shape_cast %slice3A_276 : vector<1x1x64x128xf32> to vector<64x128xf32>
    %dot_general3A_278 = arith.constant dense<0.000000e+00> : vector<32x128xf32>
    %dot_general3A_279 = tpu.matmul %get3A_275, %squeeze3A_277, %dot_general3A_278 {dimension_numbers = #tpu.dot_dimension_numbers<[1], [0], [0], [1], [0, 0, 1, 1], [], []>, transpose_lhs_hint = false} : vector<32x64xf32>, vector<64x128xf32>, vector<32x128xf32> -> vector<32x128xf32>
    %get3A_280 = arith.constant 0 : index
    %get3A_281 = arith.constant 0 : index
    %get3A_282 = vector.load %arg4[%get3A_280, %get3A_281] : memref<32x1xf32, #tpu.memory_space<vmem>>, vector<32x1xf32>
    %add3A_283 = vector.broadcast %get3A_282 : vector<32x1xf32> to vector<32x128xf32>
    %add3A_284 = arith.addf %dot_general3A_279, %add3A_283 : vector<32x128xf32>
    %reduce_sum3A_285 = arith.constant dense<0.000000e+00> : vector<32xf32>
    %reduce_sum3A_286 = vector.multi_reduction <add>, %add3A_284, %reduce_sum3A_285 [1] : vector<32x128xf32> to vector<32xf32>
    %broadcast_in_dim3A_287 = vector.shape_cast %reduce_sum3A_286 : vector<32xf32> to vector<32x1xf32>
    %add3A_288 = arith.addf %add3A_267, %broadcast_in_dim3A_287 : vector<32x1xf32>
    %mul3A_289 = arith.mulf %add3A_284, %add3A_284 : vector<32x128xf32>
    %reduce_sum3A_290 = arith.constant dense<0.000000e+00> : vector<32xf32>
    %reduce_sum3A_291 = vector.multi_reduction <add>, %mul3A_289, %reduce_sum3A_290 [1] : vector<32x128xf32> to vector<32xf32>
    %broadcast_in_dim3A_292 = vector.shape_cast %reduce_sum3A_291 : vector<32xf32> to vector<32x1xf32>
    %add3A_293 = arith.addf %add3A_272, %broadcast_in_dim3A_292 : vector<32x1xf32>
    %get3A_294 = arith.constant 0 : index
    %get3A_295 = arith.constant 0 : index
    %get3A_296 = vector.load %arg3[%get3A_294, %get3A_295] : memref<32x64xf32, #tpu.memory_space<vmem>>, vector<32x64xf32>
    %slice3A_297 = vector.extract_strided_slice %reshape3A {offsets = [3, 2, 0, 0], sizes = [1, 1, 64, 128], strides = [1, 1, 1, 1]} : vector<8x4x64x128xf32> to vector<1x1x64x128xf32>
    %squeeze3A_298 = vector.shape_cast %slice3A_297 : vector<1x1x64x128xf32> to vector<64x128xf32>
    %dot_general3A_299 = arith.constant dense<0.000000e+00> : vector<32x128xf32>
    %dot_general3A_300 = tpu.matmul %get3A_296, %squeeze3A_298, %dot_general3A_299 {dimension_numbers = #tpu.dot_dimension_numbers<[1], [0], [0], [1], [0, 0, 1, 1], [], []>, transpose_lhs_hint = false} : vector<32x64xf32>, vector<64x128xf32>, vector<32x128xf32> -> vector<32x128xf32>
    %get3A_301 = arith.constant 0 : index
    %get3A_302 = arith.constant 0 : index
    %get3A_303 = vector.load %arg4[%get3A_301, %get3A_302] : memref<32x1xf32, #tpu.memory_space<vmem>>, vector<32x1xf32>
    %add3A_304 = vector.broadcast %get3A_303 : vector<32x1xf32> to vector<32x128xf32>
    %add3A_305 = arith.addf %dot_general3A_300, %add3A_304 : vector<32x128xf32>
    %reduce_sum3A_306 = arith.constant dense<0.000000e+00> : vector<32xf32>
    %reduce_sum3A_307 = vector.multi_reduction <add>, %add3A_305, %reduce_sum3A_306 [1] : vector<32x128xf32> to vector<32xf32>
    %broadcast_in_dim3A_308 = vector.shape_cast %reduce_sum3A_307 : vector<32xf32> to vector<32x1xf32>
    %add3A_309 = arith.addf %add3A_288, %broadcast_in_dim3A_308 : vector<32x1xf32>
    %mul3A_310 = arith.mulf %add3A_305, %add3A_305 : vector<32x128xf32>
    %reduce_sum3A_311 = arith.constant dense<0.000000e+00> : vector<32xf32>
    %reduce_sum3A_312 = vector.multi_reduction <add>, %mul3A_310, %reduce_sum3A_311 [1] : vector<32x128xf32> to vector<32xf32>
    %broadcast_in_dim3A_313 = vector.shape_cast %reduce_sum3A_312 : vector<32xf32> to vector<32x1xf32>
    %add3A_314 = arith.addf %add3A_293, %broadcast_in_dim3A_313 : vector<32x1xf32>
    %get3A_315 = arith.constant 0 : index
    %get3A_316 = arith.constant 0 : index
    %get3A_317 = vector.load %arg3[%get3A_315, %get3A_316] : memref<32x64xf32, #tpu.memory_space<vmem>>, vector<32x64xf32>
    %slice3A_318 = vector.extract_strided_slice %reshape3A {offsets = [3, 3, 0, 0], sizes = [1, 1, 64, 128], strides = [1, 1, 1, 1]} : vector<8x4x64x128xf32> to vector<1x1x64x128xf32>
    %squeeze3A_319 = vector.shape_cast %slice3A_318 : vector<1x1x64x128xf32> to vector<64x128xf32>
    %dot_general3A_320 = arith.constant dense<0.000000e+00> : vector<32x128xf32>
    %dot_general3A_321 = tpu.matmul %get3A_317, %squeeze3A_319, %dot_general3A_320 {dimension_numbers = #tpu.dot_dimension_numbers<[1], [0], [0], [1], [0, 0, 1, 1], [], []>, transpose_lhs_hint = false} : vector<32x64xf32>, vector<64x128xf32>, vector<32x128xf32> -> vector<32x128xf32>
    %get3A_322 = arith.constant 0 : index
    %get3A_323 = arith.constant 0 : index
    %get3A_324 = vector.load %arg4[%get3A_322, %get3A_323] : memref<32x1xf32, #tpu.memory_space<vmem>>, vector<32x1xf32>
    %add3A_325 = vector.broadcast %get3A_324 : vector<32x1xf32> to vector<32x128xf32>
    %add3A_326 = arith.addf %dot_general3A_321, %add3A_325 : vector<32x128xf32>
    %reduce_sum3A_327 = arith.constant dense<0.000000e+00> : vector<32xf32>
    %reduce_sum3A_328 = vector.multi_reduction <add>, %add3A_326, %reduce_sum3A_327 [1] : vector<32x128xf32> to vector<32xf32>
    %broadcast_in_dim3A_329 = vector.shape_cast %reduce_sum3A_328 : vector<32xf32> to vector<32x1xf32>
    %add3A_330 = arith.addf %add3A_309, %broadcast_in_dim3A_329 : vector<32x1xf32>
    %mul3A_331 = arith.mulf %add3A_326, %add3A_326 : vector<32x128xf32>
    %reduce_sum3A_332 = arith.constant dense<0.000000e+00> : vector<32xf32>
    %reduce_sum3A_333 = vector.multi_reduction <add>, %mul3A_331, %reduce_sum3A_332 [1] : vector<32x128xf32> to vector<32xf32>
    %broadcast_in_dim3A_334 = vector.shape_cast %reduce_sum3A_333 : vector<32xf32> to vector<32x1xf32>
    %add3A_335 = arith.addf %add3A_314, %broadcast_in_dim3A_334 : vector<32x1xf32>
    %get3A_336 = arith.constant 0 : index
    %get3A_337 = arith.constant 0 : index
    %get3A_338 = vector.load %arg3[%get3A_336, %get3A_337] : memref<32x64xf32, #tpu.memory_space<vmem>>, vector<32x64xf32>
    %slice3A_339 = vector.extract_strided_slice %reshape3A {offsets = [4, 0, 0, 0], sizes = [1, 1, 64, 128], strides = [1, 1, 1, 1]} : vector<8x4x64x128xf32> to vector<1x1x64x128xf32>
    %squeeze3A_340 = vector.shape_cast %slice3A_339 : vector<1x1x64x128xf32> to vector<64x128xf32>
    %dot_general3A_341 = arith.constant dense<0.000000e+00> : vector<32x128xf32>
    %dot_general3A_342 = tpu.matmul %get3A_338, %squeeze3A_340, %dot_general3A_341 {dimension_numbers = #tpu.dot_dimension_numbers<[1], [0], [0], [1], [0, 0, 1, 1], [], []>, transpose_lhs_hint = false} : vector<32x64xf32>, vector<64x128xf32>, vector<32x128xf32> -> vector<32x128xf32>
    %get3A_343 = arith.constant 0 : index
    %get3A_344 = arith.constant 0 : index
    %get3A_345 = vector.load %arg4[%get3A_343, %get3A_344] : memref<32x1xf32, #tpu.memory_space<vmem>>, vector<32x1xf32>
    %add3A_346 = vector.broadcast %get3A_345 : vector<32x1xf32> to vector<32x128xf32>
    %add3A_347 = arith.addf %dot_general3A_342, %add3A_346 : vector<32x128xf32>
    %reduce_sum3A_348 = arith.constant dense<0.000000e+00> : vector<32xf32>
    %reduce_sum3A_349 = vector.multi_reduction <add>, %add3A_347, %reduce_sum3A_348 [1] : vector<32x128xf32> to vector<32xf32>
    %broadcast_in_dim3A_350 = vector.shape_cast %reduce_sum3A_349 : vector<32xf32> to vector<32x1xf32>
    %add3A_351 = arith.addf %add3A_330, %broadcast_in_dim3A_350 : vector<32x1xf32>
    %mul3A_352 = arith.mulf %add3A_347, %add3A_347 : vector<32x128xf32>
    %reduce_sum3A_353 = arith.constant dense<0.000000e+00> : vector<32xf32>
    %reduce_sum3A_354 = vector.multi_reduction <add>, %mul3A_352, %reduce_sum3A_353 [1] : vector<32x128xf32> to vector<32xf32>
    %broadcast_in_dim3A_355 = vector.shape_cast %reduce_sum3A_354 : vector<32xf32> to vector<32x1xf32>
    %add3A_356 = arith.addf %add3A_335, %broadcast_in_dim3A_355 : vector<32x1xf32>
    %get3A_357 = arith.constant 0 : index
    %get3A_358 = arith.constant 0 : index
    %get3A_359 = vector.load %arg3[%get3A_357, %get3A_358] : memref<32x64xf32, #tpu.memory_space<vmem>>, vector<32x64xf32>
    %slice3A_360 = vector.extract_strided_slice %reshape3A {offsets = [4, 1, 0, 0], sizes = [1, 1, 64, 128], strides = [1, 1, 1, 1]} : vector<8x4x64x128xf32> to vector<1x1x64x128xf32>
    %squeeze3A_361 = vector.shape_cast %slice3A_360 : vector<1x1x64x128xf32> to vector<64x128xf32>
    %dot_general3A_362 = arith.constant dense<0.000000e+00> : vector<32x128xf32>
    %dot_general3A_363 = tpu.matmul %get3A_359, %squeeze3A_361, %dot_general3A_362 {dimension_numbers = #tpu.dot_dimension_numbers<[1], [0], [0], [1], [0, 0, 1, 1], [], []>, transpose_lhs_hint = false} : vector<32x64xf32>, vector<64x128xf32>, vector<32x128xf32> -> vector<32x128xf32>
    %get3A_364 = arith.constant 0 : index
    %get3A_365 = arith.constant 0 : index
    %get3A_366 = vector.load %arg4[%get3A_364, %get3A_365] : memref<32x1xf32, #tpu.memory_space<vmem>>, vector<32x1xf32>
    %add3A_367 = vector.broadcast %get3A_366 : vector<32x1xf32> to vector<32x128xf32>
    %add3A_368 = arith.addf %dot_general3A_363, %add3A_367 : vector<32x128xf32>
    %reduce_sum3A_369 = arith.constant dense<0.000000e+00> : vector<32xf32>
    %reduce_sum3A_370 = vector.multi_reduction <add>, %add3A_368, %reduce_sum3A_369 [1] : vector<32x128xf32> to vector<32xf32>
    %broadcast_in_dim3A_371 = vector.shape_cast %reduce_sum3A_370 : vector<32xf32> to vector<32x1xf32>
    %add3A_372 = arith.addf %add3A_351, %broadcast_in_dim3A_371 : vector<32x1xf32>
    %mul3A_373 = arith.mulf %add3A_368, %add3A_368 : vector<32x128xf32>
    %reduce_sum3A_374 = arith.constant dense<0.000000e+00> : vector<32xf32>
    %reduce_sum3A_375 = vector.multi_reduction <add>, %mul3A_373, %reduce_sum3A_374 [1] : vector<32x128xf32> to vector<32xf32>
    %broadcast_in_dim3A_376 = vector.shape_cast %reduce_sum3A_375 : vector<32xf32> to vector<32x1xf32>
    %add3A_377 = arith.addf %add3A_356, %broadcast_in_dim3A_376 : vector<32x1xf32>
    %get3A_378 = arith.constant 0 : index
    %get3A_379 = arith.constant 0 : index
    %get3A_380 = vector.load %arg3[%get3A_378, %get3A_379] : memref<32x64xf32, #tpu.memory_space<vmem>>, vector<32x64xf32>
    %slice3A_381 = vector.extract_strided_slice %reshape3A {offsets = [4, 2, 0, 0], sizes = [1, 1, 64, 128], strides = [1, 1, 1, 1]} : vector<8x4x64x128xf32> to vector<1x1x64x128xf32>
    %squeeze3A_382 = vector.shape_cast %slice3A_381 : vector<1x1x64x128xf32> to vector<64x128xf32>
    %dot_general3A_383 = arith.constant dense<0.000000e+00> : vector<32x128xf32>
    %dot_general3A_384 = tpu.matmul %get3A_380, %squeeze3A_382, %dot_general3A_383 {dimension_numbers = #tpu.dot_dimension_numbers<[1], [0], [0], [1], [0, 0, 1, 1], [], []>, transpose_lhs_hint = false} : vector<32x64xf32>, vector<64x128xf32>, vector<32x128xf32> -> vector<32x128xf32>
    %get3A_385 = arith.constant 0 : index
    %get3A_386 = arith.constant 0 : index
    %get3A_387 = vector.load %arg4[%get3A_385, %get3A_386] : memref<32x1xf32, #tpu.memory_space<vmem>>, vector<32x1xf32>
    %add3A_388 = vector.broadcast %get3A_387 : vector<32x1xf32> to vector<32x128xf32>
    %add3A_389 = arith.addf %dot_general3A_384, %add3A_388 : vector<32x128xf32>
    %reduce_sum3A_390 = arith.constant dense<0.000000e+00> : vector<32xf32>
    %reduce_sum3A_391 = vector.multi_reduction <add>, %add3A_389, %reduce_sum3A_390 [1] : vector<32x128xf32> to vector<32xf32>
    %broadcast_in_dim3A_392 = vector.shape_cast %reduce_sum3A_391 : vector<32xf32> to vector<32x1xf32>
    %add3A_393 = arith.addf %add3A_372, %broadcast_in_dim3A_392 : vector<32x1xf32>
    %mul3A_394 = arith.mulf %add3A_389, %add3A_389 : vector<32x128xf32>
    %reduce_sum3A_395 = arith.constant dense<0.000000e+00> : vector<32xf32>
    %reduce_sum3A_396 = vector.multi_reduction <add>, %mul3A_394, %reduce_sum3A_395 [1] : vector<32x128xf32> to vector<32xf32>
    %broadcast_in_dim3A_397 = vector.shape_cast %reduce_sum3A_396 : vector<32xf32> to vector<32x1xf32>
    %add3A_398 = arith.addf %add3A_377, %broadcast_in_dim3A_397 : vector<32x1xf32>
    %get3A_399 = arith.constant 0 : index
    %get3A_400 = arith.constant 0 : index
    %get3A_401 = vector.load %arg3[%get3A_399, %get3A_400] : memref<32x64xf32, #tpu.memory_space<vmem>>, vector<32x64xf32>
    %slice3A_402 = vector.extract_strided_slice %reshape3A {offsets = [4, 3, 0, 0], sizes = [1, 1, 64, 128], strides = [1, 1, 1, 1]} : vector<8x4x64x128xf32> to vector<1x1x64x128xf32>
    %squeeze3A_403 = vector.shape_cast %slice3A_402 : vector<1x1x64x128xf32> to vector<64x128xf32>
    %dot_general3A_404 = arith.constant dense<0.000000e+00> : vector<32x128xf32>
    %dot_general3A_405 = tpu.matmul %get3A_401, %squeeze3A_403, %dot_general3A_404 {dimension_numbers = #tpu.dot_dimension_numbers<[1], [0], [0], [1], [0, 0, 1, 1], [], []>, transpose_lhs_hint = false} : vector<32x64xf32>, vector<64x128xf32>, vector<32x128xf32> -> vector<32x128xf32>
    %get3A_406 = arith.constant 0 : index
    %get3A_407 = arith.constant 0 : index
    %get3A_408 = vector.load %arg4[%get3A_406, %get3A_407] : memref<32x1xf32, #tpu.memory_space<vmem>>, vector<32x1xf32>
    %add3A_409 = vector.broadcast %get3A_408 : vector<32x1xf32> to vector<32x128xf32>
    %add3A_410 = arith.addf %dot_general3A_405, %add3A_409 : vector<32x128xf32>
    %reduce_sum3A_411 = arith.constant dense<0.000000e+00> : vector<32xf32>
    %reduce_sum3A_412 = vector.multi_reduction <add>, %add3A_410, %reduce_sum3A_411 [1] : vector<32x128xf32> to vector<32xf32>
    %broadcast_in_dim3A_413 = vector.shape_cast %reduce_sum3A_412 : vector<32xf32> to vector<32x1xf32>
    %add3A_414 = arith.addf %add3A_393, %broadcast_in_dim3A_413 : vector<32x1xf32>
    %mul3A_415 = arith.mulf %add3A_410, %add3A_410 : vector<32x128xf32>
    %reduce_sum3A_416 = arith.constant dense<0.000000e+00> : vector<32xf32>
    %reduce_sum3A_417 = vector.multi_reduction <add>, %mul3A_415, %reduce_sum3A_416 [1] : vector<32x128xf32> to vector<32xf32>
    %broadcast_in_dim3A_418 = vector.shape_cast %reduce_sum3A_417 : vector<32xf32> to vector<32x1xf32>
    %add3A_419 = arith.addf %add3A_398, %broadcast_in_dim3A_418 : vector<32x1xf32>
    %get3A_420 = arith.constant 0 : index
    %get3A_421 = arith.constant 0 : index
    %get3A_422 = vector.load %arg3[%get3A_420, %get3A_421] : memref<32x64xf32, #tpu.memory_space<vmem>>, vector<32x64xf32>
    %slice3A_423 = vector.extract_strided_slice %reshape3A {offsets = [5, 0, 0, 0], sizes = [1, 1, 64, 128], strides = [1, 1, 1, 1]} : vector<8x4x64x128xf32> to vector<1x1x64x128xf32>
    %squeeze3A_424 = vector.shape_cast %slice3A_423 : vector<1x1x64x128xf32> to vector<64x128xf32>
    %dot_general3A_425 = arith.constant dense<0.000000e+00> : vector<32x128xf32>
    %dot_general3A_426 = tpu.matmul %get3A_422, %squeeze3A_424, %dot_general3A_425 {dimension_numbers = #tpu.dot_dimension_numbers<[1], [0], [0], [1], [0, 0, 1, 1], [], []>, transpose_lhs_hint = false} : vector<32x64xf32>, vector<64x128xf32>, vector<32x128xf32> -> vector<32x128xf32>
    %get3A_427 = arith.constant 0 : index
    %get3A_428 = arith.constant 0 : index
    %get3A_429 = vector.load %arg4[%get3A_427, %get3A_428] : memref<32x1xf32, #tpu.memory_space<vmem>>, vector<32x1xf32>
    %add3A_430 = vector.broadcast %get3A_429 : vector<32x1xf32> to vector<32x128xf32>
    %add3A_431 = arith.addf %dot_general3A_426, %add3A_430 : vector<32x128xf32>
    %reduce_sum3A_432 = arith.constant dense<0.000000e+00> : vector<32xf32>
    %reduce_sum3A_433 = vector.multi_reduction <add>, %add3A_431, %reduce_sum3A_432 [1] : vector<32x128xf32> to vector<32xf32>
    %broadcast_in_dim3A_434 = vector.shape_cast %reduce_sum3A_433 : vector<32xf32> to vector<32x1xf32>
    %add3A_435 = arith.addf %add3A_414, %broadcast_in_dim3A_434 : vector<32x1xf32>
    %mul3A_436 = arith.mulf %add3A_431, %add3A_431 : vector<32x128xf32>
    %reduce_sum3A_437 = arith.constant dense<0.000000e+00> : vector<32xf32>
    %reduce_sum3A_438 = vector.multi_reduction <add>, %mul3A_436, %reduce_sum3A_437 [1] : vector<32x128xf32> to vector<32xf32>
    %broadcast_in_dim3A_439 = vector.shape_cast %reduce_sum3A_438 : vector<32xf32> to vector<32x1xf32>
    %add3A_440 = arith.addf %add3A_419, %broadcast_in_dim3A_439 : vector<32x1xf32>
    %get3A_441 = arith.constant 0 : index
    %get3A_442 = arith.constant 0 : index
    %get3A_443 = vector.load %arg3[%get3A_441, %get3A_442] : memref<32x64xf32, #tpu.memory_space<vmem>>, vector<32x64xf32>
    %slice3A_444 = vector.extract_strided_slice %reshape3A {offsets = [5, 1, 0, 0], sizes = [1, 1, 64, 128], strides = [1, 1, 1, 1]} : vector<8x4x64x128xf32> to vector<1x1x64x128xf32>
    %squeeze3A_445 = vector.shape_cast %slice3A_444 : vector<1x1x64x128xf32> to vector<64x128xf32>
    %dot_general3A_446 = arith.constant dense<0.000000e+00> : vector<32x128xf32>
    %dot_general3A_447 = tpu.matmul %get3A_443, %squeeze3A_445, %dot_general3A_446 {dimension_numbers = #tpu.dot_dimension_numbers<[1], [0], [0], [1], [0, 0, 1, 1], [], []>, transpose_lhs_hint = false} : vector<32x64xf32>, vector<64x128xf32>, vector<32x128xf32> -> vector<32x128xf32>
    %get3A_448 = arith.constant 0 : index
    %get3A_449 = arith.constant 0 : index
    %get3A_450 = vector.load %arg4[%get3A_448, %get3A_449] : memref<32x1xf32, #tpu.memory_space<vmem>>, vector<32x1xf32>
    %add3A_451 = vector.broadcast %get3A_450 : vector<32x1xf32> to vector<32x128xf32>
    %add3A_452 = arith.addf %dot_general3A_447, %add3A_451 : vector<32x128xf32>
    %reduce_sum3A_453 = arith.constant dense<0.000000e+00> : vector<32xf32>
    %reduce_sum3A_454 = vector.multi_reduction <add>, %add3A_452, %reduce_sum3A_453 [1] : vector<32x128xf32> to vector<32xf32>
    %broadcast_in_dim3A_455 = vector.shape_cast %reduce_sum3A_454 : vector<32xf32> to vector<32x1xf32>
    %add3A_456 = arith.addf %add3A_435, %broadcast_in_dim3A_455 : vector<32x1xf32>
    %mul3A_457 = arith.mulf %add3A_452, %add3A_452 : vector<32x128xf32>
    %reduce_sum3A_458 = arith.constant dense<0.000000e+00> : vector<32xf32>
    %reduce_sum3A_459 = vector.multi_reduction <add>, %mul3A_457, %reduce_sum3A_458 [1] : vector<32x128xf32> to vector<32xf32>
    %broadcast_in_dim3A_460 = vector.shape_cast %reduce_sum3A_459 : vector<32xf32> to vector<32x1xf32>
    %add3A_461 = arith.addf %add3A_440, %broadcast_in_dim3A_460 : vector<32x1xf32>
    %get3A_462 = arith.constant 0 : index
    %get3A_463 = arith.constant 0 : index
    %get3A_464 = vector.load %arg3[%get3A_462, %get3A_463] : memref<32x64xf32, #tpu.memory_space<vmem>>, vector<32x64xf32>
    %slice3A_465 = vector.extract_strided_slice %reshape3A {offsets = [5, 2, 0, 0], sizes = [1, 1, 64, 128], strides = [1, 1, 1, 1]} : vector<8x4x64x128xf32> to vector<1x1x64x128xf32>
    %squeeze3A_466 = vector.shape_cast %slice3A_465 : vector<1x1x64x128xf32> to vector<64x128xf32>
    %dot_general3A_467 = arith.constant dense<0.000000e+00> : vector<32x128xf32>
    %dot_general3A_468 = tpu.matmul %get3A_464, %squeeze3A_466, %dot_general3A_467 {dimension_numbers = #tpu.dot_dimension_numbers<[1], [0], [0], [1], [0, 0, 1, 1], [], []>, transpose_lhs_hint = false} : vector<32x64xf32>, vector<64x128xf32>, vector<32x128xf32> -> vector<32x128xf32>
    %get3A_469 = arith.constant 0 : index
    %get3A_470 = arith.constant 0 : index
    %get3A_471 = vector.load %arg4[%get3A_469, %get3A_470] : memref<32x1xf32, #tpu.memory_space<vmem>>, vector<32x1xf32>
    %add3A_472 = vector.broadcast %get3A_471 : vector<32x1xf32> to vector<32x128xf32>
    %add3A_473 = arith.addf %dot_general3A_468, %add3A_472 : vector<32x128xf32>
    %reduce_sum3A_474 = arith.constant dense<0.000000e+00> : vector<32xf32>
    %reduce_sum3A_475 = vector.multi_reduction <add>, %add3A_473, %reduce_sum3A_474 [1] : vector<32x128xf32> to vector<32xf32>
    %broadcast_in_dim3A_476 = vector.shape_cast %reduce_sum3A_475 : vector<32xf32> to vector<32x1xf32>
    %add3A_477 = arith.addf %add3A_456, %broadcast_in_dim3A_476 : vector<32x1xf32>
    %mul3A_478 = arith.mulf %add3A_473, %add3A_473 : vector<32x128xf32>
    %reduce_sum3A_479 = arith.constant dense<0.000000e+00> : vector<32xf32>
    %reduce_sum3A_480 = vector.multi_reduction <add>, %mul3A_478, %reduce_sum3A_479 [1] : vector<32x128xf32> to vector<32xf32>
    %broadcast_in_dim3A_481 = vector.shape_cast %reduce_sum3A_480 : vector<32xf32> to vector<32x1xf32>
    %add3A_482 = arith.addf %add3A_461, %broadcast_in_dim3A_481 : vector<32x1xf32>
    %get3A_483 = arith.constant 0 : index
    %get3A_484 = arith.constant 0 : index
    %get3A_485 = vector.load %arg3[%get3A_483, %get3A_484] : memref<32x64xf32, #tpu.memory_space<vmem>>, vector<32x64xf32>
    %slice3A_486 = vector.extract_strided_slice %reshape3A {offsets = [5, 3, 0, 0], sizes = [1, 1, 64, 128], strides = [1, 1, 1, 1]} : vector<8x4x64x128xf32> to vector<1x1x64x128xf32>
    %squeeze3A_487 = vector.shape_cast %slice3A_486 : vector<1x1x64x128xf32> to vector<64x128xf32>
    %dot_general3A_488 = arith.constant dense<0.000000e+00> : vector<32x128xf32>
    %dot_general3A_489 = tpu.matmul %get3A_485, %squeeze3A_487, %dot_general3A_488 {dimension_numbers = #tpu.dot_dimension_numbers<[1], [0], [0], [1], [0, 0, 1, 1], [], []>, transpose_lhs_hint = false} : vector<32x64xf32>, vector<64x128xf32>, vector<32x128xf32> -> vector<32x128xf32>
    %get3A_490 = arith.constant 0 : index
    %get3A_491 = arith.constant 0 : index
    %get3A_492 = vector.load %arg4[%get3A_490, %get3A_491] : memref<32x1xf32, #tpu.memory_space<vmem>>, vector<32x1xf32>
    %add3A_493 = vector.broadcast %get3A_492 : vector<32x1xf32> to vector<32x128xf32>
    %add3A_494 = arith.addf %dot_general3A_489, %add3A_493 : vector<32x128xf32>
    %reduce_sum3A_495 = arith.constant dense<0.000000e+00> : vector<32xf32>
    %reduce_sum3A_496 = vector.multi_reduction <add>, %add3A_494, %reduce_sum3A_495 [1] : vector<32x128xf32> to vector<32xf32>
    %broadcast_in_dim3A_497 = vector.shape_cast %reduce_sum3A_496 : vector<32xf32> to vector<32x1xf32>
    %add3A_498 = arith.addf %add3A_477, %broadcast_in_dim3A_497 : vector<32x1xf32>
    %mul3A_499 = arith.mulf %add3A_494, %add3A_494 : vector<32x128xf32>
    %reduce_sum3A_500 = arith.constant dense<0.000000e+00> : vector<32xf32>
    %reduce_sum3A_501 = vector.multi_reduction <add>, %mul3A_499, %reduce_sum3A_500 [1] : vector<32x128xf32> to vector<32xf32>
    %broadcast_in_dim3A_502 = vector.shape_cast %reduce_sum3A_501 : vector<32xf32> to vector<32x1xf32>
    %add3A_503 = arith.addf %add3A_482, %broadcast_in_dim3A_502 : vector<32x1xf32>
    %get3A_504 = arith.constant 0 : index
    %get3A_505 = arith.constant 0 : index
    %get3A_506 = vector.load %arg3[%get3A_504, %get3A_505] : memref<32x64xf32, #tpu.memory_space<vmem>>, vector<32x64xf32>
    %slice3A_507 = vector.extract_strided_slice %reshape3A {offsets = [6, 0, 0, 0], sizes = [1, 1, 64, 128], strides = [1, 1, 1, 1]} : vector<8x4x64x128xf32> to vector<1x1x64x128xf32>
    %squeeze3A_508 = vector.shape_cast %slice3A_507 : vector<1x1x64x128xf32> to vector<64x128xf32>
    %dot_general3A_509 = arith.constant dense<0.000000e+00> : vector<32x128xf32>
    %dot_general3A_510 = tpu.matmul %get3A_506, %squeeze3A_508, %dot_general3A_509 {dimension_numbers = #tpu.dot_dimension_numbers<[1], [0], [0], [1], [0, 0, 1, 1], [], []>, transpose_lhs_hint = false} : vector<32x64xf32>, vector<64x128xf32>, vector<32x128xf32> -> vector<32x128xf32>
    %get3A_511 = arith.constant 0 : index
    %get3A_512 = arith.constant 0 : index
    %get3A_513 = vector.load %arg4[%get3A_511, %get3A_512] : memref<32x1xf32, #tpu.memory_space<vmem>>, vector<32x1xf32>
    %add3A_514 = vector.broadcast %get3A_513 : vector<32x1xf32> to vector<32x128xf32>
    %add3A_515 = arith.addf %dot_general3A_510, %add3A_514 : vector<32x128xf32>
    %reduce_sum3A_516 = arith.constant dense<0.000000e+00> : vector<32xf32>
    %reduce_sum3A_517 = vector.multi_reduction <add>, %add3A_515, %reduce_sum3A_516 [1] : vector<32x128xf32> to vector<32xf32>
    %broadcast_in_dim3A_518 = vector.shape_cast %reduce_sum3A_517 : vector<32xf32> to vector<32x1xf32>
    %add3A_519 = arith.addf %add3A_498, %broadcast_in_dim3A_518 : vector<32x1xf32>
    %mul3A_520 = arith.mulf %add3A_515, %add3A_515 : vector<32x128xf32>
    %reduce_sum3A_521 = arith.constant dense<0.000000e+00> : vector<32xf32>
    %reduce_sum3A_522 = vector.multi_reduction <add>, %mul3A_520, %reduce_sum3A_521 [1] : vector<32x128xf32> to vector<32xf32>
    %broadcast_in_dim3A_523 = vector.shape_cast %reduce_sum3A_522 : vector<32xf32> to vector<32x1xf32>
    %add3A_524 = arith.addf %add3A_503, %broadcast_in_dim3A_523 : vector<32x1xf32>
    %get3A_525 = arith.constant 0 : index
    %get3A_526 = arith.constant 0 : index
    %get3A_527 = vector.load %arg3[%get3A_525, %get3A_526] : memref<32x64xf32, #tpu.memory_space<vmem>>, vector<32x64xf32>
    %slice3A_528 = vector.extract_strided_slice %reshape3A {offsets = [6, 1, 0, 0], sizes = [1, 1, 64, 128], strides = [1, 1, 1, 1]} : vector<8x4x64x128xf32> to vector<1x1x64x128xf32>
    %squeeze3A_529 = vector.shape_cast %slice3A_528 : vector<1x1x64x128xf32> to vector<64x128xf32>
    %dot_general3A_530 = arith.constant dense<0.000000e+00> : vector<32x128xf32>
    %dot_general3A_531 = tpu.matmul %get3A_527, %squeeze3A_529, %dot_general3A_530 {dimension_numbers = #tpu.dot_dimension_numbers<[1], [0], [0], [1], [0, 0, 1, 1], [], []>, transpose_lhs_hint = false} : vector<32x64xf32>, vector<64x128xf32>, vector<32x128xf32> -> vector<32x128xf32>
    %get3A_532 = arith.constant 0 : index
    %get3A_533 = arith.constant 0 : index
    %get3A_534 = vector.load %arg4[%get3A_532, %get3A_533] : memref<32x1xf32, #tpu.memory_space<vmem>>, vector<32x1xf32>
    %add3A_535 = vector.broadcast %get3A_534 : vector<32x1xf32> to vector<32x128xf32>
    %add3A_536 = arith.addf %dot_general3A_531, %add3A_535 : vector<32x128xf32>
    %reduce_sum3A_537 = arith.constant dense<0.000000e+00> : vector<32xf32>
    %reduce_sum3A_538 = vector.multi_reduction <add>, %add3A_536, %reduce_sum3A_537 [1] : vector<32x128xf32> to vector<32xf32>
    %broadcast_in_dim3A_539 = vector.shape_cast %reduce_sum3A_538 : vector<32xf32> to vector<32x1xf32>
    %add3A_540 = arith.addf %add3A_519, %broadcast_in_dim3A_539 : vector<32x1xf32>
    %mul3A_541 = arith.mulf %add3A_536, %add3A_536 : vector<32x128xf32>
    %reduce_sum3A_542 = arith.constant dense<0.000000e+00> : vector<32xf32>
    %reduce_sum3A_543 = vector.multi_reduction <add>, %mul3A_541, %reduce_sum3A_542 [1] : vector<32x128xf32> to vector<32xf32>
    %broadcast_in_dim3A_544 = vector.shape_cast %reduce_sum3A_543 : vector<32xf32> to vector<32x1xf32>
    %add3A_545 = arith.addf %add3A_524, %broadcast_in_dim3A_544 : vector<32x1xf32>
    %get3A_546 = arith.constant 0 : index
    %get3A_547 = arith.constant 0 : index
    %get3A_548 = vector.load %arg3[%get3A_546, %get3A_547] : memref<32x64xf32, #tpu.memory_space<vmem>>, vector<32x64xf32>
    %slice3A_549 = vector.extract_strided_slice %reshape3A {offsets = [6, 2, 0, 0], sizes = [1, 1, 64, 128], strides = [1, 1, 1, 1]} : vector<8x4x64x128xf32> to vector<1x1x64x128xf32>
    %squeeze3A_550 = vector.shape_cast %slice3A_549 : vector<1x1x64x128xf32> to vector<64x128xf32>
    %dot_general3A_551 = arith.constant dense<0.000000e+00> : vector<32x128xf32>
    %dot_general3A_552 = tpu.matmul %get3A_548, %squeeze3A_550, %dot_general3A_551 {dimension_numbers = #tpu.dot_dimension_numbers<[1], [0], [0], [1], [0, 0, 1, 1], [], []>, transpose_lhs_hint = false} : vector<32x64xf32>, vector<64x128xf32>, vector<32x128xf32> -> vector<32x128xf32>
    %get3A_553 = arith.constant 0 : index
    %get3A_554 = arith.constant 0 : index
    %get3A_555 = vector.load %arg4[%get3A_553, %get3A_554] : memref<32x1xf32, #tpu.memory_space<vmem>>, vector<32x1xf32>
    %add3A_556 = vector.broadcast %get3A_555 : vector<32x1xf32> to vector<32x128xf32>
    %add3A_557 = arith.addf %dot_general3A_552, %add3A_556 : vector<32x128xf32>
    %reduce_sum3A_558 = arith.constant dense<0.000000e+00> : vector<32xf32>
    %reduce_sum3A_559 = vector.multi_reduction <add>, %add3A_557, %reduce_sum3A_558 [1] : vector<32x128xf32> to vector<32xf32>
    %broadcast_in_dim3A_560 = vector.shape_cast %reduce_sum3A_559 : vector<32xf32> to vector<32x1xf32>
    %add3A_561 = arith.addf %add3A_540, %broadcast_in_dim3A_560 : vector<32x1xf32>
    %mul3A_562 = arith.mulf %add3A_557, %add3A_557 : vector<32x128xf32>
    %reduce_sum3A_563 = arith.constant dense<0.000000e+00> : vector<32xf32>
    %reduce_sum3A_564 = vector.multi_reduction <add>, %mul3A_562, %reduce_sum3A_563 [1] : vector<32x128xf32> to vector<32xf32>
    %broadcast_in_dim3A_565 = vector.shape_cast %reduce_sum3A_564 : vector<32xf32> to vector<32x1xf32>
    %add3A_566 = arith.addf %add3A_545, %broadcast_in_dim3A_565 : vector<32x1xf32>
    %get3A_567 = arith.constant 0 : index
    %get3A_568 = arith.constant 0 : index
    %get3A_569 = vector.load %arg3[%get3A_567, %get3A_568] : memref<32x64xf32, #tpu.memory_space<vmem>>, vector<32x64xf32>
    %slice3A_570 = vector.extract_strided_slice %reshape3A {offsets = [6, 3, 0, 0], sizes = [1, 1, 64, 128], strides = [1, 1, 1, 1]} : vector<8x4x64x128xf32> to vector<1x1x64x128xf32>
    %squeeze3A_571 = vector.shape_cast %slice3A_570 : vector<1x1x64x128xf32> to vector<64x128xf32>
    %dot_general3A_572 = arith.constant dense<0.000000e+00> : vector<32x128xf32>
    %dot_general3A_573 = tpu.matmul %get3A_569, %squeeze3A_571, %dot_general3A_572 {dimension_numbers = #tpu.dot_dimension_numbers<[1], [0], [0], [1], [0, 0, 1, 1], [], []>, transpose_lhs_hint = false} : vector<32x64xf32>, vector<64x128xf32>, vector<32x128xf32> -> vector<32x128xf32>
    %get3A_574 = arith.constant 0 : index
    %get3A_575 = arith.constant 0 : index
    %get3A_576 = vector.load %arg4[%get3A_574, %get3A_575] : memref<32x1xf32, #tpu.memory_space<vmem>>, vector<32x1xf32>
    %add3A_577 = vector.broadcast %get3A_576 : vector<32x1xf32> to vector<32x128xf32>
    %add3A_578 = arith.addf %dot_general3A_573, %add3A_577 : vector<32x128xf32>
    %reduce_sum3A_579 = arith.constant dense<0.000000e+00> : vector<32xf32>
    %reduce_sum3A_580 = vector.multi_reduction <add>, %add3A_578, %reduce_sum3A_579 [1] : vector<32x128xf32> to vector<32xf32>
    %broadcast_in_dim3A_581 = vector.shape_cast %reduce_sum3A_580 : vector<32xf32> to vector<32x1xf32>
    %add3A_582 = arith.addf %add3A_561, %broadcast_in_dim3A_581 : vector<32x1xf32>
    %mul3A_583 = arith.mulf %add3A_578, %add3A_578 : vector<32x128xf32>
    %reduce_sum3A_584 = arith.constant dense<0.000000e+00> : vector<32xf32>
    %reduce_sum3A_585 = vector.multi_reduction <add>, %mul3A_583, %reduce_sum3A_584 [1] : vector<32x128xf32> to vector<32xf32>
    %broadcast_in_dim3A_586 = vector.shape_cast %reduce_sum3A_585 : vector<32xf32> to vector<32x1xf32>
    %add3A_587 = arith.addf %add3A_566, %broadcast_in_dim3A_586 : vector<32x1xf32>
    %get3A_588 = arith.constant 0 : index
    %get3A_589 = arith.constant 0 : index
    %get3A_590 = vector.load %arg3[%get3A_588, %get3A_589] : memref<32x64xf32, #tpu.memory_space<vmem>>, vector<32x64xf32>
    %slice3A_591 = vector.extract_strided_slice %reshape3A {offsets = [7, 0, 0, 0], sizes = [1, 1, 64, 128], strides = [1, 1, 1, 1]} : vector<8x4x64x128xf32> to vector<1x1x64x128xf32>
    %squeeze3A_592 = vector.shape_cast %slice3A_591 : vector<1x1x64x128xf32> to vector<64x128xf32>
    %dot_general3A_593 = arith.constant dense<0.000000e+00> : vector<32x128xf32>
    %dot_general3A_594 = tpu.matmul %get3A_590, %squeeze3A_592, %dot_general3A_593 {dimension_numbers = #tpu.dot_dimension_numbers<[1], [0], [0], [1], [0, 0, 1, 1], [], []>, transpose_lhs_hint = false} : vector<32x64xf32>, vector<64x128xf32>, vector<32x128xf32> -> vector<32x128xf32>
    %get3A_595 = arith.constant 0 : index
    %get3A_596 = arith.constant 0 : index
    %get3A_597 = vector.load %arg4[%get3A_595, %get3A_596] : memref<32x1xf32, #tpu.memory_space<vmem>>, vector<32x1xf32>
    %add3A_598 = vector.broadcast %get3A_597 : vector<32x1xf32> to vector<32x128xf32>
    %add3A_599 = arith.addf %dot_general3A_594, %add3A_598 : vector<32x128xf32>
    %reduce_sum3A_600 = arith.constant dense<0.000000e+00> : vector<32xf32>
    %reduce_sum3A_601 = vector.multi_reduction <add>, %add3A_599, %reduce_sum3A_600 [1] : vector<32x128xf32> to vector<32xf32>
    %broadcast_in_dim3A_602 = vector.shape_cast %reduce_sum3A_601 : vector<32xf32> to vector<32x1xf32>
    %add3A_603 = arith.addf %add3A_582, %broadcast_in_dim3A_602 : vector<32x1xf32>
    %mul3A_604 = arith.mulf %add3A_599, %add3A_599 : vector<32x128xf32>
    %reduce_sum3A_605 = arith.constant dense<0.000000e+00> : vector<32xf32>
    %reduce_sum3A_606 = vector.multi_reduction <add>, %mul3A_604, %reduce_sum3A_605 [1] : vector<32x128xf32> to vector<32xf32>
    %broadcast_in_dim3A_607 = vector.shape_cast %reduce_sum3A_606 : vector<32xf32> to vector<32x1xf32>
    %add3A_608 = arith.addf %add3A_587, %broadcast_in_dim3A_607 : vector<32x1xf32>
    %get3A_609 = arith.constant 0 : index
    %get3A_610 = arith.constant 0 : index
    %get3A_611 = vector.load %arg3[%get3A_609, %get3A_610] : memref<32x64xf32, #tpu.memory_space<vmem>>, vector<32x64xf32>
    %slice3A_612 = vector.extract_strided_slice %reshape3A {offsets = [7, 1, 0, 0], sizes = [1, 1, 64, 128], strides = [1, 1, 1, 1]} : vector<8x4x64x128xf32> to vector<1x1x64x128xf32>
    %squeeze3A_613 = vector.shape_cast %slice3A_612 : vector<1x1x64x128xf32> to vector<64x128xf32>
    %dot_general3A_614 = arith.constant dense<0.000000e+00> : vector<32x128xf32>
    %dot_general3A_615 = tpu.matmul %get3A_611, %squeeze3A_613, %dot_general3A_614 {dimension_numbers = #tpu.dot_dimension_numbers<[1], [0], [0], [1], [0, 0, 1, 1], [], []>, transpose_lhs_hint = false} : vector<32x64xf32>, vector<64x128xf32>, vector<32x128xf32> -> vector<32x128xf32>
    %get3A_616 = arith.constant 0 : index
    %get3A_617 = arith.constant 0 : index
    %get3A_618 = vector.load %arg4[%get3A_616, %get3A_617] : memref<32x1xf32, #tpu.memory_space<vmem>>, vector<32x1xf32>
    %add3A_619 = vector.broadcast %get3A_618 : vector<32x1xf32> to vector<32x128xf32>
    %add3A_620 = arith.addf %dot_general3A_615, %add3A_619 : vector<32x128xf32>
    %reduce_sum3A_621 = arith.constant dense<0.000000e+00> : vector<32xf32>
    %reduce_sum3A_622 = vector.multi_reduction <add>, %add3A_620, %reduce_sum3A_621 [1] : vector<32x128xf32> to vector<32xf32>
    %broadcast_in_dim3A_623 = vector.shape_cast %reduce_sum3A_622 : vector<32xf32> to vector<32x1xf32>
    %add3A_624 = arith.addf %add3A_603, %broadcast_in_dim3A_623 : vector<32x1xf32>
    %mul3A_625 = arith.mulf %add3A_620, %add3A_620 : vector<32x128xf32>
    %reduce_sum3A_626 = arith.constant dense<0.000000e+00> : vector<32xf32>
    %reduce_sum3A_627 = vector.multi_reduction <add>, %mul3A_625, %reduce_sum3A_626 [1] : vector<32x128xf32> to vector<32xf32>
    %broadcast_in_dim3A_628 = vector.shape_cast %reduce_sum3A_627 : vector<32xf32> to vector<32x1xf32>
    %add3A_629 = arith.addf %add3A_608, %broadcast_in_dim3A_628 : vector<32x1xf32>
    %get3A_630 = arith.constant 0 : index
    %get3A_631 = arith.constant 0 : index
    %get3A_632 = vector.load %arg3[%get3A_630, %get3A_631] : memref<32x64xf32, #tpu.memory_space<vmem>>, vector<32x64xf32>
    %slice3A_633 = vector.extract_strided_slice %reshape3A {offsets = [7, 2, 0, 0], sizes = [1, 1, 64, 128], strides = [1, 1, 1, 1]} : vector<8x4x64x128xf32> to vector<1x1x64x128xf32>
    %squeeze3A_634 = vector.shape_cast %slice3A_633 : vector<1x1x64x128xf32> to vector<64x128xf32>
    %dot_general3A_635 = arith.constant dense<0.000000e+00> : vector<32x128xf32>
    %dot_general3A_636 = tpu.matmul %get3A_632, %squeeze3A_634, %dot_general3A_635 {dimension_numbers = #tpu.dot_dimension_numbers<[1], [0], [0], [1], [0, 0, 1, 1], [], []>, transpose_lhs_hint = false} : vector<32x64xf32>, vector<64x128xf32>, vector<32x128xf32> -> vector<32x128xf32>
    %get3A_637 = arith.constant 0 : index
    %get3A_638 = arith.constant 0 : index
    %get3A_639 = vector.load %arg4[%get3A_637, %get3A_638] : memref<32x1xf32, #tpu.memory_space<vmem>>, vector<32x1xf32>
    %add3A_640 = vector.broadcast %get3A_639 : vector<32x1xf32> to vector<32x128xf32>
    %add3A_641 = arith.addf %dot_general3A_636, %add3A_640 : vector<32x128xf32>
    %reduce_sum3A_642 = arith.constant dense<0.000000e+00> : vector<32xf32>
    %reduce_sum3A_643 = vector.multi_reduction <add>, %add3A_641, %reduce_sum3A_642 [1] : vector<32x128xf32> to vector<32xf32>
    %broadcast_in_dim3A_644 = vector.shape_cast %reduce_sum3A_643 : vector<32xf32> to vector<32x1xf32>
    %add3A_645 = arith.addf %add3A_624, %broadcast_in_dim3A_644 : vector<32x1xf32>
    %mul3A_646 = arith.mulf %add3A_641, %add3A_641 : vector<32x128xf32>
    %reduce_sum3A_647 = arith.constant dense<0.000000e+00> : vector<32xf32>
    %reduce_sum3A_648 = vector.multi_reduction <add>, %mul3A_646, %reduce_sum3A_647 [1] : vector<32x128xf32> to vector<32xf32>
    %broadcast_in_dim3A_649 = vector.shape_cast %reduce_sum3A_648 : vector<32xf32> to vector<32x1xf32>
    %add3A_650 = arith.addf %add3A_629, %broadcast_in_dim3A_649 : vector<32x1xf32>
    %get3A_651 = arith.constant 0 : index
    %get3A_652 = arith.constant 0 : index
    %get3A_653 = vector.load %arg3[%get3A_651, %get3A_652] : memref<32x64xf32, #tpu.memory_space<vmem>>, vector<32x64xf32>
    %slice3A_654 = vector.extract_strided_slice %reshape3A {offsets = [7, 3, 0, 0], sizes = [1, 1, 64, 128], strides = [1, 1, 1, 1]} : vector<8x4x64x128xf32> to vector<1x1x64x128xf32>
    %squeeze3A_655 = vector.shape_cast %slice3A_654 : vector<1x1x64x128xf32> to vector<64x128xf32>
    %dot_general3A_656 = arith.constant dense<0.000000e+00> : vector<32x128xf32>
    %dot_general3A_657 = tpu.matmul %get3A_653, %squeeze3A_655, %dot_general3A_656 {dimension_numbers = #tpu.dot_dimension_numbers<[1], [0], [0], [1], [0, 0, 1, 1], [], []>, transpose_lhs_hint = false} : vector<32x64xf32>, vector<64x128xf32>, vector<32x128xf32> -> vector<32x128xf32>
    %get3A_658 = arith.constant 0 : index
    %get3A_659 = arith.constant 0 : index
    %get3A_660 = vector.load %arg4[%get3A_658, %get3A_659] : memref<32x1xf32, #tpu.memory_space<vmem>>, vector<32x1xf32>
    %add3A_661 = vector.broadcast %get3A_660 : vector<32x1xf32> to vector<32x128xf32>
    %add3A_662 = arith.addf %dot_general3A_657, %add3A_661 : vector<32x128xf32>
    %reduce_sum3A_663 = arith.constant dense<0.000000e+00> : vector<32xf32>
    %reduce_sum3A_664 = vector.multi_reduction <add>, %add3A_662, %reduce_sum3A_663 [1] : vector<32x128xf32> to vector<32xf32>
    %broadcast_in_dim3A_665 = vector.shape_cast %reduce_sum3A_664 : vector<32xf32> to vector<32x1xf32>
    %add3A_666 = arith.addf %add3A_645, %broadcast_in_dim3A_665 : vector<32x1xf32>
    %mul3A_667 = arith.mulf %add3A_662, %add3A_662 : vector<32x128xf32>
    %reduce_sum3A_668 = arith.constant dense<0.000000e+00> : vector<32xf32>
    %reduce_sum3A_669 = vector.multi_reduction <add>, %mul3A_667, %reduce_sum3A_668 [1] : vector<32x128xf32> to vector<32xf32>
    %broadcast_in_dim3A_670 = vector.shape_cast %reduce_sum3A_669 : vector<32xf32> to vector<32x1xf32>
    %add3A_671 = arith.addf %add3A_650, %broadcast_in_dim3A_670 : vector<32x1xf32>
    %broadcast_in_dim3A_672 = arith.constant 0.000000e+00 : f32
    %broadcast_in_dim3A_673 = vector.broadcast %broadcast_in_dim3A_672 : f32 to vector<32x1xf32>
    %broadcast_in_dim3A_674 = arith.constant 0.000000e+00 : f32
    %broadcast_in_dim3A_675 = vector.broadcast %broadcast_in_dim3A_674 : f32 to vector<32x1xf32>
    %get3A_676 = arith.constant 0 : index
    %get3A_677 = arith.constant 0 : index
    %get3A_678 = vector.load %arg5[%get3A_676, %get3A_677] : memref<32x32xf32, #tpu.memory_space<vmem>>, vector<32x32xf32>
    %get3A_679 = arith.constant 0 : index
    %get3A_680 = arith.constant 0 : index
    %get3A_681 = arith.constant 0 : index
    %get3A_682 = vector.load %arg2[%get3A_679, %get3A_680, %get3A_681] : memref<4x32x1024xf32, #tpu.memory_space<vmem>>, vector<1x32x1024xf32>
    %get3A_683 = vector.shape_cast %get3A_682 : vector<1x32x1024xf32> to vector<32x1024xf32>
    %dot_general3A_684 = arith.constant dense<0.000000e+00> : vector<32x1024xf32>
    %dot_general3A_685 = tpu.matmul %get3A_678, %get3A_683, %dot_general3A_684 {dimension_numbers = #tpu.dot_dimension_numbers<[1], [0], [0], [1], [0, 0, 1, 1], [], []>, transpose_lhs_hint = false} : vector<32x32xf32>, vector<32x1024xf32>, vector<32x1024xf32> -> vector<32x1024xf32>
    %get3A_686 = arith.constant 0 : index
    %get3A_687 = arith.constant 0 : index
    %get3A_688 = vector.load %arg6[%get3A_686, %get3A_687] : memref<32x1xf32, #tpu.memory_space<vmem>>, vector<32x1xf32>
    %add3A_689 = vector.broadcast %get3A_688 : vector<32x1xf32> to vector<32x1024xf32>
    %add3A_690 = arith.addf %dot_general3A_685, %add3A_689 : vector<32x1024xf32>
    %reduce_sum3A_691 = arith.constant dense<0.000000e+00> : vector<32xf32>
    %reduce_sum3A_692 = vector.multi_reduction <add>, %add3A_690, %reduce_sum3A_691 [1] : vector<32x1024xf32> to vector<32xf32>
    %broadcast_in_dim3A_693 = vector.shape_cast %reduce_sum3A_692 : vector<32xf32> to vector<32x1xf32>
    %add3A_694 = arith.addf %broadcast_in_dim3A_673, %broadcast_in_dim3A_693 : vector<32x1xf32>
    %mul3A_695 = arith.mulf %add3A_690, %add3A_690 : vector<32x1024xf32>
    %reduce_sum3A_696 = arith.constant dense<0.000000e+00> : vector<32xf32>
    %reduce_sum3A_697 = vector.multi_reduction <add>, %mul3A_695, %reduce_sum3A_696 [1] : vector<32x1024xf32> to vector<32xf32>
    %broadcast_in_dim3A_698 = vector.shape_cast %reduce_sum3A_697 : vector<32xf32> to vector<32x1xf32>
    %add3A_699 = arith.addf %broadcast_in_dim3A_675, %broadcast_in_dim3A_698 : vector<32x1xf32>
    %get3A_700 = arith.constant 0 : index
    %get3A_701 = arith.constant 0 : index
    %get3A_702 = vector.load %arg5[%get3A_700, %get3A_701] : memref<32x32xf32, #tpu.memory_space<vmem>>, vector<32x32xf32>
    %get3A_703 = arith.constant 1 : index
    %get3A_704 = arith.constant 0 : index
    %get3A_705 = arith.constant 0 : index
    %get3A_706 = vector.load %arg2[%get3A_703, %get3A_704, %get3A_705] : memref<4x32x1024xf32, #tpu.memory_space<vmem>>, vector<1x32x1024xf32>
    %get3A_707 = vector.shape_cast %get3A_706 : vector<1x32x1024xf32> to vector<32x1024xf32>
    %dot_general3A_708 = arith.constant dense<0.000000e+00> : vector<32x1024xf32>
    %dot_general3A_709 = tpu.matmul %get3A_702, %get3A_707, %dot_general3A_708 {dimension_numbers = #tpu.dot_dimension_numbers<[1], [0], [0], [1], [0, 0, 1, 1], [], []>, transpose_lhs_hint = false} : vector<32x32xf32>, vector<32x1024xf32>, vector<32x1024xf32> -> vector<32x1024xf32>
    %get3A_710 = arith.constant 0 : index
    %get3A_711 = arith.constant 0 : index
    %get3A_712 = vector.load %arg6[%get3A_710, %get3A_711] : memref<32x1xf32, #tpu.memory_space<vmem>>, vector<32x1xf32>
    %add3A_713 = vector.broadcast %get3A_712 : vector<32x1xf32> to vector<32x1024xf32>
    %add3A_714 = arith.addf %dot_general3A_709, %add3A_713 : vector<32x1024xf32>
    %reduce_sum3A_715 = arith.constant dense<0.000000e+00> : vector<32xf32>
    %reduce_sum3A_716 = vector.multi_reduction <add>, %add3A_714, %reduce_sum3A_715 [1] : vector<32x1024xf32> to vector<32xf32>
    %broadcast_in_dim3A_717 = vector.shape_cast %reduce_sum3A_716 : vector<32xf32> to vector<32x1xf32>
    %add3A_718 = arith.addf %add3A_694, %broadcast_in_dim3A_717 : vector<32x1xf32>
    %mul3A_719 = arith.mulf %add3A_714, %add3A_714 : vector<32x1024xf32>
    %reduce_sum3A_720 = arith.constant dense<0.000000e+00> : vector<32xf32>
    %reduce_sum3A_721 = vector.multi_reduction <add>, %mul3A_719, %reduce_sum3A_720 [1] : vector<32x1024xf32> to vector<32xf32>
    %broadcast_in_dim3A_722 = vector.shape_cast %reduce_sum3A_721 : vector<32xf32> to vector<32x1xf32>
    %add3A_723 = arith.addf %add3A_699, %broadcast_in_dim3A_722 : vector<32x1xf32>
    %get3A_724 = arith.constant 0 : index
    %get3A_725 = arith.constant 0 : index
    %get3A_726 = vector.load %arg5[%get3A_724, %get3A_725] : memref<32x32xf32, #tpu.memory_space<vmem>>, vector<32x32xf32>
    %get3A_727 = arith.constant 2 : index
    %get3A_728 = arith.constant 0 : index
    %get3A_729 = arith.constant 0 : index
    %get3A_730 = vector.load %arg2[%get3A_727, %get3A_728, %get3A_729] : memref<4x32x1024xf32, #tpu.memory_space<vmem>>, vector<1x32x1024xf32>
    %get3A_731 = vector.shape_cast %get3A_730 : vector<1x32x1024xf32> to vector<32x1024xf32>
    %dot_general3A_732 = arith.constant dense<0.000000e+00> : vector<32x1024xf32>
    %dot_general3A_733 = tpu.matmul %get3A_726, %get3A_731, %dot_general3A_732 {dimension_numbers = #tpu.dot_dimension_numbers<[1], [0], [0], [1], [0, 0, 1, 1], [], []>, transpose_lhs_hint = false} : vector<32x32xf32>, vector<32x1024xf32>, vector<32x1024xf32> -> vector<32x1024xf32>
    %get3A_734 = arith.constant 0 : index
    %get3A_735 = arith.constant 0 : index
    %get3A_736 = vector.load %arg6[%get3A_734, %get3A_735] : memref<32x1xf32, #tpu.memory_space<vmem>>, vector<32x1xf32>
    %add3A_737 = vector.broadcast %get3A_736 : vector<32x1xf32> to vector<32x1024xf32>
    %add3A_738 = arith.addf %dot_general3A_733, %add3A_737 : vector<32x1024xf32>
    %reduce_sum3A_739 = arith.constant dense<0.000000e+00> : vector<32xf32>
    %reduce_sum3A_740 = vector.multi_reduction <add>, %add3A_738, %reduce_sum3A_739 [1] : vector<32x1024xf32> to vector<32xf32>
    %broadcast_in_dim3A_741 = vector.shape_cast %reduce_sum3A_740 : vector<32xf32> to vector<32x1xf32>
    %add3A_742 = arith.addf %add3A_718, %broadcast_in_dim3A_741 : vector<32x1xf32>
    %mul3A_743 = arith.mulf %add3A_738, %add3A_738 : vector<32x1024xf32>
    %reduce_sum3A_744 = arith.constant dense<0.000000e+00> : vector<32xf32>
    %reduce_sum3A_745 = vector.multi_reduction <add>, %mul3A_743, %reduce_sum3A_744 [1] : vector<32x1024xf32> to vector<32xf32>
    %broadcast_in_dim3A_746 = vector.shape_cast %reduce_sum3A_745 : vector<32xf32> to vector<32x1xf32>
    %add3A_747 = arith.addf %add3A_723, %broadcast_in_dim3A_746 : vector<32x1xf32>
    %get3A_748 = arith.constant 0 : index
    %get3A_749 = arith.constant 0 : index
    %get3A_750 = vector.load %arg5[%get3A_748, %get3A_749] : memref<32x32xf32, #tpu.memory_space<vmem>>, vector<32x32xf32>
    %get3A_751 = arith.constant 3 : index
    %get3A_752 = arith.constant 0 : index
    %get3A_753 = arith.constant 0 : index
    %get3A_754 = vector.load %arg2[%get3A_751, %get3A_752, %get3A_753] : memref<4x32x1024xf32, #tpu.memory_space<vmem>>, vector<1x32x1024xf32>
    %get3A_755 = vector.shape_cast %get3A_754 : vector<1x32x1024xf32> to vector<32x1024xf32>
    %dot_general3A_756 = arith.constant dense<0.000000e+00> : vector<32x1024xf32>
    %dot_general3A_757 = tpu.matmul %get3A_750, %get3A_755, %dot_general3A_756 {dimension_numbers = #tpu.dot_dimension_numbers<[1], [0], [0], [1], [0, 0, 1, 1], [], []>, transpose_lhs_hint = false} : vector<32x32xf32>, vector<32x1024xf32>, vector<32x1024xf32> -> vector<32x1024xf32>
    %get3A_758 = arith.constant 0 : index
    %get3A_759 = arith.constant 0 : index
    %get3A_760 = vector.load %arg6[%get3A_758, %get3A_759] : memref<32x1xf32, #tpu.memory_space<vmem>>, vector<32x1xf32>
    %add3A_761 = vector.broadcast %get3A_760 : vector<32x1xf32> to vector<32x1024xf32>
    %add3A_762 = arith.addf %dot_general3A_757, %add3A_761 : vector<32x1024xf32>
    %reduce_sum3A_763 = arith.constant dense<0.000000e+00> : vector<32xf32>
    %reduce_sum3A_764 = vector.multi_reduction <add>, %add3A_762, %reduce_sum3A_763 [1] : vector<32x1024xf32> to vector<32xf32>
    %broadcast_in_dim3A_765 = vector.shape_cast %reduce_sum3A_764 : vector<32xf32> to vector<32x1xf32>
    %add3A_766 = arith.addf %add3A_742, %broadcast_in_dim3A_765 : vector<32x1xf32>
    %mul3A_767 = arith.mulf %add3A_762, %add3A_762 : vector<32x1024xf32>
    %reduce_sum3A_768 = arith.constant dense<0.000000e+00> : vector<32xf32>
    %reduce_sum3A_769 = vector.multi_reduction <add>, %mul3A_767, %reduce_sum3A_768 [1] : vector<32x1024xf32> to vector<32xf32>
    %broadcast_in_dim3A_770 = vector.shape_cast %reduce_sum3A_769 : vector<32xf32> to vector<32x1xf32>
    %add3A_771 = arith.addf %add3A_747, %broadcast_in_dim3A_770 : vector<32x1xf32>
    %convert_element_type3A = arith.extui %eq3A_0 : i1 to i32
    %cond3A = arith.constant 0 : i32
    %cond3A_772 = arith.cmpi ne, %convert_element_type3A, %cond3A : i32
    scf.if %cond3A_772 {
      %broadcast_in_dim3A_787 = arith.constant 0.000000e+00 : f32
      %broadcast_in_dim3A_788 = vector.broadcast %broadcast_in_dim3A_787 : f32 to vector<32x2xf32>
      %swap3A_789 = arith.constant 0 : index
      %swap3A_790 = arith.constant 0 : index
      %swap3A_791 = vector.load %arg7[%swap3A_789, %swap3A_790] : memref<32x2xf32, #tpu.memory_space<vmem>>, vector<32x2xf32>
      tpu.vector_store %arg7[%swap3A_789, %swap3A_790], %broadcast_in_dim3A_788 {strides = array<i32>} : memref<32x2xf32, #tpu.memory_space<vmem>>, vector<32x2xf32>,
      %broadcast_in_dim3A_792 = arith.constant 0.000000e+00 : f32
      %broadcast_in_dim3A_793 = vector.broadcast %broadcast_in_dim3A_792 : f32 to vector<32x2xf32>
      %swap3A_794 = arith.constant 0 : index
      %swap3A_795 = arith.constant 0 : index
      %swap3A_796 = vector.load %arg8[%swap3A_794, %swap3A_795] : memref<32x2xf32, #tpu.memory_space<vmem>>, vector<32x2xf32>
      tpu.vector_store %arg8[%swap3A_794, %swap3A_795], %broadcast_in_dim3A_793 {strides = array<i32>} : memref<32x2xf32, #tpu.memory_space<vmem>>, vector<32x2xf32>,
    } else {
    }
    %get3A_773 = arith.constant 0 : index
    %get3A_774 = arith.constant 0 : index
    %get3A_775 = vector.load %arg7[%get3A_773, %get3A_774] : memref<32x2xf32, #tpu.memory_space<vmem>>, vector<32x2xf32>
    %concatenate3A = tpu.concatenate %add3A_666, %add3A_671 in 1 : vector<32x1xf32>, vector<32x1xf32> -> vector<32x2xf32>
    %add3A_776 = arith.addf %get3A_775, %concatenate3A : vector<32x2xf32>
    %swap3A = arith.constant 0 : index
    %swap3A_777 = arith.constant 0 : index
    %swap3A_778 = vector.load %arg7[%swap3A, %swap3A_777] : memref<32x2xf32, #tpu.memory_space<vmem>>, vector<32x2xf32>
    tpu.vector_store %arg7[%swap3A, %swap3A_777], %add3A_776 {strides = array<i32>} : memref<32x2xf32, #tpu.memory_space<vmem>>, vector<32x2xf32>,
    %get3A_779 = arith.constant 0 : index
    %get3A_780 = arith.constant 0 : index
    %get3A_781 = vector.load %arg8[%get3A_779, %get3A_780] : memref<32x2xf32, #tpu.memory_space<vmem>>, vector<32x2xf32>
    %concatenate3A_782 = tpu.concatenate %add3A_766, %add3A_771 in 1 : vector<32x1xf32>, vector<32x1xf32> -> vector<32x2xf32>
    %add3A_783 = arith.addf %get3A_781, %concatenate3A_782 : vector<32x2xf32>
    %swap3A_784 = arith.constant 0 : index
    %swap3A_785 = arith.constant 0 : index
    %swap3A_786 = vector.load %arg8[%swap3A_784, %swap3A_785] : memref<32x2xf32, #tpu.memory_space<vmem>>, vector<32x2xf32>
    tpu.vector_store %arg8[%swap3A_784, %swap3A_785], %add3A_783 {strides = array<i32>} : memref<32x2xf32, #tpu.memory_space<vmem>>, vector<32x2xf32>,
    return
  }
  func.func @transform_0(%arg0: i32) -> (i32, i32) {
    %c0_i32 = arith.constant 0 : i32
    %c0_i32_0 = arith.constant 0 : i32
    return %arg0, %c0_i32 : i32, i32
  }
  func.func @transform_1(%arg0: i32) -> (i32, i32, i32) {
    %c0_i32 = arith.constant 0 : i32
    %c0_i32_0 = arith.constant 0 : i32
    %c0_i32_1 = arith.constant 0 : i32
    return %c0_i32, %c0_i32_0, %arg0 : i32, i32, i32
  }
  func.func @transform_2(%arg0: i32) -> (i32, i32) {
    %c0_i32 = arith.constant 0 : i32
    %c0_i32_0 = arith.constant 0 : i32
    %c0_i32_1 = arith.constant 0 : i32
    return %c0_i32, %c0_i32_0 : i32, i32
  }
  func.func @transform_3(%arg0: i32) -> (i32, i32) {
    %c0_i32 = arith.constant 0 : i32
    %c0_i32_0 = arith.constant 0 : i32
    %c0_i32_1 = arith.constant 0 : i32
    return %c0_i32, %c0_i32_0 : i32, i32
  }
  func.func @transform_4(%arg0: i32) -> (i32, i32) {
    %c0_i32 = arith.constant 0 : i32
    %c0_i32_0 = arith.constant 0 : i32
    %c0_i32_1 = arith.constant 0 : i32
    return %c0_i32, %c0_i32_0 : i32, i32
  }
  func.func @transform_5(%arg0: i32) -> (i32, i32) {
    %c0_i32 = arith.constant 0 : i32
    %c0_i32_0 = arith.constant 0 : i32
    %c0_i32_1 = arith.constant 0 : i32
    return %c0_i32, %c0_i32_0 : i32, i32
  }
  func.func @transform_6(%arg0: i32) -> (i32, i32) {
    %c0_i32 = arith.constant 0 : i32
    %c0_i32_0 = arith.constant 0 : i32
    %c0_i32_1 = arith.constant 0 : i32
    return %c0_i32, %c0_i32_0 : i32, i32
  }
  func.func @transform_7(%arg0: i32) -> (i32, i32) {
    %c0_i32 = arith.constant 0 : i32
    %c0_i32_0 = arith.constant 0 : i32
    %c0_i32_1 = arith.constant 0 : i32
    return %c0_i32, %c0_i32_0 : i32, i32
  }
}

</mosaic_0001>

<sc_bundles>
// kernel: kernel.5.cloned.1.call-start
scs
__scs_entry_jumppad:
0x0: {  	(pc) =	sbr.rel $0x88, $3  }
0x1: {  	(tag) =	ssettag $0x0;
	lr =	simm.s32 $0x1  }
0x2: {  	[smem:$0x3F95] =	sst lr;
	_ =	strace $0xD0000000  }
0x3: {  	_ = 	snop  }
0x4: {  	_ = 	snop  }
0x5: {  	_ = 	snop  }
0x6: {  	_ = 	snop  }
0x7: {  	_ = 	snop  }
__scs_overlays_trampoline_lowered:
0x8: {  	[smem:$0x3FA4] =	sst s0  }
0x9: {  	[smem:$0x3FA5] =	sst s1  }
0xa: {  	[smem:$0x3FA6] =	sst s2  }
0xb: {  	[smem:$0x3FA7] =	sst s3  }
0xc: {  	[smem:$0x3FA8] =	sst s4  }
0xd: {  	[smem:$0x3FA9] =	sst s5  }
0xe: {  	[smem:$0x3FAA] =	sst s6  }
0xf: {  	[smem:$0x3FAB] =	sst s7  }
0x10: {  	[smem:$0x3FAC] =	sst s8  }
0x11: {  	[smem:$0x3FAD] =	sst s9;
	s0 =	simm.s32 @!p0 $0x0  }
0x12: {  	s1 =	sld [smem:$0x3F93];
	s0 =	simm.s32 @p0 $0x1  }
0x13: {  	[smem:$0x3FAE] =	sst s0;
	s0 =	simm.s32 @!p1 $0x0  }
0x14: {  	s2 =	sld [smem:$0x3F92];
	s0 =	simm.s32 @p1 $0x1  }
0x15: {  	[smem:$0x3FAF] =	sst s0;
	s0 =	simm.s32 @!p2 $0x0  }
0x16: {  	s3 =	sld [smem:$0x3FDB];
	s0 =	simm.s32 @p2 $0x1  }
0x17: {  	s4 =	simm.s32 $0x1BF5;
	[smem:$0x3FB1] =	sst s0  }
0x18: {  	s0 =	sld [smem:$0x3F94];
	_ =	swait.ge [sflag:s4], $0x0  }
0x19: {  	s7 =	sld [smem:$0x3F95]  }
0x1a: {  	s8 =	sadd.s32 $0xFFFFE003, lr  }
0x1b: {  	s9 =	sadd.s32 $0xFFFFFEF7, lr;
	s5 =	simm.s32 $0xFFFFFFFF;
	p2 =	slt.u32 s8, $0xFFFFF086  }
0x1c: {  	p1 =	slt.u32 s9, $0xF7A;
	s5 =	simm.s32 @!p2 $0x0  }
0x1d: {  	s5 =	simm.s32 @p1 $0x1;
	p0 =	seq.s32 s7, s2  }
0x1e: {  	s7 =	smul.u32 @!p0 $0xF7A, s2;
	p2 =	seq.s32 @!p0 s5, $0x0  }
0x1f: {  	s9 =	smul.u32 $0xF7A, s1;
	s8 =	simm.s32 @!p0 $0x1BF5;
	p2 =	por !p2, p0  }
0x20: {  	[sflag:s8] =	ssyncset.s32 @!p0 $0xFFFFF086;
	s6 =	sadd.s32 @!p0 s3, s7;
	s7 =	simm.s32 @!p0 $0x108  }
0x21: {  	s3 =	sadd.s32 s3, s9;
	s6 =	sadd.s32 @!p0 $0x88, s6;
	s7 =	simm.s32 @p2 $0x1082  }
0x22: {  	[simem:s7], [sflag:s8] =	dma.local @!p0 [hbm:s6], $0xF7A  }
0x23: {  	s9 =	sor.u32 $0xD0000000, s2;
	s6 =	simm.s32 $0x108;
	_ =	swait.ge @!p0 [sflag:s8], $0x0  }
0x24: {  	s3 =	sadd.s32 $0x88, s3;
	s6 =	simm.s32 @!p1 $0x1082;
	[sflag:s4] =	ssyncset.s32 $0xFFFFF086  }
0x25: {  	[simem:s6], [sflag:s4] =	dma.local [hbm:s3], $0xF7A  }
0x26: {  	[smem:$0x3F95] =	sst s1;
	(tag) =	ssettag s2;
	_ =	strace s9  }
0x27: {  	s1 =	sld [smem:$0x3FA5]  }
0x28: {  	s2 =	sld [smem:$0x3FA6]  }
0x29: {  	s4 =	sld [smem:$0x3FA8]  }
0x2a: {  	p0 =	seq.s32 s5, $0x0;
	s5 =	sld [smem:$0x3FA9]  }
0x2b: {  	s6 =	sld [smem:$0x3FAA]  }
0x2c: {  	s7 =	sld [smem:$0x3FAB]  }
0x2d: {  	s3 =	simm.s32 $0x108;
	s8 =	sld [smem:$0x3FAC]  }
0x2e: {  	s3 =	simm.s32 @!p0 $0x1082;
	s9 =	sld [smem:$0x3FAD]  }
0x2f: {  	lr =	sadd.s32 s0, s3;
	s0 =	sld [smem:$0x3FA4]  }
0x30: {  	s3 =	sld [smem:$0x3FA7]  }
0x31: {  	[smem:$0x3FB0] =	sst s10  }
0x32: {  	s10 =	sld [smem:$0x3FAE];
	_ =	sdelay $0x3  }
0x33: {  	p0 =	seq.s32 s10, $0x1;
	s10 =	sld [smem:$0x3FB0];
	_ =	sdelay $0x3  }
0x34: {  	[smem:$0x3FB0] =	sst s10  }
0x35: {  	s10 =	sld [smem:$0x3FAF];
	_ =	sdelay $0x3  }
0x36: {  	p1 =	seq.s32 s10, $0x1;
	s10 =	sld [smem:$0x3FB0];
	_ =	sdelay $0x3  }
0x37: {  	[smem:$0x3FB0] =	sst s10  }
0x38: {  	s10 =	sld [smem:$0x3FB1]  }
0x39: {  	_ = 	snop;
	(pc) =	sbr.ind lr, $3  }
0x3a: {  	_ = 	snop  }
0x3b: {  	_ = 	snop  }
0x3c: {  	p2 =	seq.s32 s10, $0x1;
	s10 =	sld [smem:$0x3FB0]  }
0x3d: {  	_ =	shalt  }
0x3e: {  	_ =	shalt  }
0x3f: {  	_ =	shalt  }
0x40: {  	_ =	shalt  }
0x41: {  	_ =	shalt  }
0x42: {  	_ =	shalt  }
0x43: {  	_ =	shalt  }
0x44: {  	_ =	shalt  }
0x45: {  	_ =	shalt  }
0x46: {  	_ =	shalt  }
0x47: {  	_ =	shalt  }
0x48: {  	_ =	shalt  }
0x49: {  	_ =	shalt  }
0x4a: {  	_ =	shalt  }
0x4b: {  	_ =	shalt  }
0x4c: {  	_ =	shalt  }
0x4d: {  	_ =	shalt  }
0x4e: {  	_ =	shalt  }
0x4f: {  	_ =	shalt  }
0x50: {  	_ =	shalt  }
0x51: {  	_ =	shalt  }
0x52: {  	_ =	shalt  }
0x53: {  	_ =	shalt  }
0x54: {  	_ =	shalt  }
0x55: {  	_ =	shalt  }
0x56: {  	_ =	shalt  }
0x57: {  	_ =	shalt  }
0x58: {  	_ =	shalt  }
0x59: {  	_ =	shalt  }
0x5a: {  	_ =	shalt  }
0x5b: {  	_ =	shalt  }
0x5c: {  	_ =	shalt  }
0x5d: {  	_ =	shalt  }
0x5e: {  	_ =	shalt  }
0x5f: {  	_ =	shalt  }
0x60: {  	_ =	shalt  }
0x61: {  	_ =	shalt  }
0x62: {  	_ =	shalt  }
0x63: {  	_ =	shalt  }
0x64: {  	_ =	shalt  }
0x65: {  	_ =	shalt  }
0x66: {  	_ =	shalt  }
0x67: {  	_ =	shalt  }
0x68: {  	_ =	shalt  }
0x69: {  	_ =	shalt  }
0x6a: {  	_ =	shalt  }
0x6b: {  	_ =	shalt  }
0x6c: {  	_ =	shalt  }
0x6d: {  	_ =	shalt  }
0x6e: {  	_ =	shalt  }
0x6f: {  	_ =	shalt  }
0x70: {  	_ =	shalt  }
0x71: {  	_ =	shalt  }
0x72: {  	_ =	shalt  }
0x73: {  	_ =	shalt  }
0x74: {  	_ =	shalt  }
0x75: {  	_ =	shalt  }
0x76: {  	_ =	shalt  }
0x77: {  	_ =	shalt  }
0x78: {  	_ =	shalt  }
0x79: {  	_ =	shalt  }
0x7a: {  	_ =	shalt  }
0x7b: {  	_ =	shalt  }
0x7c: {  	_ =	shalt  }
0x7d: {  	_ =	shalt  }
0x7e: {  	_ =	shalt  }
0x7f: {  	_ =	shalt  }
0x80: {  	_ =	shalt  }
0x81: {  	_ =	shalt  }
0x82: {  	_ =	shalt  }
0x83: {  	_ =	shalt  }
0x84: {  	_ =	shalt  }
0x85: {  	_ =	shalt  }
0x86: {  	_ =	shalt  }
0x87: {  	_ =	shalt  }
.Lfunc_end0:
.L_simem_size_0:
called_computation_lowered:
.L_overlay_start_0:
0x88: {  	s2 =	sld [smem:$0x3FD9]  }
0x89: {  	s3 =	sld [smem:$0x3FFE];
	_ =	sdelay $0x1  }
0x8a: {  	s1 =	srdreg.scid  }
0x8b: {  	s0 =	sand.u32 $0x1, s1  }
0x8c: {  	s17 =	sshll.u32 s0, $0xA;
	s2 =	sadd.s32 s3, s2  }
0x8d: {  	s2 =	sadd.s32 s2, s17  }
0x8e: {  	[smem:$0x3FBC] =	sst s2  }
0x8f: {  	_ = 	snop  }
0x90: {  	s2 =	sld [smem:$0x3FC6]  }
0x91: {  	s18 =	sld [smem:$0x3FD0];
	(tm) =	ssettm $0x1  }
0x92: {  	s4 =	sld [smem:$0x3FFB];
	_ =	sdelay $0x3  }
0x93: {  	_ =	strace s4  }
0x94: {  	s4 =	sld [smem:$0x3FFC];
	_ =	sdelay $0x3  }
0x95: {  	_ =	strace s4  }
0x96: {  	s4 =	sld [smem:$0x3FFD];
	_ =	sdelay $0x3  }
0x97: {  	_ =	strace s4  }
0x98: {  	_ =	strace $0x8FFFFFFF  }
0x99: {  	s19 =	sld [smem:$0x3FDB];
	_ =	sdelay $0x1  }
0x9a: {  	s5 =	simm.s32 $_scs_section_size  }
0x9b: {  	s6 =	simm.s32 $_size__tile_overlayer_lowered;
	s7 =	simm.s32 $_tile_overlayer_lowered  }
0x9c: {  	s22 =	simm.s32 $0x1BFF;
	s21 =	sshll.u32 s7, $0x1;
	s4 =	sadd.s32 s5, s19  }
0x9d: {  	s8 =	simm.s32 $0x0;
	s20 =	sshll.u32 s6, $0x1;
	s6 =	sadd.s32 s21, s4  }
0x9e: {  	[timem:s8], [sflag:s22] =	dma.local [hbm:s6], s20  }
0x9f: {  	_ =	swait.ge [sflag:s22], s20  }
0xa0: {  	s5 =	ssub.s32 $0x0, s20;
	[sflag:s22] =	ssyncset.done $0x0  }
0xa1: {  	[sflag:s22] =	ssyncadd.s32 s5;
	_ =	sdelay $0x1  }
0xa2: {  	s23 =	simm.s32 $0x1B8B  }
0xa3: {  	_ =	swait.ge [sflag:s23], $0x1  }
0xa4: {  	[sflag:s23] =	ssyncset.done $0x0  }
0xa5: {  	s25 =	simm.s32 $0x1B8E;
	s24 =	sld [smem:$0x3FFE];
	[sflag:s23] =	ssyncadd.s32 $0xFFFFFFFF  }
0xa6: {  	s26 =	simm.s32 $execute0_lowered;
	[smem:$0x3FD2] =	sst s25  }
0xa7: {  	s6 =	sshll.u32 s26, $0x1;
	_ =	strace $0x80000046;
	[dreg:$0x1] =	wrdreg $0xFFFFFFFF  }
0xa8: {  	s28 =	simm.s32 $_size_execute0_lowered;
	s4 =	sadd.s32 s4, s6;
	[dreg:$0x0] =	wrdreg $0x0  }
0xa9: {  	s6 =	sshll.u32 s28, $0x1;
	[dreg:$0x2] =	wrdreg s4  }
0xaa: {  	[dreg:$0x3] =	wrdreg s6  }
0xab: {  	[dreg:$0x4] =	wrdreg $0xC0  }
0xac: {  	_ =	task [dreg:s8], $0x5FFFF  }
0xad: {  	[dreg:$0x1] =	wrdreg $0xFFFFFFFF  }
0xae: {  	[dreg:$0x0] =	wrdreg $0x60  }
0xaf: {  	[dreg:$0x2] =	wrdreg s18  }
0xb0: {  	[dreg:$0x3] =	wrdreg s2  }
0xb1: {  	[dreg:$0x4] =	wrdreg s24  }
0xb2: {  	[dreg:$0x5] =	wrdreg $0x9  }
0xb3: {  	_ =	task.clear_ibuf [dreg:s8], $0x6FFFF;
	_ =	strace $0x90000046  }
0xb4: {  	s29 =	simm.s32 $0x9;
	_ =	strace $0x80000048  }
0xb5: {  	_ =	swait.ge [sflag:s29], $0x1  }
0xb6: {  	[sflag:s29] =	ssyncadd.s32 $0xFFFFFFFF  }
0xb7: {  	_ =	strace $0x90000048  }
0xb8: {  	_ =	sfence  }
0xb9: {  	s30 =	sld [smem:$0x0];
	_ =	sdelay $0x2  }
0xba: {  	s31 =	sshll.u32 s1, $0xD;
	s1 =	sshrl.u32 s1, $0x2  }
0xbb: {  	s3 =	sand.u32 $0x4000, s31;
	s1 =	sadd.s32 s1, s30  }
0xbc: {  	s0 =	sor.u32 s3, s0;
	s1 =	sshll.u32 s1, $0x11  }
0xbd: {  	s0 =	sor.u32 s1, s0  }
0xbe: {  	s0 =	sadd.s32 $0x8F2B, s0  }
0xbf: {  	[sflag:s0] =	ssyncadd.remote.s32 $0x1  }
0xc0: {  	_ =	sfence.sel $0xFFFF  }
0xc1: {  	[dreg:$0x0] =	wrdreg $0xFFFFFFFF;
	(pc) =	sbr.abs _section_cstart, $3  }
0xc2: {  	[dreg:$0x1] =	wrdreg $0xFFFFFFFF  }
0xc3: {  	_ =	task.clear_ibuf [dreg:s8], $0x2FFFF;
	_ =	strace $0x9FFFFFFF  }
0xc4: {  	(tm) =	ssettm $0x7FFFFFFF  }
0xc5: {  	_ =	shalt  }
tec
execute0_lowered:
.L_overlay_start_1:
0x0: {  	(tag) =	ssettag $0x1  }
0x1: {  	s0 =	rddreg [dreg:$0x0]  }
0x2: {  	s1 =	rddreg [dreg:$0x1]  }
0x3: {  	s3 =	rddreg [dreg:$0x2];
	s2 =	simm.s32 $0x0;
	s6 =	stileid.u32  }
0x4: {  	s4 =	srdreg.scid;
	s13 =	simm.s32 $0x1000;
	s14 =	simm.s32 $0x2000  }
0x5: {  	s16 =	simm.s32 $0x5000;
	s17 =	simm.s32 $0x7000;
	s18 =	simm.s32 $0x1  }
0x6: {  	s19 =	simm.s32 $0x9000;
	s20 =	simm.s32 $0xB000;
	s21 =	simm.s32 $0xD000  }
0x7: {  	s22 =	simm.s32 $0xF000;
	s23 =	simm.s32 $0x2;
	s24 =	simm.s32 $0x11200  }
0x8: {  	s25 =	simm.s32 $0x0;
	[smem:$0x7FF] =	sst s2;
	s5 =	sshll.u32 s6, $0x1  }
0x9: {  	s6 =	sshrl.u32 s6, $0x2;
	s4 =	sand.u32 $0x1, s4;
	_ =	strace $0x80000047  }
0xa: {  	s5 =	sand.u32 $0x6, s5;
	s7 =	sshll.u32 s6, $0xA;
	s8 =	ssub.s32 $0x2, s4  }
0xb: {  	s9 =	sshll.u32 s6, $0x4;
	s31 =	sshll.u32 s6, $0x10;
	s4 =	sor.u32 s4, s5  }
0xc: {  	s29 =	sshrl.u32 s8, $0x1;
	s11 =	sadd.s32 s7, s3;
	s7 =	sadd.s32 s0, s31  }
0xd: {  	v0 =	vlaneseq.u32;
	s10 =	sshll.u32 s4, $0xB;
	s12 =	ssub.s32 s8, s29;
	s3 =	sshll.u32 s4, $0x5  }
0xe: {  	v0 =	vmul.u32 $0x88, v0;
	s8 =	sadd.s32 $0x2800, s11;
	s11 =	simm.s32 $0x200;
	s30 =	sor.u32 s9, s10  }
0xf: {  	s9 =	smax.u32 s12, $0x1;
	s10 =	simm.s32 $0x80;
	s4 =	sadd.s32 s1, s30  }
0x10: {  	v1 =	vadd.s32 $0x880, v0;
	v2 =	vadd.s32 $0x1100, v0;
	v3 =	vadd.s32 $0x1980, v0;
	s12 =	simm.s32 $0x3;
	s5 =	sadd.s32 $0x4000, s4;
	s6 =	sadd.s32 $0x8000, s4  }
.LBB2_1:
0x11: {  	[tilespmem:s2], [sflag:$0x3] =	stream.strided.gather [hbm4b:s4+s10], $0x1000, s11, s10, $0x38;
	[tilespmem:$0x13400] =	vst v63  }
0x12: {  	_ =	swait.ge [sflag:s12], $0x1000  }
0x13: {  	[sflag:s12] =	ssyncset.done $0x0  }
0x14: {  	[sflag:s12] =	ssyncadd.s32 $0xFFFFF000  }
0x15: {  	[tilespmem:s13], [sflag:$0x3] =	stream.strided.gather [hbm4b:s5+s10], $0x1000, s11, s10, $0x38;
	[tilespmem:$0x13400] =	vst v63  }
0x16: {  	_ =	swait.ge [sflag:s12], $0x1000  }
0x17: {  	[sflag:s12] =	ssyncset.done $0x0  }
0x18: {  	[sflag:s12] =	ssyncadd.s32 $0xFFFFF000  }
0x19: {  	[tilespmem:s14], [sflag:$0x3] =	stream.strided.gather [hbm4b:s6+s10], $0x1000, s11, s10, $0x38;
	[tilespmem:$0x13400] =	vst v63  }
0x1a: {  	_ =	swait.ge [sflag:s12], $0x1000  }
0x1b: {  	[sflag:s12] =	ssyncset.done $0x0  }
0x1c: {  	s0 =	simm.s32 $0x3000;
	[sflag:s12] =	ssyncadd.s32 $0xFFFFF000  }
0x1d: {  	[tilespmem:s0], [sflag:$0x1] =	stream.indirect.gather [hbm4b:s7+s10], $0x40, s2, s10, $0xb8;
	[tilespmem:$0x13400] =	vst v63  }
0x1e: {  	_ = 	snop  }
0x1f: {  	[tilespmem:s16], [sflag:$0x1] =	stream.indirect.gather [hbm4b:s7+s10], $0x40, s13, s10, $0xb8;
	[tilespmem:$0x13400] =	vst v63  }
0x20: {  	s26 =	simm.s32 $0x0  }
0x21: {  	[tilespmem:s17], [sflag:$0x1] =	stream.indirect.gather [hbm4b:s7+s10], $0x40, s14, s10, $0xb8;
	[tilespmem:$0x13400] =	vst v63  }
.LBB2_2:
0x22: {  	_ =	swait.ge [sflag:s18], $0x2000  }
0x23: {  	[sflag:s18] =	ssyncset.done $0x0  }
0x24: {  	[sflag:s18] =	ssyncadd.s32 $0xFFFFE000  }
0x25: {  	_ =	swait.ge [sflag:s18], $0x2000  }
0x26: {  	[sflag:s18] =	ssyncset.done $0x0  }
0x27: {  	[sflag:s18] =	ssyncadd.s32 $0xFFFFE000  }
0x28: {  	s28 =	sshllo.u32 s26, $0x1;
	s1 =	sshll.u32 s26, $0x8;
	_ =	swait.ge [sflag:s18], $0x2000  }
0x29: {  	s0 =	sshll.u32 s28, $0x7;
	s29 =	sand.u32 $0x3FFFFF00, s1;
	[sflag:s18] =	ssyncset.done $0x0  }
0x2a: {  	s0 =	sand.u32 $0x3FFFFF80, s0;
	[sflag:s18] =	ssyncadd.s32 $0xFFFFE000  }
0x2b: {  	[tilespmem:s19], [sflag:$0x2] =	stream.indirect.gather [hbm4b:s7+s10], $0x40, s0, s10, $0xb8;
	[tilespmem:$0x13400] =	vst v63  }
0x2c: {  	s0 =	sadd.s32 $0x1080, s29  }
0x2d: {  	[tilespmem:s20], [sflag:$0x2] =	stream.indirect.gather [hbm4b:s7+s10], $0x40, s0, s10, $0xb8;
	[tilespmem:$0x13400] =	vst v63  }
0x2e: {  	s30 =	simm.s32 $0x3000;
	s15 =	sadd.s32 $0x2080, s29  }
0x2f: {  	[tilespmem:s21], [sflag:$0x2] =	stream.indirect.gather [hbm4b:s7+s10], $0x40, s15, s10, $0xb8;
	[tilespmem:$0x13400] =	vst v63  }
0x30: {  	s1 =	simm.s32 $0x0;
	v4 =	vld [tilespmem:s30+$0x0]  }
0x31: {  	v5 =	vmov s1;
	v6 =	vld [tilespmem:s30+$0x2000]  }
0x32: {  	v5 =	vand.u32 $0x7E, v5;
	v7 =	vld [tilespmem:s30+$0x4000]  }
0x33: {  	v8 =	vadd.s32 v0, v5;
	_ =	sdelay $0x2  }
0x34: {  	v4 =	vmax.f32 v4, v6  }
0x35: {  	v4 =	vmax.f32 v4, v7  }
0x36: {  	[tilespmem:v8+s22+$0x0] =	vst.idx.msk $0xffff, v4  }
0x37: {  	v4 =	vld [tilespmem:s30+$0x10]  }
0x38: {  	v6 =	vld [tilespmem:s30+$0x2010]  }
0x39: {  	v7 =	vld [tilespmem:s30+$0x4010]  }
0x3a: {  	v8 =	vadd.s32 v1, v5;
	_ =	sdelay $0x2  }
0x3b: {  	v4 =	vmax.f32 v4, v6  }
0x3c: {  	v4 =	vmax.f32 v4, v7  }
0x3d: {  	[tilespmem:v8+s22+$0x0] =	vst.idx.msk $0xffff, v4  }
0x3e: {  	v4 =	vld [tilespmem:s30+$0x20]  }
0x3f: {  	v6 =	vld [tilespmem:s30+$0x2020]  }
0x40: {  	v7 =	vld [tilespmem:s30+$0x4020]  }
0x41: {  	v8 =	vadd.s32 v2, v5;
	_ =	sdelay $0x2  }
0x42: {  	v4 =	vmax.f32 v4, v6  }
0x43: {  	v4 =	vmax.f32 v4, v7  }
0x44: {  	[tilespmem:v8+s22+$0x0] =	vst.idx.msk $0xffff, v4  }
0x45: {  	v4 =	vld [tilespmem:s30+$0x30]  }
0x46: {  	v6 =	vld [tilespmem:s30+$0x2030]  }
0x47: {  	v7 =	vld [tilespmem:s30+$0x4030]  }
0x48: {  	v5 =	vadd.s32 v3, v5;
	_ =	sdelay $0x2  }
0x49: {  	v4 =	vmax.f32 v4, v6  }
0x4a: {  	v4 =	vmax.f32 v4, v7  }
0x4b: {  	[tilespmem:v5+s22+$0x0] =	vst.idx.msk $0xffff, v4  }
0x4c: {  	s15 =	simm.s32 $0x1;
	v5 =	vld [tilespmem:s30+$0x40]  }
0x4d: {  	v4 =	vmov s15;
	v6 =	vld [tilespmem:s30+$0x2040]  }
0x4e: {  	v7 =	vld [tilespmem:s30+$0x4040];
	v4 =	vand.u32 $0x7F, v4  }
0x4f: {  	v8 =	vadd.s32 v0, v4;
	_ =	sdelay $0x2  }
0x50: {  	v5 =	vmax.f32 v5, v6  }
0x51: {  	v5 =	vmax.f32 v5, v7  }
0x52: {  	[tilespmem:v8+s22+$0x0] =	vst.idx.msk $0xffff, v5  }
0x53: {  	v5 =	vld [tilespmem:s30+$0x50]  }
0x54: {  	v6 =	vld [tilespmem:s30+$0x2050]  }
0x55: {  	v7 =	vld [tilespmem:s30+$0x4050]  }
0x56: {  	v8 =	vadd.s32 v1, v4;
	_ =	sdelay $0x2  }
0x57: {  	v5 =	vmax.f32 v5, v6  }
0x58: {  	v5 =	vmax.f32 v5, v7  }
0x59: {  	[tilespmem:v8+s22+$0x0] =	vst.idx.msk $0xffff, v5  }
0x5a: {  	v5 =	vld [tilespmem:s30+$0x60]  }
0x5b: {  	v6 =	vld [tilespmem:s30+$0x2060]  }
0x5c: {  	v7 =	vld [tilespmem:s30+$0x4060]  }
0x5d: {  	s31 =	sshll.u32 s26, $0x1;
	s1 =	simm.s32 $0x2;
	s0 =	simm.s32 $0x3000;
	v8 =	vadd.s32 v2, v4  }
.LBB2_3:
0x5e: {  	p0 =	slt.u32 s1, $0x7E  }
0x5f: {  	s30 =	sadd.s32 $0x80, s30;
	s15 =	smov.u32 s1;
	s1 =	sadd.s32 $0x2, s1  }
0x60: {  	v5 =	vmax.f32 v5, v6  }
0x61: {  	v5 =	vmax.f32 v5, v7  }
0x62: {  	v4 =	vadd.s32 v3, v4;
	[tilespmem:v8+s22+$0x0] =	vst.idx.msk $0xffff, v5  }
0x63: {  	v5 =	vld [tilespmem:s0+$0x70]  }
0x64: {  	v6 =	vld [tilespmem:s0+$0x2070]  }
0x65: {  	v7 =	vld [tilespmem:s0+$0x4070];
	s0 =	smov.u32 s30;
	_ =	sdelay $0x3  }
0x66: {  	v5 =	vmax.f32 v5, v6  }
0x67: {  	v5 =	vmax.f32 v5, v7  }
0x68: {  	[tilespmem:v4+s22+$0x0] =	vst.idx.msk $0xffff, v5  }
0x69: {  	v4 =	vld [tilespmem:s30+$0x0]  }
0x6a: {  	v5 =	vmov s15;
	v6 =	vld [tilespmem:s30+$0x2000]  }
0x6b: {  	v5 =	vand.u32 $0x7E, v5;
	v7 =	vld [tilespmem:s30+$0x4000]  }
0x6c: {  	v8 =	vadd.s32 v0, v5;
	_ =	sdelay $0x2  }
0x6d: {  	v4 =	vmax.f32 v4, v6  }
0x6e: {  	v4 =	vmax.f32 v4, v7  }
0x6f: {  	[tilespmem:v8+s22+$0x0] =	vst.idx.msk $0xffff, v4  }
0x70: {  	v4 =	vld [tilespmem:s30+$0x10]  }
0x71: {  	v6 =	vld [tilespmem:s30+$0x2010]  }
0x72: {  	v7 =	vld [tilespmem:s30+$0x4010]  }
0x73: {  	v8 =	vadd.s32 v1, v5;
	_ =	sdelay $0x2  }
0x74: {  	v4 =	vmax.f32 v4, v6  }
0x75: {  	v4 =	vmax.f32 v4, v7  }
0x76: {  	[tilespmem:v8+s22+$0x0] =	vst.idx.msk $0xffff, v4  }
0x77: {  	v4 =	vld [tilespmem:s30+$0x20]  }
0x78: {  	v6 =	vld [tilespmem:s30+$0x2020]  }
0x79: {  	v7 =	vld [tilespmem:s30+$0x4020]  }
0x7a: {  	v8 =	vadd.s32 v2, v5;
	_ =	sdelay $0x2  }
0x7b: {  	v4 =	vmax.f32 v4, v6  }
0x7c: {  	v4 =	vmax.f32 v4, v7  }
0x7d: {  	[tilespmem:v8+s22+$0x0] =	vst.idx.msk $0xffff, v4  }
0x7e: {  	v4 =	vld [tilespmem:s30+$0x30]  }
0x7f: {  	v6 =	vld [tilespmem:s30+$0x2030]  }
0x80: {  	v7 =	vld [tilespmem:s30+$0x4030]  }
0x81: {  	v5 =	vadd.s32 v3, v5;
	_ =	sdelay $0x2  }
0x82: {  	v4 =	vmax.f32 v4, v6  }
0x83: {  	v4 =	vmax.f32 v4, v7  }
0x84: {  	[tilespmem:v5+s22+$0x0] =	vst.idx.msk $0xffff, v4  }
0x85: {  	s15 =	sadd.s32 $0x1, s15;
	v5 =	vld [tilespmem:s30+$0x40]  }
0x86: {  	v4 =	vmov s15;
	v6 =	vld [tilespmem:s30+$0x2040]  }
0x87: {  	v4 =	vand.u32 $0x7F, v4;
	v7 =	vld [tilespmem:s30+$0x4040]  }
0x88: {  	v8 =	vadd.s32 v0, v4;
	_ =	sdelay $0x2  }
0x89: {  	v5 =	vmax.f32 v5, v6  }
0x8a: {  	v5 =	vmax.f32 v5, v7  }
0x8b: {  	[tilespmem:v8+s22+$0x0] =	vst.idx.msk $0xffff, v5  }
0x8c: {  	v5 =	vld [tilespmem:s30+$0x50]  }
0x8d: {  	v6 =	vld [tilespmem:s30+$0x2050]  }
0x8e: {  	v7 =	vld [tilespmem:s30+$0x4050]  }
0x8f: {  	v8 =	vadd.s32 v1, v4;
	_ =	sdelay $0x2  }
0x90: {  	v5 =	vmax.f32 v5, v6  }
0x91: {  	v5 =	vmax.f32 v5, v7  }
.Ltmp0:
0x92: {  	[tilespmem:v8+s22+$0x0] =	vst.idx.msk $0xffff, v5;
	(pc) =	sbr.rel @p0 .LBB2_3-.Ltmp0, $4  }
0x93: {  	v5 =	vld [tilespmem:s30+$0x60]  }
0x94: {  	v6 =	vld [tilespmem:s30+$0x2060]  }
0x95: {  	v7 =	vld [tilespmem:s30+$0x4060]  }
0x96: {  	v8 =	vadd.s32 v2, v4  }
0x97: {  	_ =	sdelay $0x1  }
0x98: {  	v5 =	vmax.f32 v5, v6  }
0x99: {  	v5 =	vmax.f32 v5, v7  }
0x9a: {  	[tilespmem:v8+s22+$0x0] =	vst.idx.msk $0xffff, v5  }
0x9b: {  	v5 =	vld [tilespmem:s0+$0x70]  }
0x9c: {  	v62 =	vld [tilespmem:s0+$0x2070]  }
0x9d: {  	v63 =	vld [tilespmem:s0+$0x4070]  }
0x9e: {  	v4 =	vadd.s32 v3, v4;
	_ =	sdelay $0x1  }
0x9f: {  	s15 =	sadd.s32 s3, s31  }
0xa0: {  	s0 =	sshll.u32 s15, $0xC;
	v5 =	vmax.f32 v5, v62  }
0xa1: {  	s1 =	simm.s32 $0xF000;
	s0 =	sadd.s32 s0, s8;
	v5 =	vmax.f32 v5, v63  }
0xa2: {  	s30 =	simm.s32 $0xF088;
	s15 =	simm.s32 $0x10;
	s31 =	sadd.s32 $0x0, s0;
	[tilespmem:v4+s22+$0x0] =	vst.idx.msk $0xffff, v5  }
.LBB2_5:
0xa3: {  	[hbm4b:s31+s2] =	stream.linear.scatter [tilespmem:s1], [sflag:$0x3], $0x80, $0x38;
	[tilespmem:$0x13400] =	vst v63  }
0xa4: {  	s31 =	smov.u32 s15;
	s1 =	smov.u32 s30;
	p0 =	sne.s32 s15, $0x3F0  }
.Ltmp1:
0xa5: {  	s15 =	sadd.s32 $0x10, s15;
	(pc) =	sbr.rel @p0 .LBB2_5-.Ltmp1, $2  }
0xa6: {  	_ =	sdelay $0x2  }
0xa7: {  	s30 =	sadd.s32 $0x88, s30;
	s31 =	sadd.s32 s31, s0  }
0xa8: {  	[hbm4b:s31+s2] =	stream.linear.scatter [tilespmem:s1], [sflag:$0x3], $0x80, $0x38;
	[tilespmem:$0x13400] =	vst v63  }
0xa9: {  	_ =	swait.ge [sflag:s12], $0x2000  }
0xaa: {  	[sflag:s12] =	ssyncset.done $0x0  }
0xab: {  	[sflag:s12] =	ssyncadd.s32 $0xFFFFE000  }
0xac: {  	_ =	swait.ge [sflag:s23], $0x2000  }
0xad: {  	[sflag:s23] =	ssyncset.done $0x0  }
0xae: {  	[sflag:s23] =	ssyncadd.s32 $0xFFFFE000  }
0xaf: {  	_ =	swait.ge [sflag:s23], $0x2000  }
0xb0: {  	[sflag:s23] =	ssyncset.done $0x0  }
0xb1: {  	[sflag:s23] =	ssyncadd.s32 $0xFFFFE000  }
0xb2: {  	p0 =	seq.s32 s26, $0xF;
	_ =	swait.ge [sflag:s23], $0x2000  }
0xb3: {  	s0 =	sadd.s32 @!p0 $0x100, s29;
	[sflag:s23] =	ssyncset.done $0x0  }
0xb4: {  	s1 =	simm.s32 @!p0 $0x80;
	s15 =	simm.s32 @!p0 $0x3000;
	[sflag:s23] =	ssyncadd.s32 $0xFFFFE000  }
0xb5: {  	[tilespmem:s15], [sflag:$0x1] =	stream.indirect.gather @!p0 [hbm4b:s7+s1], $0x40, s0, s1, $0xb8;
	[tilespmem:$0x13400] =	vst v63  }
0xb6: {  	s0 =	sadd.s32 @!p0 $0x1100, s29;
	s15 =	simm.s32 @!p0 $0x5000  }
0xb7: {  	[tilespmem:s15], [sflag:$0x1] =	stream.indirect.gather @!p0 [hbm4b:s7+s1], $0x40, s0, s1, $0xb8;
	[tilespmem:$0x13400] =	vst v63  }
0xb8: {  	s0 =	sadd.s32 @!p0 $0x2100, s29;
	s15 =	simm.s32 @!p0 $0x7000;
	s29 =	simm.s32 $0x9000  }
0xb9: {  	[tilespmem:s15], [sflag:$0x1] =	stream.indirect.gather @!p0 [hbm4b:s7+s1], $0x40, s0, s1, $0xb8;
	[tilespmem:$0x13400] =	vst v63  }
0xba: {  	s30 =	simm.s32 $0x0;
	v4 =	vld [tilespmem:s29+$0x0]  }
0xbb: {  	v5 =	vmov s30;
	v6 =	vld [tilespmem:s29+$0x2000]  }
0xbc: {  	v5 =	vand.u32 $0x7E, v5;
	v7 =	vld [tilespmem:s29+$0x4000]  }
0xbd: {  	v8 =	vadd.s32 v0, v5;
	_ =	sdelay $0x2  }
0xbe: {  	v4 =	vmax.f32 v4, v6  }
0xbf: {  	v4 =	vmax.f32 v4, v7  }
0xc0: {  	[tilespmem:v8+s24+$0x0] =	vst.idx.msk $0xffff, v4  }
0xc1: {  	v4 =	vld [tilespmem:s29+$0x10]  }
0xc2: {  	v6 =	vld [tilespmem:s29+$0x2010]  }
0xc3: {  	v7 =	vld [tilespmem:s29+$0x4010]  }
0xc4: {  	v8 =	vadd.s32 v1, v5;
	_ =	sdelay $0x2  }
0xc5: {  	v4 =	vmax.f32 v4, v6  }
0xc6: {  	v4 =	vmax.f32 v4, v7  }
0xc7: {  	[tilespmem:v8+s24+$0x0] =	vst.idx.msk $0xffff, v4  }
0xc8: {  	v4 =	vld [tilespmem:s29+$0x20]  }
0xc9: {  	v6 =	vld [tilespmem:s29+$0x2020]  }
0xca: {  	v7 =	vld [tilespmem:s29+$0x4020]  }
0xcb: {  	v8 =	vadd.s32 v2, v5;
	_ =	sdelay $0x2  }
0xcc: {  	v4 =	vmax.f32 v4, v6  }
0xcd: {  	v4 =	vmax.f32 v4, v7  }
0xce: {  	[tilespmem:v8+s24+$0x0] =	vst.idx.msk $0xffff, v4  }
0xcf: {  	v4 =	vld [tilespmem:s29+$0x30]  }
0xd0: {  	v6 =	vld [tilespmem:s29+$0x2030]  }
0xd1: {  	v7 =	vld [tilespmem:s29+$0x4030]  }
0xd2: {  	v5 =	vadd.s32 v3, v5;
	_ =	sdelay $0x2  }
0xd3: {  	v4 =	vmax.f32 v4, v6  }
0xd4: {  	v4 =	vmax.f32 v4, v7  }
0xd5: {  	[tilespmem:v5+s24+$0x0] =	vst.idx.msk $0xffff, v4  }
0xd6: {  	s31 =	simm.s32 $0x1;
	v5 =	vld [tilespmem:s29+$0x40]  }
0xd7: {  	v4 =	vmov s31;
	v6 =	vld [tilespmem:s29+$0x2040]  }
0xd8: {  	v7 =	vld [tilespmem:s29+$0x4040];
	v4 =	vand.u32 $0x7F, v4  }
0xd9: {  	v8 =	vadd.s32 v0, v4;
	_ =	sdelay $0x2  }
0xda: {  	v5 =	vmax.f32 v5, v6  }
0xdb: {  	v5 =	vmax.f32 v5, v7  }
0xdc: {  	[tilespmem:v8+s24+$0x0] =	vst.idx.msk $0xffff, v5  }
0xdd: {  	v5 =	vld [tilespmem:s29+$0x50]  }
0xde: {  	v6 =	vld [tilespmem:s29+$0x2050]  }
0xdf: {  	v7 =	vld [tilespmem:s29+$0x4050]  }
0xe0: {  	v8 =	vadd.s32 v1, v4;
	_ =	sdelay $0x2  }
0xe1: {  	v5 =	vmax.f32 v5, v6  }
0xe2: {  	v5 =	vmax.f32 v5, v7  }
0xe3: {  	[tilespmem:v8+s24+$0x0] =	vst.idx.msk $0xffff, v5  }
0xe4: {  	v5 =	vld [tilespmem:s29+$0x60]  }
0xe5: {  	v6 =	vld [tilespmem:s29+$0x2060]  }
0xe6: {  	v7 =	vld [tilespmem:s29+$0x4060]  }
0xe7: {  	s1 =	simm.s32 $0x2;
	s0 =	simm.s32 $0x9000;
	v8 =	vadd.s32 v2, v4  }
.LBB2_7:
0xe8: {  	p0 =	slt.u32 s1, $0x7E  }
0xe9: {  	s29 =	sadd.s32 $0x80, s29;
	s15 =	smov.u32 s1;
	s1 =	sadd.s32 $0x2, s1  }
0xea: {  	v5 =	vmax.f32 v5, v6  }
0xeb: {  	v5 =	vmax.f32 v5, v7  }
0xec: {  	v4 =	vadd.s32 v3, v4;
	[tilespmem:v8+s24+$0x0] =	vst.idx.msk $0xffff, v5  }
0xed: {  	v5 =	vld [tilespmem:s0+$0x70]  }
0xee: {  	v6 =	vld [tilespmem:s0+$0x2070]  }
0xef: {  	v7 =	vld [tilespmem:s0+$0x4070];
	s0 =	smov.u32 s29;
	_ =	sdelay $0x3  }
0xf0: {  	v5 =	vmax.f32 v5, v6  }
0xf1: {  	v5 =	vmax.f32 v5, v7  }
0xf2: {  	[tilespmem:v4+s24+$0x0] =	vst.idx.msk $0xffff, v5  }
0xf3: {  	v4 =	vld [tilespmem:s29+$0x0]  }
0xf4: {  	v5 =	vmov s15;
	v6 =	vld [tilespmem:s29+$0x2000]  }
0xf5: {  	v5 =	vand.u32 $0x7E, v5;
	v7 =	vld [tilespmem:s29+$0x4000]  }
0xf6: {  	v8 =	vadd.s32 v0, v5;
	_ =	sdelay $0x2  }
0xf7: {  	v4 =	vmax.f32 v4, v6  }
0xf8: {  	v4 =	vmax.f32 v4, v7  }
0xf9: {  	[tilespmem:v8+s24+$0x0] =	vst.idx.msk $0xffff, v4  }
0xfa: {  	v4 =	vld [tilespmem:s29+$0x10]  }
0xfb: {  	v6 =	vld [tilespmem:s29+$0x2010]  }
0xfc: {  	v7 =	vld [tilespmem:s29+$0x4010]  }
0xfd: {  	v8 =	vadd.s32 v1, v5;
	_ =	sdelay $0x2  }
0xfe: {  	v4 =	vmax.f32 v4, v6  }
0xff: {  	v4 =	vmax.f32 v4, v7  }
0x100: {  	[tilespmem:v8+s24+$0x0] =	vst.idx.msk $0xffff, v4  }
0x101: {  	v4 =	vld [tilespmem:s29+$0x20]  }
0x102: {  	v6 =	vld [tilespmem:s29+$0x2020]  }
0x103: {  	v7 =	vld [tilespmem:s29+$0x4020]  }
0x104: {  	v8 =	vadd.s32 v2, v5;
	_ =	sdelay $0x2  }
0x105: {  	v4 =	vmax.f32 v4, v6  }
0x106: {  	v4 =	vmax.f32 v4, v7  }
0x107: {  	[tilespmem:v8+s24+$0x0] =	vst.idx.msk $0xffff, v4  }
0x108: {  	v4 =	vld [tilespmem:s29+$0x30]  }
0x109: {  	v6 =	vld [tilespmem:s29+$0x2030]  }
0x10a: {  	v7 =	vld [tilespmem:s29+$0x4030]  }
0x10b: {  	v5 =	vadd.s32 v3, v5;
	_ =	sdelay $0x2  }
0x10c: {  	v4 =	vmax.f32 v4, v6  }
0x10d: {  	v4 =	vmax.f32 v4, v7  }
0x10e: {  	[tilespmem:v5+s24+$0x0] =	vst.idx.msk $0xffff, v4  }
0x10f: {  	s15 =	sadd.s32 $0x1, s15;
	v5 =	vld [tilespmem:s29+$0x40]  }
0x110: {  	v4 =	vmov s15;
	v6 =	vld [tilespmem:s29+$0x2040]  }
0x111: {  	v4 =	vand.u32 $0x7F, v4;
	v7 =	vld [tilespmem:s29+$0x4040]  }
0x112: {  	v8 =	vadd.s32 v0, v4;
	_ =	sdelay $0x2  }
0x113: {  	v5 =	vmax.f32 v5, v6  }
0x114: {  	v5 =	vmax.f32 v5, v7  }
0x115: {  	[tilespmem:v8+s24+$0x0] =	vst.idx.msk $0xffff, v5  }
0x116: {  	v5 =	vld [tilespmem:s29+$0x50]  }
0x117: {  	v6 =	vld [tilespmem:s29+$0x2050]  }
0x118: {  	v7 =	vld [tilespmem:s29+$0x4050]  }
0x119: {  	v8 =	vadd.s32 v1, v4;
	_ =	sdelay $0x2  }
0x11a: {  	v5 =	vmax.f32 v5, v6  }
0x11b: {  	v5 =	vmax.f32 v5, v7  }
.Ltmp2:
0x11c: {  	[tilespmem:v8+s24+$0x0] =	vst.idx.msk $0xffff, v5;
	(pc) =	sbr.rel @p0 .LBB2_7-.Ltmp2, $4  }
0x11d: {  	v5 =	vld [tilespmem:s29+$0x60]  }
0x11e: {  	v6 =	vld [tilespmem:s29+$0x2060]  }
0x11f: {  	v7 =	vld [tilespmem:s29+$0x4060]  }
0x120: {  	v8 =	vadd.s32 v2, v4  }
0x121: {  	_ =	sdelay $0x1  }
0x122: {  	v5 =	vmax.f32 v5, v6  }
0x123: {  	v5 =	vmax.f32 v5, v7  }
0x124: {  	[tilespmem:v8+s24+$0x0] =	vst.idx.msk $0xffff, v5  }
0x125: {  	v5 =	vld [tilespmem:s0+$0x70]  }
0x126: {  	v62 =	vld [tilespmem:s0+$0x2070]  }
0x127: {  	v63 =	vld [tilespmem:s0+$0x4070]  }
0x128: {  	v4 =	vadd.s32 v3, v4;
	_ =	sdelay $0x1  }
0x129: {  	s31 =	sadd.s32 s3, s28  }
0x12a: {  	s0 =	sshll.u32 s31, $0xC;
	v5 =	vmax.f32 v5, v62  }
0x12b: {  	s1 =	simm.s32 $0x11200;
	s0 =	sadd.s32 s0, s8;
	v5 =	vmax.f32 v5, v63  }
0x12c: {  	s15 =	simm.s32 $0x10;
	s28 =	simm.s32 $0x11288;
	s29 =	sadd.s32 $0x0, s0;
	[tilespmem:v4+s24+$0x0] =	vst.idx.msk $0xffff, v5  }
.LBB2_9:
0x12d: {  	[hbm4b:s29+s2] =	stream.linear.scatter [tilespmem:s1], [sflag:$0x3], $0x80, $0x38;
	[tilespmem:$0x13400] =	vst v63  }
0x12e: {  	s29 =	smov.u32 s15;
	s1 =	smov.u32 s28;
	p0 =	sne.s32 s15, $0x3F0  }
.Ltmp3:
0x12f: {  	s15 =	sadd.s32 $0x10, s15;
	(pc) =	sbr.rel @p0 .LBB2_9-.Ltmp3, $2  }
0x130: {  	_ =	sdelay $0x2  }
0x131: {  	s28 =	sadd.s32 $0x88, s28;
	s29 =	sadd.s32 s29, s0  }
0x132: {  	s26 =	sadd.s32 $0x1, s26  }
0x133: {  	p0 =	sne.s32 s26, $0x10  }
.Ltmp4:
0x134: {  	_ = 	snop;
	(pc) =	sbr.rel @p0 .LBB2_2-.Ltmp4, $4  }
0x135: {  	[hbm4b:s29+s2] =	stream.linear.scatter [tilespmem:s1], [sflag:$0x3], $0x80, $0x38;
	[tilespmem:$0x13400] =	vst v63  }
0x136: {  	_ =	swait.ge [sflag:s12], $0x2000  }
0x137: {  	[sflag:s12] =	ssyncset.done $0x0  }
0x138: {  	[sflag:s12] =	ssyncadd.s32 $0xFFFFE000  }
0x139: {  	s25 =	sadd.s32 $0x1, s25  }
0x13a: {  	p0 =	sne.s32 s25, s9  }
.Ltmp5:
0x13b: {  	_ = 	snop;
	(pc) =	sbr.rel @p0 .LBB2_1-.Ltmp5, $1  }
0x13c: {  	_ =	sdelay $0x3  }
0x13d: {  	_ =	sfence.sel $0x180000  }
0x13e: {  	[bflag:$0x0] =	sbarrier.arrive $0xFFFF  }
0x13f: {  	_ =	strace $0x90000047  }
0x140: {  	s0 =	stileid.u32;
	[bflag:$0x2] =	sbarrier.arrive $0xFFFF  }
0x141: {  	p0 =	sne.s32 s0, $0x0;
	s0 =	rddreg [dreg:$0x3]  }
0x142: {  	s0 =	sadd.s32 @!p0 $0x100000, s0  }
0x143: {  	[sflag:s0] =	ssyncadd.tile.s32 @!p0 $0x1;
	_ =	shalt  }
.Lfunc_end2:
_tile_overlayer_lowered:
.L_overlay_start_2:
0x144: {  	(tag) =	ssettag $0x2  }
0x145: {  	s0 =	rddreg [dreg:$0x0];
	s2 =	stileid.u32  }
0x146: {  	s1 =	rddreg [dreg:$0x1];
	p0 =	sne.s32 s2, $0x0  }
0x147: {  	s3 =	rddreg [dreg:$0x2];
	[bflag:$0x3] =	sbarrier.arrive $0xFFFF;
	s2 =	simm.s32 @!p0 $0x1C03  }
0x148: {  	[timem:s3], [sflag:s2] =	dma.local @!p0 [hbm:s0], s1  }
0x149: {  	s0 =	simm.s32 @!p0 $0x3  }
0x14a: {  	_ =	swait.ge @!p0 [sflag:s0], s1  }
0x14b: {  	s1 =	ssub.s32 @!p0 $0x0, s1;
	[sflag:s0] =	ssyncset.done @!p0 $0x0  }
0x14c: {  	[sflag:s0] =	ssyncadd.s32 @!p0 s1  }
0x14d: {  	[bflag:$0x3] =	sbarrier.arrive $0xFFFF  }
0x14e: {  	_ =	shalt  }

</sc_bundles>
